<compile_context>
chip_gen: v7x
topology: tpu7x:2x2x1
jax: 0.10.2.dev20260603
libtpu: 0.0.44.dev20260713+nightly
codegen_flags: <defaults>
</compile_context>

<pallas_src>
import functools

import jax
import jax.numpy as jnp
from jax import lax
from jax.experimental import pallas as pl
from jax.experimental.pallas import tpu as pltpu
from jax.experimental.pallas import tpu_sc as plsc

N = 10000
E = 320000
D_IN = 128
D_HID = 128
N_CLASSES = 64
DH = 64

NC = 2
NS = 16
NW = NC * NS
CH = 128
NCHUNK = E // CH
K = NCHUNK // NW
NEXTRA = NCHUNK - K * NW
NACC = 10112
GZ = NACC // NS

DPA = 80
DPB = 64
DP2 = N_CLASSES

BR = 2000


NBUF = 4
KMAIN = (K // NBUF) * NBUF


def _sc_agg_body(dp, g_hbm, src_hbm, dst_hbm, zeros_hbm, out_a, out_b,
                 src_v, dst_v, b0, b1, b2, b3, acc,
                 zsem, g0, g1, g2, g3, s0, s1, s2, s3):
    bufs = (b0, b1, b2, b3)
    gsems = (g0, g1, g2, g3)
    ssems = (s0, s1, s2, s3)
    cid = lax.axis_index("c")
    sid = lax.axis_index("s")
    wid = sid * NC + cid
    rows = pl.ds(sid * GZ, GZ)
    lo = wid * K

    pltpu.async_copy(zeros_hbm.at[rows], acc.at[rows], zsem)
    pltpu.sync_copy(src_hbm.at[pl.ds(lo, K)], src_v.at[pl.ds(0, K)])
    pltpu.sync_copy(dst_hbm.at[pl.ds(lo, K)], dst_v.at[pl.ds(0, K)])

    @pl.when(wid < NEXTRA)
    def _():
        pltpu.sync_copy(src_hbm.at[pl.ds(NW * K + wid, 1)],
                        src_v.at[pl.ds(K, 1)])
        pltpu.sync_copy(dst_hbm.at[pl.ds(NW * K + wid, 1)],
                        dst_v.at[pl.ds(K, 1)])

    for b in range(NBUF):
        pltpu.async_copy(g_hbm.at[src_v.at[b]], bufs[b], gsems[b])
    pltpu.make_async_copy(zeros_hbm.at[rows], acc.at[rows], zsem).wait()
    plsc.subcore_barrier()

    @pl.loop(0, KMAIN, step=NBUF)
    def _(j):
        for b in range(NBUF):
            pltpu.make_async_copy(g_hbm.at[src_v.at[j + b]], bufs[b],
                                  gsems[b]).wait()
            pltpu.async_copy(bufs[b], acc.at[dst_v.at[j + b]], ssems[b],
                             add=True)
        for b in range(NBUF):
            @pl.when(j + NBUF + b < KMAIN)
            def _(b=b):
                pltpu.make_async_copy(bufs[b], acc.at[dst_v.at[j + b]],
                                      ssems[b]).wait()
                pltpu.async_copy(g_hbm.at[src_v.at[j + NBUF + b]], bufs[b],
                                 gsems[b])

    for b in range(NBUF):
        pltpu.make_async_copy(bufs[b], acc.at[dst_v.at[b]], ssems[b]).wait()

    for t, b in enumerate(range(K - KMAIN)):
        pltpu.async_copy(g_hbm.at[src_v.at[KMAIN + t]], bufs[b], gsems[b])
    for t, b in enumerate(range(K - KMAIN)):
        pltpu.make_async_copy(g_hbm.at[src_v.at[KMAIN + t]], bufs[b],
                              gsems[b]).wait()
        pltpu.sync_copy(bufs[b], acc.at[dst_v.at[KMAIN + t]], add=True)

    @pl.when(wid < NEXTRA)
    def _():
        pltpu.async_copy(g_hbm.at[src_v.at[K]], bufs[0], gsems[0])
        pltpu.make_async_copy(g_hbm.at[src_v.at[K]], bufs[0], gsems[0]).wait()
        pltpu.sync_copy(bufs[0], acc.at[dst_v.at[K]], add=True)

    plsc.subcore_barrier()

    @pl.when(cid == 0)
    def _():
        pltpu.sync_copy(acc.at[pl.ds(sid * GZ, GZ)], out_a.at[pl.ds(sid * GZ, GZ)])

    @pl.when(cid == 1)
    def _():
        pltpu.sync_copy(acc.at[pl.ds(sid * GZ, GZ)], out_b.at[pl.ds(sid * GZ, GZ)])


def _sc_aggregate(dp, g, src_r, dst_r, zeros):
    assert K - KMAIN <= NBUF
    mesh = plsc.VectorSubcoreMesh(core_axis_name="c", subcore_axis_name="s")
    part = jax.ShapeDtypeStruct((NACC, dp), jnp.float32)
    kern = pl.kernel(
        functools.partial(_sc_agg_body, dp),
        out_type=(part, part),
        mesh=mesh,
        scratch_types=(
            [pltpu.VMEM((K + 1, CH), jnp.int32),
             pltpu.VMEM((K + 1, CH), jnp.int32)]
            + [pltpu.VMEM((CH, dp), jnp.float32) for _ in range(NBUF)]
            + [pltpu.VMEM_SHARED((NACC, dp), jnp.float32)]
            + [pltpu.SemaphoreType.DMA for _ in range(2 * NBUF + 1)]
        ),
        name=f"sc_segsum_d{dp}",
        compiler_params=pltpu.CompilerParams(use_tc_tiling_on_sc=False),
    )
    return kern(g, src_r, dst_r, zeros)


def _mm_aug_kernel(x_ref, wa_ref, wb_ref, oa_ref, ob_ref):
    x = x_ref[...]
    ya = jnp.dot(x, wa_ref[...], preferred_element_type=jnp.float32,
                 precision=lax.Precision.HIGHEST)
    col = lax.broadcasted_iota(jnp.int32, (BR, DPA), 1)
    oa_ref[...] = ya + jnp.where(col == DH, 1.0, 0.0).astype(jnp.float32)
    ob_ref[...] = jnp.dot(x, wb_ref[...], preferred_element_type=jnp.float32,
                          precision=lax.Precision.HIGHEST)


def _stage2_kernel(saa_ref, sba_ref, sab_ref, sbb_ref, g1a_ref, g1b_ref,
                   b1_ref, w2_ref, g2_ref, inv_ref):
    ma = saa_ref[...] + sba_ref[...]
    mb = sab_ref[...] + sbb_ref[...]
    deg = ma[:, DH:DH + 1]
    inv = 1.0 / (deg + 1.0)
    agg = jnp.concatenate(
        [ma[:, :DH] + g1a_ref[:, :DH], mb + g1b_ref[...]], axis=1)
    h = jnp.maximum(agg * inv + b1_ref[...], 0.0)
    g2_ref[...] = jnp.dot(h, w2_ref[...], preferred_element_type=jnp.float32,
                          precision=lax.Precision.HIGHEST)
    inv_ref[...] = inv


def _stage3_kernel(sa_ref, sb_ref, g2_ref, inv_ref, b2_ref, o_ref):
    o_ref[...] = ((sa_ref[...] + sb_ref[...] + g2_ref[...]) * inv_ref[...]
                  + b2_ref[...])


def kernel(features, edge_index, W1, b1, W2, b2):
    src_r = edge_index[0].reshape(NCHUNK, CH)
    dst_r = edge_index[1].reshape(NCHUNK, CH)
    zeros_a = jnp.zeros((NACC, DPA), jnp.float32)
    zeros_b = jnp.zeros((NACC, DPB), jnp.float32)
    w1a = jnp.pad(W1[:, :DH], ((0, 0), (0, DPA - DH)))
    w1b = W1[:, DH:]
    b1r = b1.reshape(1, D_HID)
    b2r = b2.reshape(1, N_CLASSES)

    grid = N // BR

    g1a, g1b = pl.pallas_call(
        _mm_aug_kernel,
        grid=(grid,),
        in_specs=[
            pl.BlockSpec((BR, D_IN), lambda i: (i, 0)),
            pl.BlockSpec((D_IN, DPA), lambda i: (0, 0)),
            pl.BlockSpec((D_IN, DPB), lambda i: (0, 0)),
        ],
        out_specs=[
            pl.BlockSpec((BR, DPA), lambda i: (i, 0)),
            pl.BlockSpec((BR, DPB), lambda i: (i, 0)),
        ],
        out_shape=[
            jax.ShapeDtypeStruct((N, DPA), jnp.float32),
            jax.ShapeDtypeStruct((N, DPB), jnp.float32),
        ],
    )(features, w1a, w1b)

    saa, sba = _sc_aggregate(DPA, g1a, src_r, dst_r, zeros_a)
    sab, sbb = _sc_aggregate(DPB, g1b, src_r, dst_r, zeros_b)

    g2, inv = pl.pallas_call(
        _stage2_kernel,
        grid=(grid,),
        in_specs=[
            pl.BlockSpec((BR, DPA), lambda i: (i, 0)),
            pl.BlockSpec((BR, DPA), lambda i: (i, 0)),
            pl.BlockSpec((BR, DPB), lambda i: (i, 0)),
            pl.BlockSpec((BR, DPB), lambda i: (i, 0)),
            pl.BlockSpec((BR, DPA), lambda i: (i, 0)),
            pl.BlockSpec((BR, DPB), lambda i: (i, 0)),
            pl.BlockSpec((1, D_HID), lambda i: (0, 0)),
            pl.BlockSpec((D_HID, N_CLASSES), lambda i: (0, 0)),
        ],
        out_specs=[
            pl.BlockSpec((BR, N_CLASSES), lambda i: (i, 0)),
            pl.BlockSpec((BR, 1), lambda i: (i, 0)),
        ],
        out_shape=[
            jax.ShapeDtypeStruct((N, N_CLASSES), jnp.float32),
            jax.ShapeDtypeStruct((N, 1), jnp.float32),
        ],
    )(saa, sba, sab, sbb, g1a, g1b, b1r, W2)

    sa2, sb2 = _sc_aggregate(DP2, g2, src_r, dst_r, zeros_b)

    out = pl.pallas_call(
        _stage3_kernel,
        grid=(grid,),
        in_specs=[
            pl.BlockSpec((BR, N_CLASSES), lambda i: (i, 0)),
            pl.BlockSpec((BR, N_CLASSES), lambda i: (i, 0)),
            pl.BlockSpec((BR, N_CLASSES), lambda i: (i, 0)),
            pl.BlockSpec((BR, 1), lambda i: (i, 0)),
            pl.BlockSpec((1, N_CLASSES), lambda i: (0, 0)),
        ],
        out_specs=pl.BlockSpec((BR, N_CLASSES), lambda i: (i, 0)),
        out_shape=jax.ShapeDtypeStruct((N, N_CLASSES), jnp.float32),
    )(sa2, sb2, g2, inv, b2r)

    return out

# --- scband reference (transcript-rebuilt; emitter-appended) ---
"""Pipeline reference for scband-graph-sage-72739566125841 (READ-ONLY COPY).

The authoritative reference and input builder live on the scoring server;
editing this copy changes nothing except your own understanding.
"""

import jax, jax.numpy as jnp
import numpy as np

N = 10000
E = 320000
D_IN = 128
D_HID = 128
N_CLASSES = 64


def setup_inputs(seed: int = 0) -> dict:
    key = jax.random.key(seed)
    k1, k2, k3, k4 = jax.random.split(key, 4)
    features = jax.random.normal(k1, (N, D_IN), dtype=jnp.float32)
    edge_index = jax.random.randint(k2, (2, E), 0, N, dtype=jnp.int32)
    # SAGEConv (gcn aggregator) learned params: fc_neigh weight + bias per layer
    W1 = jax.random.normal(k3, (D_IN, D_HID), dtype=jnp.float32) * (1.0 / np.sqrt(D_IN))
    b1 = jnp.zeros((D_HID,), dtype=jnp.float32)
    W2 = jax.random.normal(k4, (D_HID, N_CLASSES), dtype=jnp.float32) * (1.0 / np.sqrt(D_HID))
    b2 = jnp.zeros((N_CLASSES,), dtype=jnp.float32)
    return {"features": features, "edge_index": edge_index, "W1": W1, "b1": b1, "W2": W2, "b2": b2}


def _sage_gcn_layer(h, src, dst, W, b):
    # DGL SAGEConv with aggregator_type='gcn':
    # h_i' = fc_neigh( (sum_{j in N(i)} h_j + h_i) / (deg_i + 1) )
    msg = jax.ops.segment_sum(h[src], dst, num_segments=N)
    deg = jax.ops.segment_sum(jnp.ones((src.shape[0],), dtype=h.dtype), dst, num_segments=N)
    agg = (msg + h) / (deg[:, None] + 1.0)
    return agg @ W + b


def reference(features, edge_index, W1, b1, W2, b2):
    src = edge_index[0]
    dst = edge_index[1]
    # layer 1: in_feats -> n_hidden, relu activation; dropout is identity in eval mode
    h = _sage_gcn_layer(features, src, dst, W1, b1)
    h = jax.nn.relu(h)
    # layer 2: n_hidden -> n_classes, no activation
    h = _sage_gcn_layer(h, src, dst, W2, b2)
    return h

if __name__ == "__main__":
    import jax
    _d = setup_inputs()
    print(jax.jit(kernel)(*tuple(_d.values())))

</pallas_src>

<mosaic_0001>
#map = affine_map<(d0, d1) -> (0, 0)>
module attributes {stable_mosaic.version = 14 : i64} {
  func.func @sc_segsum_d64(%arg0: i32, %arg1: i32, %arg2: memref<10000x64xf32, #tpu.memory_space<hbm>>, %arg3: memref<2500x128xi32, #tpu.memory_space<hbm>>, %arg4: memref<2500x128xi32, #tpu.memory_space<hbm>>, %arg5: memref<10112x64xf32, #tpu.memory_space<hbm>>, %arg6: memref<10112x64xf32, #tpu.memory_space<hbm>>, %arg7: memref<10112x64xf32, #tpu.memory_space<hbm>>, %arg8: memref<79x128xi32, #tpu.memory_space<vmem>>, %arg9: memref<79x128xi32, #tpu.memory_space<vmem>>, %arg10: memref<128x64xf32, #tpu.memory_space<vmem>>, %arg11: memref<128x64xf32, #tpu.memory_space<vmem>>, %arg12: memref<128x64xf32, #tpu.memory_space<vmem>>, %arg13: memref<128x64xf32, #tpu.memory_space<vmem>>, %arg14: memref<10112x64xf32, #tpu.memory_space<vmem_shared>>, %arg15: memref<!tpu.dma_semaphore, #tpu.memory_space<semaphore_mem>>, %arg16: memref<!tpu.dma_semaphore, #tpu.memory_space<semaphore_mem>>, %arg17: memref<!tpu.dma_semaphore, #tpu.memory_space<semaphore_mem>>, %arg18: memref<!tpu.dma_semaphore, #tpu.memory_space<semaphore_mem>>, %arg19: memref<!tpu.dma_semaphore, #tpu.memory_space<semaphore_mem>>, %arg20: memref<!tpu.dma_semaphore, #tpu.memory_space<semaphore_mem>>, %arg21: memref<!tpu.dma_semaphore, #tpu.memory_space<semaphore_mem>>, %arg22: memref<!tpu.dma_semaphore, #tpu.memory_space<semaphore_mem>>, %arg23: memref<!tpu.dma_semaphore, #tpu.memory_space<semaphore_mem>>) attributes {dimension_semantics = [#tpu.dimension_semantics<core_parallel>, #tpu.dimension_semantics<subcore_parallel>], iteration_bounds = array<i64: 2, 16>, scalar_prefetch = 0 : i64, scratch_operands = 16 : i64, tpu.core_type = #tpu.core_type<sc_vector_subcore>, window_params = [{transform_indices = #map}, {transform_indices = #map}, {transform_indices = #map}, {transform_indices = #map}, {transform_indices = #map}, {transform_indices = #map}]} {
    %mul3A = arith.constant 2 : i32
    %mul3A_0 = arith.muli %arg1, %mul3A : i32
    %add3A = arith.addi %mul3A_0, %arg0 : i32
    %mul3A_1 = arith.constant 632 : i32
    %mul3A_2 = arith.muli %arg1, %mul3A_1 : i32
    %mul3A_3 = arith.constant 78 : i32
    %mul3A_4 = arith.muli %add3A, %mul3A_3 : i32
    %dma_start3A = arith.constant 0 : i32
    %dma_start3A_5 = tpu.memref_slice %arg14[%mul3A_2, %dma_start3A] : memref<10112x64xf32, #tpu.memory_space<vmem_shared>> -> memref<632x64xf32, #tpu.memory_space<vmem_shared>>
    %dma_start3A_6 = arith.constant 0 : i32
    %dma_start3A_7 = tpu.memref_slice %arg5[%mul3A_2, %dma_start3A_6] : memref<10112x64xf32, #tpu.memory_space<hbm>> -> memref<632x64xf32, #tpu.memory_space<hbm>>
    tpu.enqueue_dma source(%dma_start3A_7 : memref<632x64xf32, #tpu.memory_space<hbm>>) target(%dma_start3A_5 : memref<632x64xf32, #tpu.memory_space<vmem_shared>>) target_semaphore(%arg15 : memref<!tpu.dma_semaphore, #tpu.memory_space<semaphore_mem>>)
    "tpu.region"() ({
      %run_scoped3A_117 = tpu.sem_alloc : memref<!tpu.dma_semaphore, #tpu.memory_space<semaphore_mem>>
      %dma_start3A_118 = arith.constant 0 : i32
      %dma_start3A_119 = arith.constant 0 : i32
      %dma_start3A_120 = tpu.memref_slice %arg8[%dma_start3A_118, %dma_start3A_119] : memref<79x128xi32, #tpu.memory_space<vmem>> -> memref<78x128xi32, #tpu.memory_space<vmem>>
      %dma_start3A_121 = arith.constant 0 : i32
      %dma_start3A_122 = tpu.memref_slice %arg3[%mul3A_4, %dma_start3A_121] : memref<2500x128xi32, #tpu.memory_space<hbm>> -> memref<78x128xi32, #tpu.memory_space<hbm>>
      %dma_start3A_123 = arith.constant 0 : i32
      %dma_start3A_124 = arith.constant 0 : i32
      %dma_start3A_125 = tpu.memref_slice %arg8[%dma_start3A_123, %dma_start3A_124] : memref<79x128xi32, #tpu.memory_space<vmem>> -> memref<78x128xi32, #tpu.memory_space<vmem>>
      %dma_start3A_126 = arith.constant 0 : i32
      %dma_start3A_127 = tpu.memref_slice %arg3[%mul3A_4, %dma_start3A_126] : memref<2500x128xi32, #tpu.memory_space<hbm>> -> memref<78x128xi32, #tpu.memory_space<hbm>>
      tpu.enqueue_dma source(%dma_start3A_127 : memref<78x128xi32, #tpu.memory_space<hbm>>) target(%dma_start3A_125 : memref<78x128xi32, #tpu.memory_space<vmem>>) target_semaphore(%run_scoped3A_117 : memref<!tpu.dma_semaphore, #tpu.memory_space<semaphore_mem>>)
      %dma_wait3A_128 = arith.constant 0 : i32
      %dma_wait3A_129 = arith.constant 0 : i32
      %dma_wait3A_130 = tpu.memref_slice %arg8[%dma_wait3A_128, %dma_wait3A_129] : memref<79x128xi32, #tpu.memory_space<vmem>> -> memref<78x128xi32, #tpu.memory_space<vmem>>
      %dma_wait3A_131 = arith.constant 0 : i32
      %dma_wait3A_132 = tpu.memref_slice %arg3[%mul3A_4, %dma_wait3A_131] : memref<2500x128xi32, #tpu.memory_space<hbm>> -> memref<78x128xi32, #tpu.memory_space<hbm>>
      %dma_wait3A_133 = arith.constant 0 : i32
      %dma_wait3A_134 = arith.constant 0 : i32
      %dma_wait3A_135 = tpu.memref_slice %arg8[%dma_wait3A_133, %dma_wait3A_134] : memref<79x128xi32, #tpu.memory_space<vmem>> -> memref<78x128xi32, #tpu.memory_space<vmem>>
      %dma_wait3A_136 = arith.constant 0 : i32
      %dma_wait3A_137 = tpu.memref_slice %arg3[%mul3A_4, %dma_wait3A_136] : memref<2500x128xi32, #tpu.memory_space<hbm>> -> memref<78x128xi32, #tpu.memory_space<hbm>>
      tpu.wait_dma2 semaphore(%run_scoped3A_117 : memref<!tpu.dma_semaphore, #tpu.memory_space<semaphore_mem>>) src(%dma_wait3A_137 : memref<78x128xi32, #tpu.memory_space<hbm>>) dst(%dma_wait3A_135 : memref<78x128xi32, #tpu.memory_space<vmem>>)
      tpu.yield
    }) : () -> ()
    "tpu.region"() ({
      %run_scoped3A_117 = tpu.sem_alloc : memref<!tpu.dma_semaphore, #tpu.memory_space<semaphore_mem>>
      %dma_start3A_118 = arith.constant 0 : i32
      %dma_start3A_119 = arith.constant 0 : i32
      %dma_start3A_120 = tpu.memref_slice %arg9[%dma_start3A_118, %dma_start3A_119] : memref<79x128xi32, #tpu.memory_space<vmem>> -> memref<78x128xi32, #tpu.memory_space<vmem>>
      %dma_start3A_121 = arith.constant 0 : i32
      %dma_start3A_122 = tpu.memref_slice %arg4[%mul3A_4, %dma_start3A_121] : memref<2500x128xi32, #tpu.memory_space<hbm>> -> memref<78x128xi32, #tpu.memory_space<hbm>>
      %dma_start3A_123 = arith.constant 0 : i32
      %dma_start3A_124 = arith.constant 0 : i32
      %dma_start3A_125 = tpu.memref_slice %arg9[%dma_start3A_123, %dma_start3A_124] : memref<79x128xi32, #tpu.memory_space<vmem>> -> memref<78x128xi32, #tpu.memory_space<vmem>>
      %dma_start3A_126 = arith.constant 0 : i32
      %dma_start3A_127 = tpu.memref_slice %arg4[%mul3A_4, %dma_start3A_126] : memref<2500x128xi32, #tpu.memory_space<hbm>> -> memref<78x128xi32, #tpu.memory_space<hbm>>
      tpu.enqueue_dma source(%dma_start3A_127 : memref<78x128xi32, #tpu.memory_space<hbm>>) target(%dma_start3A_125 : memref<78x128xi32, #tpu.memory_space<vmem>>) target_semaphore(%run_scoped3A_117 : memref<!tpu.dma_semaphore, #tpu.memory_space<semaphore_mem>>)
      %dma_wait3A_128 = arith.constant 0 : i32
      %dma_wait3A_129 = arith.constant 0 : i32
      %dma_wait3A_130 = tpu.memref_slice %arg9[%dma_wait3A_128, %dma_wait3A_129] : memref<79x128xi32, #tpu.memory_space<vmem>> -> memref<78x128xi32, #tpu.memory_space<vmem>>
      %dma_wait3A_131 = arith.constant 0 : i32
      %dma_wait3A_132 = tpu.memref_slice %arg4[%mul3A_4, %dma_wait3A_131] : memref<2500x128xi32, #tpu.memory_space<hbm>> -> memref<78x128xi32, #tpu.memory_space<hbm>>
      %dma_wait3A_133 = arith.constant 0 : i32
      %dma_wait3A_134 = arith.constant 0 : i32
      %dma_wait3A_135 = tpu.memref_slice %arg9[%dma_wait3A_133, %dma_wait3A_134] : memref<79x128xi32, #tpu.memory_space<vmem>> -> memref<78x128xi32, #tpu.memory_space<vmem>>
      %dma_wait3A_136 = arith.constant 0 : i32
      %dma_wait3A_137 = tpu.memref_slice %arg4[%mul3A_4, %dma_wait3A_136] : memref<2500x128xi32, #tpu.memory_space<hbm>> -> memref<78x128xi32, #tpu.memory_space<hbm>>
      tpu.wait_dma2 semaphore(%run_scoped3A_117 : memref<!tpu.dma_semaphore, #tpu.memory_space<semaphore_mem>>) src(%dma_wait3A_137 : memref<78x128xi32, #tpu.memory_space<hbm>>) dst(%dma_wait3A_135 : memref<78x128xi32, #tpu.memory_space<vmem>>)
      tpu.yield
    }) : () -> ()
    %lt3A = arith.constant 4 : i32
    %lt3A_8 = arith.cmpi slt, %add3A, %lt3A : i32
    %convert_element_type3A = arith.extui %lt3A_8 : i1 to i32
    %cond3A = arith.constant 0 : i32
    %cond3A_9 = arith.cmpi ne, %convert_element_type3A, %cond3A : i32
    scf.if %cond3A_9 {
      %add3A_117 = arith.constant 2496 : i32
      %add3A_118 = arith.addi %add3A_117, %add3A : i32
      "tpu.region"() ({
        %run_scoped3A_121 = tpu.sem_alloc : memref<!tpu.dma_semaphore, #tpu.memory_space<semaphore_mem>>
        %dma_start3A_122 = arith.constant 78 : i32
        %dma_start3A_123 = arith.constant 0 : i32
        %dma_start3A_124 = tpu.memref_slice %arg8[%dma_start3A_122, %dma_start3A_123] : memref<79x128xi32, #tpu.memory_space<vmem>> -> memref<1x128xi32, #tpu.memory_space<vmem>>
        %dma_start3A_125 = arith.constant 0 : i32
        %dma_start3A_126 = tpu.memref_slice %arg3[%add3A_118, %dma_start3A_125] : memref<2500x128xi32, #tpu.memory_space<hbm>> -> memref<1x128xi32, #tpu.memory_space<hbm>>
        %dma_start3A_127 = arith.constant 78 : i32
        %dma_start3A_128 = arith.constant 0 : i32
        %dma_start3A_129 = tpu.memref_slice %arg8[%dma_start3A_127, %dma_start3A_128] : memref<79x128xi32, #tpu.memory_space<vmem>> -> memref<1x128xi32, #tpu.memory_space<vmem>>
        %dma_start3A_130 = arith.constant 0 : i32
        %dma_start3A_131 = tpu.memref_slice %arg3[%add3A_118, %dma_start3A_130] : memref<2500x128xi32, #tpu.memory_space<hbm>> -> memref<1x128xi32, #tpu.memory_space<hbm>>
        tpu.enqueue_dma source(%dma_start3A_131 : memref<1x128xi32, #tpu.memory_space<hbm>>) target(%dma_start3A_129 : memref<1x128xi32, #tpu.memory_space<vmem>>) target_semaphore(%run_scoped3A_121 : memref<!tpu.dma_semaphore, #tpu.memory_space<semaphore_mem>>)
        %dma_wait3A_132 = arith.constant 78 : i32
        %dma_wait3A_133 = arith.constant 0 : i32
        %dma_wait3A_134 = tpu.memref_slice %arg8[%dma_wait3A_132, %dma_wait3A_133] : memref<79x128xi32, #tpu.memory_space<vmem>> -> memref<1x128xi32, #tpu.memory_space<vmem>>
        %dma_wait3A_135 = arith.constant 0 : i32
        %dma_wait3A_136 = tpu.memref_slice %arg3[%add3A_118, %dma_wait3A_135] : memref<2500x128xi32, #tpu.memory_space<hbm>> -> memref<1x128xi32, #tpu.memory_space<hbm>>
        %dma_wait3A_137 = arith.constant 78 : i32
        %dma_wait3A_138 = arith.constant 0 : i32
        %dma_wait3A_139 = tpu.memref_slice %arg8[%dma_wait3A_137, %dma_wait3A_138] : memref<79x128xi32, #tpu.memory_space<vmem>> -> memref<1x128xi32, #tpu.memory_space<vmem>>
        %dma_wait3A_140 = arith.constant 0 : i32
        %dma_wait3A_141 = tpu.memref_slice %arg3[%add3A_118, %dma_wait3A_140] : memref<2500x128xi32, #tpu.memory_space<hbm>> -> memref<1x128xi32, #tpu.memory_space<hbm>>
        tpu.wait_dma2 semaphore(%run_scoped3A_121 : memref<!tpu.dma_semaphore, #tpu.memory_space<semaphore_mem>>) src(%dma_wait3A_141 : memref<1x128xi32, #tpu.memory_space<hbm>>) dst(%dma_wait3A_139 : memref<1x128xi32, #tpu.memory_space<vmem>>)
        tpu.yield
      }) : () -> ()
      %add3A_119 = arith.constant 2496 : i32
      %add3A_120 = arith.addi %add3A_119, %add3A : i32
      "tpu.region"() ({
        %run_scoped3A_121 = tpu.sem_alloc : memref<!tpu.dma_semaphore, #tpu.memory_space<semaphore_mem>>
        %dma_start3A_122 = arith.constant 78 : i32
        %dma_start3A_123 = arith.constant 0 : i32
        %dma_start3A_124 = tpu.memref_slice %arg9[%dma_start3A_122, %dma_start3A_123] : memref<79x128xi32, #tpu.memory_space<vmem>> -> memref<1x128xi32, #tpu.memory_space<vmem>>
        %dma_start3A_125 = arith.constant 0 : i32
        %dma_start3A_126 = tpu.memref_slice %arg4[%add3A_120, %dma_start3A_125] : memref<2500x128xi32, #tpu.memory_space<hbm>> -> memref<1x128xi32, #tpu.memory_space<hbm>>
        %dma_start3A_127 = arith.constant 78 : i32
        %dma_start3A_128 = arith.constant 0 : i32
        %dma_start3A_129 = tpu.memref_slice %arg9[%dma_start3A_127, %dma_start3A_128] : memref<79x128xi32, #tpu.memory_space<vmem>> -> memref<1x128xi32, #tpu.memory_space<vmem>>
        %dma_start3A_130 = arith.constant 0 : i32
        %dma_start3A_131 = tpu.memref_slice %arg4[%add3A_120, %dma_start3A_130] : memref<2500x128xi32, #tpu.memory_space<hbm>> -> memref<1x128xi32, #tpu.memory_space<hbm>>
        tpu.enqueue_dma source(%dma_start3A_131 : memref<1x128xi32, #tpu.memory_space<hbm>>) target(%dma_start3A_129 : memref<1x128xi32, #tpu.memory_space<vmem>>) target_semaphore(%run_scoped3A_121 : memref<!tpu.dma_semaphore, #tpu.memory_space<semaphore_mem>>)
        %dma_wait3A_132 = arith.constant 78 : i32
        %dma_wait3A_133 = arith.constant 0 : i32
        %dma_wait3A_134 = tpu.memref_slice %arg9[%dma_wait3A_132, %dma_wait3A_133] : memref<79x128xi32, #tpu.memory_space<vmem>> -> memref<1x128xi32, #tpu.memory_space<vmem>>
        %dma_wait3A_135 = arith.constant 0 : i32
        %dma_wait3A_136 = tpu.memref_slice %arg4[%add3A_120, %dma_wait3A_135] : memref<2500x128xi32, #tpu.memory_space<hbm>> -> memref<1x128xi32, #tpu.memory_space<hbm>>
        %dma_wait3A_137 = arith.constant 78 : i32
        %dma_wait3A_138 = arith.constant 0 : i32
        %dma_wait3A_139 = tpu.memref_slice %arg9[%dma_wait3A_137, %dma_wait3A_138] : memref<79x128xi32, #tpu.memory_space<vmem>> -> memref<1x128xi32, #tpu.memory_space<vmem>>
        %dma_wait3A_140 = arith.constant 0 : i32
        %dma_wait3A_141 = tpu.memref_slice %arg4[%add3A_120, %dma_wait3A_140] : memref<2500x128xi32, #tpu.memory_space<hbm>> -> memref<1x128xi32, #tpu.memory_space<hbm>>
        tpu.wait_dma2 semaphore(%run_scoped3A_121 : memref<!tpu.dma_semaphore, #tpu.memory_space<semaphore_mem>>) src(%dma_wait3A_141 : memref<1x128xi32, #tpu.memory_space<hbm>>) dst(%dma_wait3A_139 : memref<1x128xi32, #tpu.memory_space<vmem>>)
        tpu.yield
      }) : () -> ()
    } else {
    }
    %dma_start3A_10 = arith.constant 0 : i32
    %dma_start3A_11 = arith.constant 0 : i32
    %dma_start3A_12 = tpu.memref_slice %arg8[%dma_start3A_10, %dma_start3A_11] : memref<79x128xi32, #tpu.memory_space<vmem>> -> memref<1x128xi32, #tpu.memory_space<vmem>>
    %dma_start3A_13 = tpu.memref_squeeze %dma_start3A_12 : memref<1x128xi32, #tpu.memory_space<vmem>> -> memref<128xi32, #tpu.memory_space<vmem>>
    %dma_start3A_14 = arith.constant 0 : i32
    %dma_start3A_15 = arith.constant 0 : i32
    %dma_start3A_16 = tpu.memref_slice %arg2[%dma_start3A_14, %dma_start3A_15] : memref<10000x64xf32, #tpu.memory_space<hbm>> -> memref<10000x64xf32, #tpu.memory_space<hbm>>
    tpu.enqueue_indirect_dma source(%dma_start3A_16 : memref<10000x64xf32, #tpu.memory_space<hbm>>) target(%arg10 : memref<128x64xf32, #tpu.memory_space<vmem>>) offsets(%dma_start3A_13 : memref<128xi32, #tpu.memory_space<vmem>>) semaphore(%arg16 : memref<!tpu.dma_semaphore, #tpu.memory_space<semaphore_mem>>)
    %dma_start3A_17 = arith.constant 1 : i32
    %dma_start3A_18 = arith.constant 0 : i32
    %dma_start3A_19 = tpu.memref_slice %arg8[%dma_start3A_17, %dma_start3A_18] : memref<79x128xi32, #tpu.memory_space<vmem>> -> memref<1x128xi32, #tpu.memory_space<vmem>>
    %dma_start3A_20 = tpu.memref_squeeze %dma_start3A_19 : memref<1x128xi32, #tpu.memory_space<vmem>> -> memref<128xi32, #tpu.memory_space<vmem>>
    %dma_start3A_21 = arith.constant 0 : i32
    %dma_start3A_22 = arith.constant 0 : i32
    %dma_start3A_23 = tpu.memref_slice %arg2[%dma_start3A_21, %dma_start3A_22] : memref<10000x64xf32, #tpu.memory_space<hbm>> -> memref<10000x64xf32, #tpu.memory_space<hbm>>
    tpu.enqueue_indirect_dma source(%dma_start3A_23 : memref<10000x64xf32, #tpu.memory_space<hbm>>) target(%arg11 : memref<128x64xf32, #tpu.memory_space<vmem>>) offsets(%dma_start3A_20 : memref<128xi32, #tpu.memory_space<vmem>>) semaphore(%arg17 : memref<!tpu.dma_semaphore, #tpu.memory_space<semaphore_mem>>)
    %dma_start3A_24 = arith.constant 2 : i32
    %dma_start3A_25 = arith.constant 0 : i32
    %dma_start3A_26 = tpu.memref_slice %arg8[%dma_start3A_24, %dma_start3A_25] : memref<79x128xi32, #tpu.memory_space<vmem>> -> memref<1x128xi32, #tpu.memory_space<vmem>>
    %dma_start3A_27 = tpu.memref_squeeze %dma_start3A_26 : memref<1x128xi32, #tpu.memory_space<vmem>> -> memref<128xi32, #tpu.memory_space<vmem>>
    %dma_start3A_28 = arith.constant 0 : i32
    %dma_start3A_29 = arith.constant 0 : i32
    %dma_start3A_30 = tpu.memref_slice %arg2[%dma_start3A_28, %dma_start3A_29] : memref<10000x64xf32, #tpu.memory_space<hbm>> -> memref<10000x64xf32, #tpu.memory_space<hbm>>
    tpu.enqueue_indirect_dma source(%dma_start3A_30 : memref<10000x64xf32, #tpu.memory_space<hbm>>) target(%arg12 : memref<128x64xf32, #tpu.memory_space<vmem>>) offsets(%dma_start3A_27 : memref<128xi32, #tpu.memory_space<vmem>>) semaphore(%arg18 : memref<!tpu.dma_semaphore, #tpu.memory_space<semaphore_mem>>)
    %dma_start3A_31 = arith.constant 3 : i32
    %dma_start3A_32 = arith.constant 0 : i32
    %dma_start3A_33 = tpu.memref_slice %arg8[%dma_start3A_31, %dma_start3A_32] : memref<79x128xi32, #tpu.memory_space<vmem>> -> memref<1x128xi32, #tpu.memory_space<vmem>>
    %dma_start3A_34 = tpu.memref_squeeze %dma_start3A_33 : memref<1x128xi32, #tpu.memory_space<vmem>> -> memref<128xi32, #tpu.memory_space<vmem>>
    %dma_start3A_35 = arith.constant 0 : i32
    %dma_start3A_36 = arith.constant 0 : i32
    %dma_start3A_37 = tpu.memref_slice %arg2[%dma_start3A_35, %dma_start3A_36] : memref<10000x64xf32, #tpu.memory_space<hbm>> -> memref<10000x64xf32, #tpu.memory_space<hbm>>
    tpu.enqueue_indirect_dma source(%dma_start3A_37 : memref<10000x64xf32, #tpu.memory_space<hbm>>) target(%arg13 : memref<128x64xf32, #tpu.memory_space<vmem>>) offsets(%dma_start3A_34 : memref<128xi32, #tpu.memory_space<vmem>>) semaphore(%arg19 : memref<!tpu.dma_semaphore, #tpu.memory_space<semaphore_mem>>)
    %dma_wait3A = arith.constant 0 : i32
    %dma_wait3A_38 = tpu.memref_slice %arg14[%mul3A_2, %dma_wait3A] : memref<10112x64xf32, #tpu.memory_space<vmem_shared>> -> memref<632x64xf32, #tpu.memory_space<vmem_shared>>
    %dma_wait3A_39 = arith.constant 0 : i32
    %dma_wait3A_40 = tpu.memref_slice %arg5[%mul3A_2, %dma_wait3A_39] : memref<10112x64xf32, #tpu.memory_space<hbm>> -> memref<632x64xf32, #tpu.memory_space<hbm>>
    tpu.wait_dma2 semaphore(%arg15 : memref<!tpu.dma_semaphore, #tpu.memory_space<semaphore_mem>>) src(%dma_wait3A_40 : memref<632x64xf32, #tpu.memory_space<hbm>>) dst(%dma_wait3A_38 : memref<632x64xf32, #tpu.memory_space<vmem_shared>>)
    %barrier3A = arith.constant 0 : index
    tpu.barrier barrier_id(%barrier3A)
    %scan3A = arith.constant 0 : i32
    %scan3A_41 = arith.constant 19 : i32
    %scan3A_42 = arith.addi %scan3A, %scan3A_41 : i32
    %scan3A_43 = arith.constant 1 : i32
    scf.for %scan3A_117 = %scan3A to %scan3A_42 step %scan3A_43  : i32 {
      %mul3A_118 = arith.constant 4 : i32
      %mul3A_119 = arith.muli %scan3A_117, %mul3A_118 : i32
      %add3A_120 = arith.constant 0 : i32
      %add3A_121 = arith.addi %add3A_120, %mul3A_119 : i32
      %add3A_122 = arith.constant 0 : i32
      %add3A_123 = arith.addi %add3A_121, %add3A_122 : i32
      %dma_wait3A_124 = arith.constant 0 : i32
      %dma_wait3A_125 = tpu.memref_slice %arg8[%add3A_123, %dma_wait3A_124] : memref<79x128xi32, #tpu.memory_space<vmem>> -> memref<1x128xi32, #tpu.memory_space<vmem>>
      %dma_wait3A_126 = tpu.memref_squeeze %dma_wait3A_125 : memref<1x128xi32, #tpu.memory_space<vmem>> -> memref<128xi32, #tpu.memory_space<vmem>>
      %dma_wait3A_127 = arith.constant 0 : i32
      %dma_wait3A_128 = arith.constant 0 : i32
      %dma_wait3A_129 = tpu.memref_slice %arg2[%dma_wait3A_127, %dma_wait3A_128] : memref<10000x64xf32, #tpu.memory_space<hbm>> -> memref<10000x64xf32, #tpu.memory_space<hbm>>
      tpu.wait_indirect_dma semaphore(%arg16 : memref<!tpu.dma_semaphore, #tpu.memory_space<semaphore_mem>>) src(%dma_wait3A_129 : memref<10000x64xf32, #tpu.memory_space<hbm>>) dst(%arg10 : memref<128x64xf32, #tpu.memory_space<vmem>>)
      %add3A_130 = arith.constant 0 : i32
      %add3A_131 = arith.addi %add3A_121, %add3A_130 : i32
      %dma_start3A_132 = arith.constant 0 : i32
      %dma_start3A_133 = tpu.memref_slice %arg9[%add3A_131, %dma_start3A_132] : memref<79x128xi32, #tpu.memory_space<vmem>> -> memref<1x128xi32, #tpu.memory_space<vmem>>
      %dma_start3A_134 = tpu.memref_squeeze %dma_start3A_133 : memref<1x128xi32, #tpu.memory_space<vmem>> -> memref<128xi32, #tpu.memory_space<vmem>>
      %dma_start3A_135 = arith.constant 0 : i32
      %dma_start3A_136 = arith.constant 0 : i32
      %dma_start3A_137 = tpu.memref_slice %arg14[%dma_start3A_135, %dma_start3A_136] : memref<10112x64xf32, #tpu.memory_space<vmem_shared>> -> memref<10112x64xf32, #tpu.memory_space<vmem_shared>>
      tpu.enqueue_indirect_dma source(%arg10 : memref<128x64xf32, #tpu.memory_space<vmem>>) target(%dma_start3A_137 : memref<10112x64xf32, #tpu.memory_space<vmem_shared>>) offsets(%dma_start3A_134 : memref<128xi32, #tpu.memory_space<vmem>>) semaphore(%arg20 : memref<!tpu.dma_semaphore, #tpu.memory_space<semaphore_mem>>) {add = true}
      %add3A_138 = arith.constant 1 : i32
      %add3A_139 = arith.addi %add3A_121, %add3A_138 : i32
      %dma_wait3A_140 = arith.constant 0 : i32
      %dma_wait3A_141 = tpu.memref_slice %arg8[%add3A_139, %dma_wait3A_140] : memref<79x128xi32, #tpu.memory_space<vmem>> -> memref<1x128xi32, #tpu.memory_space<vmem>>
      %dma_wait3A_142 = tpu.memref_squeeze %dma_wait3A_141 : memref<1x128xi32, #tpu.memory_space<vmem>> -> memref<128xi32, #tpu.memory_space<vmem>>
      %dma_wait3A_143 = arith.constant 0 : i32
      %dma_wait3A_144 = arith.constant 0 : i32
      %dma_wait3A_145 = tpu.memref_slice %arg2[%dma_wait3A_143, %dma_wait3A_144] : memref<10000x64xf32, #tpu.memory_space<hbm>> -> memref<10000x64xf32, #tpu.memory_space<hbm>>
      tpu.wait_indirect_dma semaphore(%arg17 : memref<!tpu.dma_semaphore, #tpu.memory_space<semaphore_mem>>) src(%dma_wait3A_145 : memref<10000x64xf32, #tpu.memory_space<hbm>>) dst(%arg11 : memref<128x64xf32, #tpu.memory_space<vmem>>)
      %add3A_146 = arith.constant 1 : i32
      %add3A_147 = arith.addi %add3A_121, %add3A_146 : i32
      %dma_start3A_148 = arith.constant 0 : i32
      %dma_start3A_149 = tpu.memref_slice %arg9[%add3A_147, %dma_start3A_148] : memref<79x128xi32, #tpu.memory_space<vmem>> -> memref<1x128xi32, #tpu.memory_space<vmem>>
      %dma_start3A_150 = tpu.memref_squeeze %dma_start3A_149 : memref<1x128xi32, #tpu.memory_space<vmem>> -> memref<128xi32, #tpu.memory_space<vmem>>
      %dma_start3A_151 = arith.constant 0 : i32
      %dma_start3A_152 = arith.constant 0 : i32
      %dma_start3A_153 = tpu.memref_slice %arg14[%dma_start3A_151, %dma_start3A_152] : memref<10112x64xf32, #tpu.memory_space<vmem_shared>> -> memref<10112x64xf32, #tpu.memory_space<vmem_shared>>
      tpu.enqueue_indirect_dma source(%arg11 : memref<128x64xf32, #tpu.memory_space<vmem>>) target(%dma_start3A_153 : memref<10112x64xf32, #tpu.memory_space<vmem_shared>>) offsets(%dma_start3A_150 : memref<128xi32, #tpu.memory_space<vmem>>) semaphore(%arg21 : memref<!tpu.dma_semaphore, #tpu.memory_space<semaphore_mem>>) {add = true}
      %add3A_154 = arith.constant 2 : i32
      %add3A_155 = arith.addi %add3A_121, %add3A_154 : i32
      %dma_wait3A_156 = arith.constant 0 : i32
      %dma_wait3A_157 = tpu.memref_slice %arg8[%add3A_155, %dma_wait3A_156] : memref<79x128xi32, #tpu.memory_space<vmem>> -> memref<1x128xi32, #tpu.memory_space<vmem>>
      %dma_wait3A_158 = tpu.memref_squeeze %dma_wait3A_157 : memref<1x128xi32, #tpu.memory_space<vmem>> -> memref<128xi32, #tpu.memory_space<vmem>>
      %dma_wait3A_159 = arith.constant 0 : i32
      %dma_wait3A_160 = arith.constant 0 : i32
      %dma_wait3A_161 = tpu.memref_slice %arg2[%dma_wait3A_159, %dma_wait3A_160] : memref<10000x64xf32, #tpu.memory_space<hbm>> -> memref<10000x64xf32, #tpu.memory_space<hbm>>
      tpu.wait_indirect_dma semaphore(%arg18 : memref<!tpu.dma_semaphore, #tpu.memory_space<semaphore_mem>>) src(%dma_wait3A_161 : memref<10000x64xf32, #tpu.memory_space<hbm>>) dst(%arg12 : memref<128x64xf32, #tpu.memory_space<vmem>>)
      %add3A_162 = arith.constant 2 : i32
      %add3A_163 = arith.addi %add3A_121, %add3A_162 : i32
      %dma_start3A_164 = arith.constant 0 : i32
      %dma_start3A_165 = tpu.memref_slice %arg9[%add3A_163, %dma_start3A_164] : memref<79x128xi32, #tpu.memory_space<vmem>> -> memref<1x128xi32, #tpu.memory_space<vmem>>
      %dma_start3A_166 = tpu.memref_squeeze %dma_start3A_165 : memref<1x128xi32, #tpu.memory_space<vmem>> -> memref<128xi32, #tpu.memory_space<vmem>>
      %dma_start3A_167 = arith.constant 0 : i32
      %dma_start3A_168 = arith.constant 0 : i32
      %dma_start3A_169 = tpu.memref_slice %arg14[%dma_start3A_167, %dma_start3A_168] : memref<10112x64xf32, #tpu.memory_space<vmem_shared>> -> memref<10112x64xf32, #tpu.memory_space<vmem_shared>>
      tpu.enqueue_indirect_dma source(%arg12 : memref<128x64xf32, #tpu.memory_space<vmem>>) target(%dma_start3A_169 : memref<10112x64xf32, #tpu.memory_space<vmem_shared>>) offsets(%dma_start3A_166 : memref<128xi32, #tpu.memory_space<vmem>>) semaphore(%arg22 : memref<!tpu.dma_semaphore, #tpu.memory_space<semaphore_mem>>) {add = true}
      %add3A_170 = arith.constant 3 : i32
      %add3A_171 = arith.addi %add3A_121, %add3A_170 : i32
      %dma_wait3A_172 = arith.constant 0 : i32
      %dma_wait3A_173 = tpu.memref_slice %arg8[%add3A_171, %dma_wait3A_172] : memref<79x128xi32, #tpu.memory_space<vmem>> -> memref<1x128xi32, #tpu.memory_space<vmem>>
      %dma_wait3A_174 = tpu.memref_squeeze %dma_wait3A_173 : memref<1x128xi32, #tpu.memory_space<vmem>> -> memref<128xi32, #tpu.memory_space<vmem>>
      %dma_wait3A_175 = arith.constant 0 : i32
      %dma_wait3A_176 = arith.constant 0 : i32
      %dma_wait3A_177 = tpu.memref_slice %arg2[%dma_wait3A_175, %dma_wait3A_176] : memref<10000x64xf32, #tpu.memory_space<hbm>> -> memref<10000x64xf32, #tpu.memory_space<hbm>>
      tpu.wait_indirect_dma semaphore(%arg19 : memref<!tpu.dma_semaphore, #tpu.memory_space<semaphore_mem>>) src(%dma_wait3A_177 : memref<10000x64xf32, #tpu.memory_space<hbm>>) dst(%arg13 : memref<128x64xf32, #tpu.memory_space<vmem>>)
      %add3A_178 = arith.constant 3 : i32
      %add3A_179 = arith.addi %add3A_121, %add3A_178 : i32
      %dma_start3A_180 = arith.constant 0 : i32
      %dma_start3A_181 = tpu.memref_slice %arg9[%add3A_179, %dma_start3A_180] : memref<79x128xi32, #tpu.memory_space<vmem>> -> memref<1x128xi32, #tpu.memory_space<vmem>>
      %dma_start3A_182 = tpu.memref_squeeze %dma_start3A_181 : memref<1x128xi32, #tpu.memory_space<vmem>> -> memref<128xi32, #tpu.memory_space<vmem>>
      %dma_start3A_183 = arith.constant 0 : i32
      %dma_start3A_184 = arith.constant 0 : i32
      %dma_start3A_185 = tpu.memref_slice %arg14[%dma_start3A_183, %dma_start3A_184] : memref<10112x64xf32, #tpu.memory_space<vmem_shared>> -> memref<10112x64xf32, #tpu.memory_space<vmem_shared>>
      tpu.enqueue_indirect_dma source(%arg13 : memref<128x64xf32, #tpu.memory_space<vmem>>) target(%dma_start3A_185 : memref<10112x64xf32, #tpu.memory_space<vmem_shared>>) offsets(%dma_start3A_182 : memref<128xi32, #tpu.memory_space<vmem>>) semaphore(%arg23 : memref<!tpu.dma_semaphore, #tpu.memory_space<semaphore_mem>>) {add = true}
      %add3A_186 = arith.constant 4 : i32
      %add3A_187 = arith.addi %add3A_121, %add3A_186 : i32
      %add3A_188 = arith.constant 0 : i32
      %add3A_189 = arith.addi %add3A_187, %add3A_188 : i32
      %lt3A_190 = arith.constant 76 : i32
      %lt3A_191 = arith.cmpi slt, %add3A_189, %lt3A_190 : i32
      %convert_element_type3A_192 = arith.extui %lt3A_191 : i1 to i32
      %cond3A_193 = arith.constant 0 : i32
      %cond3A_194 = arith.cmpi ne, %convert_element_type3A_192, %cond3A_193 : i32
      scf.if %cond3A_194 {
        %add3A_222 = arith.constant 0 : i32
        %add3A_223 = arith.addi %add3A_121, %add3A_222 : i32
        %dma_wait3A_224 = arith.constant 0 : i32
        %dma_wait3A_225 = tpu.memref_slice %arg9[%add3A_223, %dma_wait3A_224] : memref<79x128xi32, #tpu.memory_space<vmem>> -> memref<1x128xi32, #tpu.memory_space<vmem>>
        %dma_wait3A_226 = tpu.memref_squeeze %dma_wait3A_225 : memref<1x128xi32, #tpu.memory_space<vmem>> -> memref<128xi32, #tpu.memory_space<vmem>>
        %dma_wait3A_227 = arith.constant 0 : i32
        %dma_wait3A_228 = arith.constant 0 : i32
        %dma_wait3A_229 = tpu.memref_slice %arg14[%dma_wait3A_227, %dma_wait3A_228] : memref<10112x64xf32, #tpu.memory_space<vmem_shared>> -> memref<10112x64xf32, #tpu.memory_space<vmem_shared>>
        tpu.wait_indirect_dma semaphore(%arg20 : memref<!tpu.dma_semaphore, #tpu.memory_space<semaphore_mem>>) src(%arg10 : memref<128x64xf32, #tpu.memory_space<vmem>>) dst(%dma_wait3A_229 : memref<10112x64xf32, #tpu.memory_space<vmem_shared>>)
        %add3A_230 = arith.constant 4 : i32
        %add3A_231 = arith.addi %add3A_121, %add3A_230 : i32
        %add3A_232 = arith.constant 0 : i32
        %add3A_233 = arith.addi %add3A_231, %add3A_232 : i32
        %dma_start3A_234 = arith.constant 0 : i32
        %dma_start3A_235 = tpu.memref_slice %arg8[%add3A_233, %dma_start3A_234] : memref<79x128xi32, #tpu.memory_space<vmem>> -> memref<1x128xi32, #tpu.memory_space<vmem>>
        %dma_start3A_236 = tpu.memref_squeeze %dma_start3A_235 : memref<1x128xi32, #tpu.memory_space<vmem>> -> memref<128xi32, #tpu.memory_space<vmem>>
        %dma_start3A_237 = arith.constant 0 : i32
        %dma_start3A_238 = arith.constant 0 : i32
        %dma_start3A_239 = tpu.memref_slice %arg2[%dma_start3A_237, %dma_start3A_238] : memref<10000x64xf32, #tpu.memory_space<hbm>> -> memref<10000x64xf32, #tpu.memory_space<hbm>>
        tpu.enqueue_indirect_dma source(%dma_start3A_239 : memref<10000x64xf32, #tpu.memory_space<hbm>>) target(%arg10 : memref<128x64xf32, #tpu.memory_space<vmem>>) offsets(%dma_start3A_236 : memref<128xi32, #tpu.memory_space<vmem>>) semaphore(%arg16 : memref<!tpu.dma_semaphore, #tpu.memory_space<semaphore_mem>>)
      } else {
      }
      %add3A_195 = arith.constant 4 : i32
      %add3A_196 = arith.addi %add3A_121, %add3A_195 : i32
      %add3A_197 = arith.constant 1 : i32
      %add3A_198 = arith.addi %add3A_196, %add3A_197 : i32
      %lt3A_199 = arith.constant 76 : i32
      %lt3A_200 = arith.cmpi slt, %add3A_198, %lt3A_199 : i32
      %convert_element_type3A_201 = arith.extui %lt3A_200 : i1 to i32
      %cond3A_202 = arith.constant 0 : i32
      %cond3A_203 = arith.cmpi ne, %convert_element_type3A_201, %cond3A_202 : i32
      scf.if %cond3A_203 {
        %add3A_222 = arith.constant 1 : i32
        %add3A_223 = arith.addi %add3A_121, %add3A_222 : i32
        %dma_wait3A_224 = arith.constant 0 : i32
        %dma_wait3A_225 = tpu.memref_slice %arg9[%add3A_223, %dma_wait3A_224] : memref<79x128xi32, #tpu.memory_space<vmem>> -> memref<1x128xi32, #tpu.memory_space<vmem>>
        %dma_wait3A_226 = tpu.memref_squeeze %dma_wait3A_225 : memref<1x128xi32, #tpu.memory_space<vmem>> -> memref<128xi32, #tpu.memory_space<vmem>>
        %dma_wait3A_227 = arith.constant 0 : i32
        %dma_wait3A_228 = arith.constant 0 : i32
        %dma_wait3A_229 = tpu.memref_slice %arg14[%dma_wait3A_227, %dma_wait3A_228] : memref<10112x64xf32, #tpu.memory_space<vmem_shared>> -> memref<10112x64xf32, #tpu.memory_space<vmem_shared>>
        tpu.wait_indirect_dma semaphore(%arg21 : memref<!tpu.dma_semaphore, #tpu.memory_space<semaphore_mem>>) src(%arg11 : memref<128x64xf32, #tpu.memory_space<vmem>>) dst(%dma_wait3A_229 : memref<10112x64xf32, #tpu.memory_space<vmem_shared>>)
        %add3A_230 = arith.constant 4 : i32
        %add3A_231 = arith.addi %add3A_121, %add3A_230 : i32
        %add3A_232 = arith.constant 1 : i32
        %add3A_233 = arith.addi %add3A_231, %add3A_232 : i32
        %dma_start3A_234 = arith.constant 0 : i32
        %dma_start3A_235 = tpu.memref_slice %arg8[%add3A_233, %dma_start3A_234] : memref<79x128xi32, #tpu.memory_space<vmem>> -> memref<1x128xi32, #tpu.memory_space<vmem>>
        %dma_start3A_236 = tpu.memref_squeeze %dma_start3A_235 : memref<1x128xi32, #tpu.memory_space<vmem>> -> memref<128xi32, #tpu.memory_space<vmem>>
        %dma_start3A_237 = arith.constant 0 : i32
        %dma_start3A_238 = arith.constant 0 : i32
        %dma_start3A_239 = tpu.memref_slice %arg2[%dma_start3A_237, %dma_start3A_238] : memref<10000x64xf32, #tpu.memory_space<hbm>> -> memref<10000x64xf32, #tpu.memory_space<hbm>>
        tpu.enqueue_indirect_dma source(%dma_start3A_239 : memref<10000x64xf32, #tpu.memory_space<hbm>>) target(%arg11 : memref<128x64xf32, #tpu.memory_space<vmem>>) offsets(%dma_start3A_236 : memref<128xi32, #tpu.memory_space<vmem>>) semaphore(%arg17 : memref<!tpu.dma_semaphore, #tpu.memory_space<semaphore_mem>>)
      } else {
      }
      %add3A_204 = arith.constant 4 : i32
      %add3A_205 = arith.addi %add3A_121, %add3A_204 : i32
      %add3A_206 = arith.constant 2 : i32
      %add3A_207 = arith.addi %add3A_205, %add3A_206 : i32
      %lt3A_208 = arith.constant 76 : i32
      %lt3A_209 = arith.cmpi slt, %add3A_207, %lt3A_208 : i32
      %convert_element_type3A_210 = arith.extui %lt3A_209 : i1 to i32
      %cond3A_211 = arith.constant 0 : i32
      %cond3A_212 = arith.cmpi ne, %convert_element_type3A_210, %cond3A_211 : i32
      scf.if %cond3A_212 {
        %add3A_222 = arith.constant 2 : i32
        %add3A_223 = arith.addi %add3A_121, %add3A_222 : i32
        %dma_wait3A_224 = arith.constant 0 : i32
        %dma_wait3A_225 = tpu.memref_slice %arg9[%add3A_223, %dma_wait3A_224] : memref<79x128xi32, #tpu.memory_space<vmem>> -> memref<1x128xi32, #tpu.memory_space<vmem>>
        %dma_wait3A_226 = tpu.memref_squeeze %dma_wait3A_225 : memref<1x128xi32, #tpu.memory_space<vmem>> -> memref<128xi32, #tpu.memory_space<vmem>>
        %dma_wait3A_227 = arith.constant 0 : i32
        %dma_wait3A_228 = arith.constant 0 : i32
        %dma_wait3A_229 = tpu.memref_slice %arg14[%dma_wait3A_227, %dma_wait3A_228] : memref<10112x64xf32, #tpu.memory_space<vmem_shared>> -> memref<10112x64xf32, #tpu.memory_space<vmem_shared>>
        tpu.wait_indirect_dma semaphore(%arg22 : memref<!tpu.dma_semaphore, #tpu.memory_space<semaphore_mem>>) src(%arg12 : memref<128x64xf32, #tpu.memory_space<vmem>>) dst(%dma_wait3A_229 : memref<10112x64xf32, #tpu.memory_space<vmem_shared>>)
        %add3A_230 = arith.constant 4 : i32
        %add3A_231 = arith.addi %add3A_121, %add3A_230 : i32
        %add3A_232 = arith.constant 2 : i32
        %add3A_233 = arith.addi %add3A_231, %add3A_232 : i32
        %dma_start3A_234 = arith.constant 0 : i32
        %dma_start3A_235 = tpu.memref_slice %arg8[%add3A_233, %dma_start3A_234] : memref<79x128xi32, #tpu.memory_space<vmem>> -> memref<1x128xi32, #tpu.memory_space<vmem>>
        %dma_start3A_236 = tpu.memref_squeeze %dma_start3A_235 : memref<1x128xi32, #tpu.memory_space<vmem>> -> memref<128xi32, #tpu.memory_space<vmem>>
        %dma_start3A_237 = arith.constant 0 : i32
        %dma_start3A_238 = arith.constant 0 : i32
        %dma_start3A_239 = tpu.memref_slice %arg2[%dma_start3A_237, %dma_start3A_238] : memref<10000x64xf32, #tpu.memory_space<hbm>> -> memref<10000x64xf32, #tpu.memory_space<hbm>>
        tpu.enqueue_indirect_dma source(%dma_start3A_239 : memref<10000x64xf32, #tpu.memory_space<hbm>>) target(%arg12 : memref<128x64xf32, #tpu.memory_space<vmem>>) offsets(%dma_start3A_236 : memref<128xi32, #tpu.memory_space<vmem>>) semaphore(%arg18 : memref<!tpu.dma_semaphore, #tpu.memory_space<semaphore_mem>>)
      } else {
      }
      %add3A_213 = arith.constant 4 : i32
      %add3A_214 = arith.addi %add3A_121, %add3A_213 : i32
      %add3A_215 = arith.constant 3 : i32
      %add3A_216 = arith.addi %add3A_214, %add3A_215 : i32
      %lt3A_217 = arith.constant 76 : i32
      %lt3A_218 = arith.cmpi slt, %add3A_216, %lt3A_217 : i32
      %convert_element_type3A_219 = arith.extui %lt3A_218 : i1 to i32
      %cond3A_220 = arith.constant 0 : i32
      %cond3A_221 = arith.cmpi ne, %convert_element_type3A_219, %cond3A_220 : i32
      scf.if %cond3A_221 {
        %add3A_222 = arith.constant 3 : i32
        %add3A_223 = arith.addi %add3A_121, %add3A_222 : i32
        %dma_wait3A_224 = arith.constant 0 : i32
        %dma_wait3A_225 = tpu.memref_slice %arg9[%add3A_223, %dma_wait3A_224] : memref<79x128xi32, #tpu.memory_space<vmem>> -> memref<1x128xi32, #tpu.memory_space<vmem>>
        %dma_wait3A_226 = tpu.memref_squeeze %dma_wait3A_225 : memref<1x128xi32, #tpu.memory_space<vmem>> -> memref<128xi32, #tpu.memory_space<vmem>>
        %dma_wait3A_227 = arith.constant 0 : i32
        %dma_wait3A_228 = arith.constant 0 : i32
        %dma_wait3A_229 = tpu.memref_slice %arg14[%dma_wait3A_227, %dma_wait3A_228] : memref<10112x64xf32, #tpu.memory_space<vmem_shared>> -> memref<10112x64xf32, #tpu.memory_space<vmem_shared>>
        tpu.wait_indirect_dma semaphore(%arg23 : memref<!tpu.dma_semaphore, #tpu.memory_space<semaphore_mem>>) src(%arg13 : memref<128x64xf32, #tpu.memory_space<vmem>>) dst(%dma_wait3A_229 : memref<10112x64xf32, #tpu.memory_space<vmem_shared>>)
        %add3A_230 = arith.constant 4 : i32
        %add3A_231 = arith.addi %add3A_121, %add3A_230 : i32
        %add3A_232 = arith.constant 3 : i32
        %add3A_233 = arith.addi %add3A_231, %add3A_232 : i32
        %dma_start3A_234 = arith.constant 0 : i32
        %dma_start3A_235 = tpu.memref_slice %arg8[%add3A_233, %dma_start3A_234] : memref<79x128xi32, #tpu.memory_space<vmem>> -> memref<1x128xi32, #tpu.memory_space<vmem>>
        %dma_start3A_236 = tpu.memref_squeeze %dma_start3A_235 : memref<1x128xi32, #tpu.memory_space<vmem>> -> memref<128xi32, #tpu.memory_space<vmem>>
        %dma_start3A_237 = arith.constant 0 : i32
        %dma_start3A_238 = arith.constant 0 : i32
        %dma_start3A_239 = tpu.memref_slice %arg2[%dma_start3A_237, %dma_start3A_238] : memref<10000x64xf32, #tpu.memory_space<hbm>> -> memref<10000x64xf32, #tpu.memory_space<hbm>>
        tpu.enqueue_indirect_dma source(%dma_start3A_239 : memref<10000x64xf32, #tpu.memory_space<hbm>>) target(%arg13 : memref<128x64xf32, #tpu.memory_space<vmem>>) offsets(%dma_start3A_236 : memref<128xi32, #tpu.memory_space<vmem>>) semaphore(%arg19 : memref<!tpu.dma_semaphore, #tpu.memory_space<semaphore_mem>>)
      } else {
      }
    }
    %scan3A_44 = arith.constant 19 : i32
    %dma_wait3A_45 = arith.constant 0 : i32
    %dma_wait3A_46 = arith.constant 0 : i32
    %dma_wait3A_47 = tpu.memref_slice %arg9[%dma_wait3A_45, %dma_wait3A_46] : memref<79x128xi32, #tpu.memory_space<vmem>> -> memref<1x128xi32, #tpu.memory_space<vmem>>
    %dma_wait3A_48 = tpu.memref_squeeze %dma_wait3A_47 : memref<1x128xi32, #tpu.memory_space<vmem>> -> memref<128xi32, #tpu.memory_space<vmem>>
    %dma_wait3A_49 = arith.constant 0 : i32
    %dma_wait3A_50 = arith.constant 0 : i32
    %dma_wait3A_51 = tpu.memref_slice %arg14[%dma_wait3A_49, %dma_wait3A_50] : memref<10112x64xf32, #tpu.memory_space<vmem_shared>> -> memref<10112x64xf32, #tpu.memory_space<vmem_shared>>
    tpu.wait_indirect_dma semaphore(%arg20 : memref<!tpu.dma_semaphore, #tpu.memory_space<semaphore_mem>>) src(%arg10 : memref<128x64xf32, #tpu.memory_space<vmem>>) dst(%dma_wait3A_51 : memref<10112x64xf32, #tpu.memory_space<vmem_shared>>)
    %dma_wait3A_52 = arith.constant 1 : i32
    %dma_wait3A_53 = arith.constant 0 : i32
    %dma_wait3A_54 = tpu.memref_slice %arg9[%dma_wait3A_52, %dma_wait3A_53] : memref<79x128xi32, #tpu.memory_space<vmem>> -> memref<1x128xi32, #tpu.memory_space<vmem>>
    %dma_wait3A_55 = tpu.memref_squeeze %dma_wait3A_54 : memref<1x128xi32, #tpu.memory_space<vmem>> -> memref<128xi32, #tpu.memory_space<vmem>>
    %dma_wait3A_56 = arith.constant 0 : i32
    %dma_wait3A_57 = arith.constant 0 : i32
    %dma_wait3A_58 = tpu.memref_slice %arg14[%dma_wait3A_56, %dma_wait3A_57] : memref<10112x64xf32, #tpu.memory_space<vmem_shared>> -> memref<10112x64xf32, #tpu.memory_space<vmem_shared>>
    tpu.wait_indirect_dma semaphore(%arg21 : memref<!tpu.dma_semaphore, #tpu.memory_space<semaphore_mem>>) src(%arg11 : memref<128x64xf32, #tpu.memory_space<vmem>>) dst(%dma_wait3A_58 : memref<10112x64xf32, #tpu.memory_space<vmem_shared>>)
    %dma_wait3A_59 = arith.constant 2 : i32
    %dma_wait3A_60 = arith.constant 0 : i32
    %dma_wait3A_61 = tpu.memref_slice %arg9[%dma_wait3A_59, %dma_wait3A_60] : memref<79x128xi32, #tpu.memory_space<vmem>> -> memref<1x128xi32, #tpu.memory_space<vmem>>
    %dma_wait3A_62 = tpu.memref_squeeze %dma_wait3A_61 : memref<1x128xi32, #tpu.memory_space<vmem>> -> memref<128xi32, #tpu.memory_space<vmem>>
    %dma_wait3A_63 = arith.constant 0 : i32
    %dma_wait3A_64 = arith.constant 0 : i32
    %dma_wait3A_65 = tpu.memref_slice %arg14[%dma_wait3A_63, %dma_wait3A_64] : memref<10112x64xf32, #tpu.memory_space<vmem_shared>> -> memref<10112x64xf32, #tpu.memory_space<vmem_shared>>
    tpu.wait_indirect_dma semaphore(%arg22 : memref<!tpu.dma_semaphore, #tpu.memory_space<semaphore_mem>>) src(%arg12 : memref<128x64xf32, #tpu.memory_space<vmem>>) dst(%dma_wait3A_65 : memref<10112x64xf32, #tpu.memory_space<vmem_shared>>)
    %dma_wait3A_66 = arith.constant 3 : i32
    %dma_wait3A_67 = arith.constant 0 : i32
    %dma_wait3A_68 = tpu.memref_slice %arg9[%dma_wait3A_66, %dma_wait3A_67] : memref<79x128xi32, #tpu.memory_space<vmem>> -> memref<1x128xi32, #tpu.memory_space<vmem>>
    %dma_wait3A_69 = tpu.memref_squeeze %dma_wait3A_68 : memref<1x128xi32, #tpu.memory_space<vmem>> -> memref<128xi32, #tpu.memory_space<vmem>>
    %dma_wait3A_70 = arith.constant 0 : i32
    %dma_wait3A_71 = arith.constant 0 : i32
    %dma_wait3A_72 = tpu.memref_slice %arg14[%dma_wait3A_70, %dma_wait3A_71] : memref<10112x64xf32, #tpu.memory_space<vmem_shared>> -> memref<10112x64xf32, #tpu.memory_space<vmem_shared>>
    tpu.wait_indirect_dma semaphore(%arg23 : memref<!tpu.dma_semaphore, #tpu.memory_space<semaphore_mem>>) src(%arg13 : memref<128x64xf32, #tpu.memory_space<vmem>>) dst(%dma_wait3A_72 : memref<10112x64xf32, #tpu.memory_space<vmem_shared>>)
    %dma_start3A_73 = arith.constant 76 : i32
    %dma_start3A_74 = arith.constant 0 : i32
    %dma_start3A_75 = tpu.memref_slice %arg8[%dma_start3A_73, %dma_start3A_74] : memref<79x128xi32, #tpu.memory_space<vmem>> -> memref<1x128xi32, #tpu.memory_space<vmem>>
    %dma_start3A_76 = tpu.memref_squeeze %dma_start3A_75 : memref<1x128xi32, #tpu.memory_space<vmem>> -> memref<128xi32, #tpu.memory_space<vmem>>
    %dma_start3A_77 = arith.constant 0 : i32
    %dma_start3A_78 = arith.constant 0 : i32
    %dma_start3A_79 = tpu.memref_slice %arg2[%dma_start3A_77, %dma_start3A_78] : memref<10000x64xf32, #tpu.memory_space<hbm>> -> memref<10000x64xf32, #tpu.memory_space<hbm>>
    tpu.enqueue_indirect_dma source(%dma_start3A_79 : memref<10000x64xf32, #tpu.memory_space<hbm>>) target(%arg10 : memref<128x64xf32, #tpu.memory_space<vmem>>) offsets(%dma_start3A_76 : memref<128xi32, #tpu.memory_space<vmem>>) semaphore(%arg16 : memref<!tpu.dma_semaphore, #tpu.memory_space<semaphore_mem>>)
    %dma_start3A_80 = arith.constant 77 : i32
    %dma_start3A_81 = arith.constant 0 : i32
    %dma_start3A_82 = tpu.memref_slice %arg8[%dma_start3A_80, %dma_start3A_81] : memref<79x128xi32, #tpu.memory_space<vmem>> -> memref<1x128xi32, #tpu.memory_space<vmem>>
    %dma_start3A_83 = tpu.memref_squeeze %dma_start3A_82 : memref<1x128xi32, #tpu.memory_space<vmem>> -> memref<128xi32, #tpu.memory_space<vmem>>
    %dma_start3A_84 = arith.constant 0 : i32
    %dma_start3A_85 = arith.constant 0 : i32
    %dma_start3A_86 = tpu.memref_slice %arg2[%dma_start3A_84, %dma_start3A_85] : memref<10000x64xf32, #tpu.memory_space<hbm>> -> memref<10000x64xf32, #tpu.memory_space<hbm>>
    tpu.enqueue_indirect_dma source(%dma_start3A_86 : memref<10000x64xf32, #tpu.memory_space<hbm>>) target(%arg11 : memref<128x64xf32, #tpu.memory_space<vmem>>) offsets(%dma_start3A_83 : memref<128xi32, #tpu.memory_space<vmem>>) semaphore(%arg17 : memref<!tpu.dma_semaphore, #tpu.memory_space<semaphore_mem>>)
    %dma_wait3A_87 = arith.constant 76 : i32
    %dma_wait3A_88 = arith.constant 0 : i32
    %dma_wait3A_89 = tpu.memref_slice %arg8[%dma_wait3A_87, %dma_wait3A_88] : memref<79x128xi32, #tpu.memory_space<vmem>> -> memref<1x128xi32, #tpu.memory_space<vmem>>
    %dma_wait3A_90 = tpu.memref_squeeze %dma_wait3A_89 : memref<1x128xi32, #tpu.memory_space<vmem>> -> memref<128xi32, #tpu.memory_space<vmem>>
    %dma_wait3A_91 = arith.constant 0 : i32
    %dma_wait3A_92 = arith.constant 0 : i32
    %dma_wait3A_93 = tpu.memref_slice %arg2[%dma_wait3A_91, %dma_wait3A_92] : memref<10000x64xf32, #tpu.memory_space<hbm>> -> memref<10000x64xf32, #tpu.memory_space<hbm>>
    tpu.wait_indirect_dma semaphore(%arg16 : memref<!tpu.dma_semaphore, #tpu.memory_space<semaphore_mem>>) src(%dma_wait3A_93 : memref<10000x64xf32, #tpu.memory_space<hbm>>) dst(%arg10 : memref<128x64xf32, #tpu.memory_space<vmem>>)
    %run_scoped3A = arith.constant 76 : i32
    "tpu.region"() ({
      %run_scoped3A_117 = tpu.sem_alloc : memref<!tpu.dma_semaphore, #tpu.memory_space<semaphore_mem>>
      %dma_start3A_118 = arith.constant 0 : i32
      %dma_start3A_119 = tpu.memref_slice %arg9[%run_scoped3A, %dma_start3A_118] : memref<79x128xi32, #tpu.memory_space<vmem>> -> memref<1x128xi32, #tpu.memory_space<vmem>>
      %dma_start3A_120 = tpu.memref_squeeze %dma_start3A_119 : memref<1x128xi32, #tpu.memory_space<vmem>> -> memref<128xi32, #tpu.memory_space<vmem>>
      %dma_start3A_121 = arith.constant 0 : i32
      %dma_start3A_122 = arith.constant 0 : i32
      %dma_start3A_123 = tpu.memref_slice %arg14[%dma_start3A_121, %dma_start3A_122] : memref<10112x64xf32, #tpu.memory_space<vmem_shared>> -> memref<10112x64xf32, #tpu.memory_space<vmem_shared>>
      tpu.enqueue_indirect_dma source(%arg10 : memref<128x64xf32, #tpu.memory_space<vmem>>) target(%dma_start3A_123 : memref<10112x64xf32, #tpu.memory_space<vmem_shared>>) offsets(%dma_start3A_120 : memref<128xi32, #tpu.memory_space<vmem>>) semaphore(%run_scoped3A_117 : memref<!tpu.dma_semaphore, #tpu.memory_space<semaphore_mem>>) {add = true}
      %dma_wait3A_124 = arith.constant 0 : i32
      %dma_wait3A_125 = tpu.memref_slice %arg9[%run_scoped3A, %dma_wait3A_124] : memref<79x128xi32, #tpu.memory_space<vmem>> -> memref<1x128xi32, #tpu.memory_space<vmem>>
      %dma_wait3A_126 = tpu.memref_squeeze %dma_wait3A_125 : memref<1x128xi32, #tpu.memory_space<vmem>> -> memref<128xi32, #tpu.memory_space<vmem>>
      %dma_wait3A_127 = arith.constant 0 : i32
      %dma_wait3A_128 = arith.constant 0 : i32
      %dma_wait3A_129 = tpu.memref_slice %arg14[%dma_wait3A_127, %dma_wait3A_128] : memref<10112x64xf32, #tpu.memory_space<vmem_shared>> -> memref<10112x64xf32, #tpu.memory_space<vmem_shared>>
      tpu.wait_indirect_dma semaphore(%run_scoped3A_117 : memref<!tpu.dma_semaphore, #tpu.memory_space<semaphore_mem>>) src(%arg10 : memref<128x64xf32, #tpu.memory_space<vmem>>) dst(%dma_wait3A_129 : memref<10112x64xf32, #tpu.memory_space<vmem_shared>>)
      tpu.yield
    }) : () -> ()
    %dma_wait3A_94 = arith.constant 77 : i32
    %dma_wait3A_95 = arith.constant 0 : i32
    %dma_wait3A_96 = tpu.memref_slice %arg8[%dma_wait3A_94, %dma_wait3A_95] : memref<79x128xi32, #tpu.memory_space<vmem>> -> memref<1x128xi32, #tpu.memory_space<vmem>>
    %dma_wait3A_97 = tpu.memref_squeeze %dma_wait3A_96 : memref<1x128xi32, #tpu.memory_space<vmem>> -> memref<128xi32, #tpu.memory_space<vmem>>
    %dma_wait3A_98 = arith.constant 0 : i32
    %dma_wait3A_99 = arith.constant 0 : i32
    %dma_wait3A_100 = tpu.memref_slice %arg2[%dma_wait3A_98, %dma_wait3A_99] : memref<10000x64xf32, #tpu.memory_space<hbm>> -> memref<10000x64xf32, #tpu.memory_space<hbm>>
    tpu.wait_indirect_dma semaphore(%arg17 : memref<!tpu.dma_semaphore, #tpu.memory_space<semaphore_mem>>) src(%dma_wait3A_100 : memref<10000x64xf32, #tpu.memory_space<hbm>>) dst(%arg11 : memref<128x64xf32, #tpu.memory_space<vmem>>)
    %run_scoped3A_101 = arith.constant 77 : i32
    "tpu.region"() ({
      %run_scoped3A_117 = tpu.sem_alloc : memref<!tpu.dma_semaphore, #tpu.memory_space<semaphore_mem>>
      %dma_start3A_118 = arith.constant 0 : i32
      %dma_start3A_119 = tpu.memref_slice %arg9[%run_scoped3A_101, %dma_start3A_118] : memref<79x128xi32, #tpu.memory_space<vmem>> -> memref<1x128xi32, #tpu.memory_space<vmem>>
      %dma_start3A_120 = tpu.memref_squeeze %dma_start3A_119 : memref<1x128xi32, #tpu.memory_space<vmem>> -> memref<128xi32, #tpu.memory_space<vmem>>
      %dma_start3A_121 = arith.constant 0 : i32
      %dma_start3A_122 = arith.constant 0 : i32
      %dma_start3A_123 = tpu.memref_slice %arg14[%dma_start3A_121, %dma_start3A_122] : memref<10112x64xf32, #tpu.memory_space<vmem_shared>> -> memref<10112x64xf32, #tpu.memory_space<vmem_shared>>
      tpu.enqueue_indirect_dma source(%arg11 : memref<128x64xf32, #tpu.memory_space<vmem>>) target(%dma_start3A_123 : memref<10112x64xf32, #tpu.memory_space<vmem_shared>>) offsets(%dma_start3A_120 : memref<128xi32, #tpu.memory_space<vmem>>) semaphore(%run_scoped3A_117 : memref<!tpu.dma_semaphore, #tpu.memory_space<semaphore_mem>>) {add = true}
      %dma_wait3A_124 = arith.constant 0 : i32
      %dma_wait3A_125 = tpu.memref_slice %arg9[%run_scoped3A_101, %dma_wait3A_124] : memref<79x128xi32, #tpu.memory_space<vmem>> -> memref<1x128xi32, #tpu.memory_space<vmem>>
      %dma_wait3A_126 = tpu.memref_squeeze %dma_wait3A_125 : memref<1x128xi32, #tpu.memory_space<vmem>> -> memref<128xi32, #tpu.memory_space<vmem>>
      %dma_wait3A_127 = arith.constant 0 : i32
      %dma_wait3A_128 = arith.constant 0 : i32
      %dma_wait3A_129 = tpu.memref_slice %arg14[%dma_wait3A_127, %dma_wait3A_128] : memref<10112x64xf32, #tpu.memory_space<vmem_shared>> -> memref<10112x64xf32, #tpu.memory_space<vmem_shared>>
      tpu.wait_indirect_dma semaphore(%run_scoped3A_117 : memref<!tpu.dma_semaphore, #tpu.memory_space<semaphore_mem>>) src(%arg11 : memref<128x64xf32, #tpu.memory_space<vmem>>) dst(%dma_wait3A_129 : memref<10112x64xf32, #tpu.memory_space<vmem_shared>>)
      tpu.yield
    }) : () -> ()
    %lt3A_102 = arith.constant 4 : i32
    %lt3A_103 = arith.cmpi slt, %add3A, %lt3A_102 : i32
    %convert_element_type3A_104 = arith.extui %lt3A_103 : i1 to i32
    %cond3A_105 = arith.constant 0 : i32
    %cond3A_106 = arith.cmpi ne, %convert_element_type3A_104, %cond3A_105 : i32
    scf.if %cond3A_106 {
      %dma_start3A_117 = arith.constant 78 : i32
      %dma_start3A_118 = arith.constant 0 : i32
      %dma_start3A_119 = tpu.memref_slice %arg8[%dma_start3A_117, %dma_start3A_118] : memref<79x128xi32, #tpu.memory_space<vmem>> -> memref<1x128xi32, #tpu.memory_space<vmem>>
      %dma_start3A_120 = tpu.memref_squeeze %dma_start3A_119 : memref<1x128xi32, #tpu.memory_space<vmem>> -> memref<128xi32, #tpu.memory_space<vmem>>
      %dma_start3A_121 = arith.constant 0 : i32
      %dma_start3A_122 = arith.constant 0 : i32
      %dma_start3A_123 = tpu.memref_slice %arg2[%dma_start3A_121, %dma_start3A_122] : memref<10000x64xf32, #tpu.memory_space<hbm>> -> memref<10000x64xf32, #tpu.memory_space<hbm>>
      tpu.enqueue_indirect_dma source(%dma_start3A_123 : memref<10000x64xf32, #tpu.memory_space<hbm>>) target(%arg10 : memref<128x64xf32, #tpu.memory_space<vmem>>) offsets(%dma_start3A_120 : memref<128xi32, #tpu.memory_space<vmem>>) semaphore(%arg16 : memref<!tpu.dma_semaphore, #tpu.memory_space<semaphore_mem>>)
      %dma_wait3A_124 = arith.constant 78 : i32
      %dma_wait3A_125 = arith.constant 0 : i32
      %dma_wait3A_126 = tpu.memref_slice %arg8[%dma_wait3A_124, %dma_wait3A_125] : memref<79x128xi32, #tpu.memory_space<vmem>> -> memref<1x128xi32, #tpu.memory_space<vmem>>
      %dma_wait3A_127 = tpu.memref_squeeze %dma_wait3A_126 : memref<1x128xi32, #tpu.memory_space<vmem>> -> memref<128xi32, #tpu.memory_space<vmem>>
      %dma_wait3A_128 = arith.constant 0 : i32
      %dma_wait3A_129 = arith.constant 0 : i32
      %dma_wait3A_130 = tpu.memref_slice %arg2[%dma_wait3A_128, %dma_wait3A_129] : memref<10000x64xf32, #tpu.memory_space<hbm>> -> memref<10000x64xf32, #tpu.memory_space<hbm>>
      tpu.wait_indirect_dma semaphore(%arg16 : memref<!tpu.dma_semaphore, #tpu.memory_space<semaphore_mem>>) src(%dma_wait3A_130 : memref<10000x64xf32, #tpu.memory_space<hbm>>) dst(%arg10 : memref<128x64xf32, #tpu.memory_space<vmem>>)
      %run_scoped3A_131 = arith.constant 78 : i32
      "tpu.region"() ({
        %run_scoped3A_132 = tpu.sem_alloc : memref<!tpu.dma_semaphore, #tpu.memory_space<semaphore_mem>>
        %dma_start3A_133 = arith.constant 0 : i32
        %dma_start3A_134 = tpu.memref_slice %arg9[%run_scoped3A_131, %dma_start3A_133] : memref<79x128xi32, #tpu.memory_space<vmem>> -> memref<1x128xi32, #tpu.memory_space<vmem>>
        %dma_start3A_135 = tpu.memref_squeeze %dma_start3A_134 : memref<1x128xi32, #tpu.memory_space<vmem>> -> memref<128xi32, #tpu.memory_space<vmem>>
        %dma_start3A_136 = arith.constant 0 : i32
        %dma_start3A_137 = arith.constant 0 : i32
        %dma_start3A_138 = tpu.memref_slice %arg14[%dma_start3A_136, %dma_start3A_137] : memref<10112x64xf32, #tpu.memory_space<vmem_shared>> -> memref<10112x64xf32, #tpu.memory_space<vmem_shared>>
        tpu.enqueue_indirect_dma source(%arg10 : memref<128x64xf32, #tpu.memory_space<vmem>>) target(%dma_start3A_138 : memref<10112x64xf32, #tpu.memory_space<vmem_shared>>) offsets(%dma_start3A_135 : memref<128xi32, #tpu.memory_space<vmem>>) semaphore(%run_scoped3A_132 : memref<!tpu.dma_semaphore, #tpu.memory_space<semaphore_mem>>) {add = true}
        %dma_wait3A_139 = arith.constant 0 : i32
        %dma_wait3A_140 = tpu.memref_slice %arg9[%run_scoped3A_131, %dma_wait3A_139] : memref<79x128xi32, #tpu.memory_space<vmem>> -> memref<1x128xi32, #tpu.memory_space<vmem>>
        %dma_wait3A_141 = tpu.memref_squeeze %dma_wait3A_140 : memref<1x128xi32, #tpu.memory_space<vmem>> -> memref<128xi32, #tpu.memory_space<vmem>>
        %dma_wait3A_142 = arith.constant 0 : i32
        %dma_wait3A_143 = arith.constant 0 : i32
        %dma_wait3A_144 = tpu.memref_slice %arg14[%dma_wait3A_142, %dma_wait3A_143] : memref<10112x64xf32, #tpu.memory_space<vmem_shared>> -> memref<10112x64xf32, #tpu.memory_space<vmem_shared>>
        tpu.wait_indirect_dma semaphore(%run_scoped3A_132 : memref<!tpu.dma_semaphore, #tpu.memory_space<semaphore_mem>>) src(%arg10 : memref<128x64xf32, #tpu.memory_space<vmem>>) dst(%dma_wait3A_144 : memref<10112x64xf32, #tpu.memory_space<vmem_shared>>)
        tpu.yield
      }) : () -> ()
    } else {
    }
    %barrier3A_107 = arith.constant 0 : index
    tpu.barrier barrier_id(%barrier3A_107)
    %eq3A = arith.constant 0 : i32
    %eq3A_108 = arith.cmpi eq, %arg0, %eq3A : i32
    %convert_element_type3A_109 = arith.extui %eq3A_108 : i1 to i32
    %cond3A_110 = arith.constant 0 : i32
    %cond3A_111 = arith.cmpi ne, %convert_element_type3A_109, %cond3A_110 : i32
    scf.if %cond3A_111 {
      %mul3A_117 = arith.constant 632 : i32
      %mul3A_118 = arith.muli %arg1, %mul3A_117 : i32
      %mul3A_119 = arith.constant 632 : i32
      %mul3A_120 = arith.muli %arg1, %mul3A_119 : i32
      "tpu.region"() ({
        %run_scoped3A_121 = tpu.sem_alloc : memref<!tpu.dma_semaphore, #tpu.memory_space<semaphore_mem>>
        %dma_start3A_122 = arith.constant 0 : i32
        %dma_start3A_123 = tpu.memref_slice %arg6[%mul3A_120, %dma_start3A_122] : memref<10112x64xf32, #tpu.memory_space<hbm>> -> memref<632x64xf32, #tpu.memory_space<hbm>>
        %dma_start3A_124 = arith.constant 0 : i32
        %dma_start3A_125 = tpu.memref_slice %arg14[%mul3A_118, %dma_start3A_124] : memref<10112x64xf32, #tpu.memory_space<vmem_shared>> -> memref<632x64xf32, #tpu.memory_space<vmem_shared>>
        tpu.enqueue_dma source(%dma_start3A_125 : memref<632x64xf32, #tpu.memory_space<vmem_shared>>) target(%dma_start3A_123 : memref<632x64xf32, #tpu.memory_space<hbm>>) target_semaphore(%run_scoped3A_121 : memref<!tpu.dma_semaphore, #tpu.memory_space<semaphore_mem>>)
        %dma_wait3A_126 = arith.constant 0 : i32
        %dma_wait3A_127 = tpu.memref_slice %arg6[%mul3A_120, %dma_wait3A_126] : memref<10112x64xf32, #tpu.memory_space<hbm>> -> memref<632x64xf32, #tpu.memory_space<hbm>>
        %dma_wait3A_128 = arith.constant 0 : i32
        %dma_wait3A_129 = tpu.memref_slice %arg14[%mul3A_118, %dma_wait3A_128] : memref<10112x64xf32, #tpu.memory_space<vmem_shared>> -> memref<632x64xf32, #tpu.memory_space<vmem_shared>>
        tpu.wait_dma2 semaphore(%run_scoped3A_121 : memref<!tpu.dma_semaphore, #tpu.memory_space<semaphore_mem>>) src(%dma_wait3A_129 : memref<632x64xf32, #tpu.memory_space<vmem_shared>>) dst(%dma_wait3A_127 : memref<632x64xf32, #tpu.memory_space<hbm>>)
        tpu.yield
      }) : () -> ()
    } else {
    }
    %eq3A_112 = arith.constant 1 : i32
    %eq3A_113 = arith.cmpi eq, %arg0, %eq3A_112 : i32
    %convert_element_type3A_114 = arith.extui %eq3A_113 : i1 to i32
    %cond3A_115 = arith.constant 0 : i32
    %cond3A_116 = arith.cmpi ne, %convert_element_type3A_114, %cond3A_115 : i32
    scf.if %cond3A_116 {
      %mul3A_117 = arith.constant 632 : i32
      %mul3A_118 = arith.muli %arg1, %mul3A_117 : i32
      %mul3A_119 = arith.constant 632 : i32
      %mul3A_120 = arith.muli %arg1, %mul3A_119 : i32
      "tpu.region"() ({
        %run_scoped3A_121 = tpu.sem_alloc : memref<!tpu.dma_semaphore, #tpu.memory_space<semaphore_mem>>
        %dma_start3A_122 = arith.constant 0 : i32
        %dma_start3A_123 = tpu.memref_slice %arg7[%mul3A_120, %dma_start3A_122] : memref<10112x64xf32, #tpu.memory_space<hbm>> -> memref<632x64xf32, #tpu.memory_space<hbm>>
        %dma_start3A_124 = arith.constant 0 : i32
        %dma_start3A_125 = tpu.memref_slice %arg14[%mul3A_118, %dma_start3A_124] : memref<10112x64xf32, #tpu.memory_space<vmem_shared>> -> memref<632x64xf32, #tpu.memory_space<vmem_shared>>
        tpu.enqueue_dma source(%dma_start3A_125 : memref<632x64xf32, #tpu.memory_space<vmem_shared>>) target(%dma_start3A_123 : memref<632x64xf32, #tpu.memory_space<hbm>>) target_semaphore(%run_scoped3A_121 : memref<!tpu.dma_semaphore, #tpu.memory_space<semaphore_mem>>)
        %dma_wait3A_126 = arith.constant 0 : i32
        %dma_wait3A_127 = tpu.memref_slice %arg7[%mul3A_120, %dma_wait3A_126] : memref<10112x64xf32, #tpu.memory_space<hbm>> -> memref<632x64xf32, #tpu.memory_space<hbm>>
        %dma_wait3A_128 = arith.constant 0 : i32
        %dma_wait3A_129 = tpu.memref_slice %arg14[%mul3A_118, %dma_wait3A_128] : memref<10112x64xf32, #tpu.memory_space<vmem_shared>> -> memref<632x64xf32, #tpu.memory_space<vmem_shared>>
        tpu.wait_dma2 semaphore(%run_scoped3A_121 : memref<!tpu.dma_semaphore, #tpu.memory_space<semaphore_mem>>) src(%dma_wait3A_129 : memref<632x64xf32, #tpu.memory_space<vmem_shared>>) dst(%dma_wait3A_127 : memref<632x64xf32, #tpu.memory_space<hbm>>)
        tpu.yield
      }) : () -> ()
    } else {
    }
    return
  }
}

#map = affine_map<(d0, d1) -> (0, 0)>
module attributes {stable_mosaic.version = 14 : i64} {
  func.func @sc_segsum_d80(%arg0: i32, %arg1: i32, %arg2: memref<10000x80xf32, #tpu.memory_space<hbm>>, %arg3: memref<2500x128xi32, #tpu.memory_space<hbm>>, %arg4: memref<2500x128xi32, #tpu.memory_space<hbm>>, %arg5: memref<10112x80xf32, #tpu.memory_space<hbm>>, %arg6: memref<10112x80xf32, #tpu.memory_space<hbm>>, %arg7: memref<10112x80xf32, #tpu.memory_space<hbm>>, %arg8: memref<79x128xi32, #tpu.memory_space<vmem>>, %arg9: memref<79x128xi32, #tpu.memory_space<vmem>>, %arg10: memref<128x80xf32, #tpu.memory_space<vmem>>, %arg11: memref<128x80xf32, #tpu.memory_space<vmem>>, %arg12: memref<128x80xf32, #tpu.memory_space<vmem>>, %arg13: memref<128x80xf32, #tpu.memory_space<vmem>>, %arg14: memref<10112x80xf32, #tpu.memory_space<vmem_shared>>, %arg15: memref<!tpu.dma_semaphore, #tpu.memory_space<semaphore_mem>>, %arg16: memref<!tpu.dma_semaphore, #tpu.memory_space<semaphore_mem>>, %arg17: memref<!tpu.dma_semaphore, #tpu.memory_space<semaphore_mem>>, %arg18: memref<!tpu.dma_semaphore, #tpu.memory_space<semaphore_mem>>, %arg19: memref<!tpu.dma_semaphore, #tpu.memory_space<semaphore_mem>>, %arg20: memref<!tpu.dma_semaphore, #tpu.memory_space<semaphore_mem>>, %arg21: memref<!tpu.dma_semaphore, #tpu.memory_space<semaphore_mem>>, %arg22: memref<!tpu.dma_semaphore, #tpu.memory_space<semaphore_mem>>, %arg23: memref<!tpu.dma_semaphore, #tpu.memory_space<semaphore_mem>>) attributes {dimension_semantics = [#tpu.dimension_semantics<core_parallel>, #tpu.dimension_semantics<subcore_parallel>], iteration_bounds = array<i64: 2, 16>, scalar_prefetch = 0 : i64, scratch_operands = 16 : i64, tpu.core_type = #tpu.core_type<sc_vector_subcore>, window_params = [{transform_indices = #map}, {transform_indices = #map}, {transform_indices = #map}, {transform_indices = #map}, {transform_indices = #map}, {transform_indices = #map}]} {
    %mul3A = arith.constant 2 : i32
    %mul3A_0 = arith.muli %arg1, %mul3A : i32
    %add3A = arith.addi %mul3A_0, %arg0 : i32
    %mul3A_1 = arith.constant 632 : i32
    %mul3A_2 = arith.muli %arg1, %mul3A_1 : i32
    %mul3A_3 = arith.constant 78 : i32
    %mul3A_4 = arith.muli %add3A, %mul3A_3 : i32
    %dma_start3A = arith.constant 0 : i32
    %dma_start3A_5 = tpu.memref_slice %arg14[%mul3A_2, %dma_start3A] : memref<10112x80xf32, #tpu.memory_space<vmem_shared>> -> memref<632x80xf32, #tpu.memory_space<vmem_shared>>
    %dma_start3A_6 = arith.constant 0 : i32
    %dma_start3A_7 = tpu.memref_slice %arg5[%mul3A_2, %dma_start3A_6] : memref<10112x80xf32, #tpu.memory_space<hbm>> -> memref<632x80xf32, #tpu.memory_space<hbm>>
    tpu.enqueue_dma source(%dma_start3A_7 : memref<632x80xf32, #tpu.memory_space<hbm>>) target(%dma_start3A_5 : memref<632x80xf32, #tpu.memory_space<vmem_shared>>) target_semaphore(%arg15 : memref<!tpu.dma_semaphore, #tpu.memory_space<semaphore_mem>>)
    "tpu.region"() ({
      %run_scoped3A_117 = tpu.sem_alloc : memref<!tpu.dma_semaphore, #tpu.memory_space<semaphore_mem>>
      %dma_start3A_118 = arith.constant 0 : i32
      %dma_start3A_119 = arith.constant 0 : i32
      %dma_start3A_120 = tpu.memref_slice %arg8[%dma_start3A_118, %dma_start3A_119] : memref<79x128xi32, #tpu.memory_space<vmem>> -> memref<78x128xi32, #tpu.memory_space<vmem>>
      %dma_start3A_121 = arith.constant 0 : i32
      %dma_start3A_122 = tpu.memref_slice %arg3[%mul3A_4, %dma_start3A_121] : memref<2500x128xi32, #tpu.memory_space<hbm>> -> memref<78x128xi32, #tpu.memory_space<hbm>>
      %dma_start3A_123 = arith.constant 0 : i32
      %dma_start3A_124 = arith.constant 0 : i32
      %dma_start3A_125 = tpu.memref_slice %arg8[%dma_start3A_123, %dma_start3A_124] : memref<79x128xi32, #tpu.memory_space<vmem>> -> memref<78x128xi32, #tpu.memory_space<vmem>>
      %dma_start3A_126 = arith.constant 0 : i32
      %dma_start3A_127 = tpu.memref_slice %arg3[%mul3A_4, %dma_start3A_126] : memref<2500x128xi32, #tpu.memory_space<hbm>> -> memref<78x128xi32, #tpu.memory_space<hbm>>
      tpu.enqueue_dma source(%dma_start3A_127 : memref<78x128xi32, #tpu.memory_space<hbm>>) target(%dma_start3A_125 : memref<78x128xi32, #tpu.memory_space<vmem>>) target_semaphore(%run_scoped3A_117 : memref<!tpu.dma_semaphore, #tpu.memory_space<semaphore_mem>>)
      %dma_wait3A_128 = arith.constant 0 : i32
      %dma_wait3A_129 = arith.constant 0 : i32
      %dma_wait3A_130 = tpu.memref_slice %arg8[%dma_wait3A_128, %dma_wait3A_129] : memref<79x128xi32, #tpu.memory_space<vmem>> -> memref<78x128xi32, #tpu.memory_space<vmem>>
      %dma_wait3A_131 = arith.constant 0 : i32
      %dma_wait3A_132 = tpu.memref_slice %arg3[%mul3A_4, %dma_wait3A_131] : memref<2500x128xi32, #tpu.memory_space<hbm>> -> memref<78x128xi32, #tpu.memory_space<hbm>>
      %dma_wait3A_133 = arith.constant 0 : i32
      %dma_wait3A_134 = arith.constant 0 : i32
      %dma_wait3A_135 = tpu.memref_slice %arg8[%dma_wait3A_133, %dma_wait3A_134] : memref<79x128xi32, #tpu.memory_space<vmem>> -> memref<78x128xi32, #tpu.memory_space<vmem>>
      %dma_wait3A_136 = arith.constant 0 : i32
      %dma_wait3A_137 = tpu.memref_slice %arg3[%mul3A_4, %dma_wait3A_136] : memref<2500x128xi32, #tpu.memory_space<hbm>> -> memref<78x128xi32, #tpu.memory_space<hbm>>
      tpu.wait_dma2 semaphore(%run_scoped3A_117 : memref<!tpu.dma_semaphore, #tpu.memory_space<semaphore_mem>>) src(%dma_wait3A_137 : memref<78x128xi32, #tpu.memory_space<hbm>>) dst(%dma_wait3A_135 : memref<78x128xi32, #tpu.memory_space<vmem>>)
      tpu.yield
    }) : () -> ()
    "tpu.region"() ({
      %run_scoped3A_117 = tpu.sem_alloc : memref<!tpu.dma_semaphore, #tpu.memory_space<semaphore_mem>>
      %dma_start3A_118 = arith.constant 0 : i32
      %dma_start3A_119 = arith.constant 0 : i32
      %dma_start3A_120 = tpu.memref_slice %arg9[%dma_start3A_118, %dma_start3A_119] : memref<79x128xi32, #tpu.memory_space<vmem>> -> memref<78x128xi32, #tpu.memory_space<vmem>>
      %dma_start3A_121 = arith.constant 0 : i32
      %dma_start3A_122 = tpu.memref_slice %arg4[%mul3A_4, %dma_start3A_121] : memref<2500x128xi32, #tpu.memory_space<hbm>> -> memref<78x128xi32, #tpu.memory_space<hbm>>
      %dma_start3A_123 = arith.constant 0 : i32
      %dma_start3A_124 = arith.constant 0 : i32
      %dma_start3A_125 = tpu.memref_slice %arg9[%dma_start3A_123, %dma_start3A_124] : memref<79x128xi32, #tpu.memory_space<vmem>> -> memref<78x128xi32, #tpu.memory_space<vmem>>
      %dma_start3A_126 = arith.constant 0 : i32
      %dma_start3A_127 = tpu.memref_slice %arg4[%mul3A_4, %dma_start3A_126] : memref<2500x128xi32, #tpu.memory_space<hbm>> -> memref<78x128xi32, #tpu.memory_space<hbm>>
      tpu.enqueue_dma source(%dma_start3A_127 : memref<78x128xi32, #tpu.memory_space<hbm>>) target(%dma_start3A_125 : memref<78x128xi32, #tpu.memory_space<vmem>>) target_semaphore(%run_scoped3A_117 : memref<!tpu.dma_semaphore, #tpu.memory_space<semaphore_mem>>)
      %dma_wait3A_128 = arith.constant 0 : i32
      %dma_wait3A_129 = arith.constant 0 : i32
      %dma_wait3A_130 = tpu.memref_slice %arg9[%dma_wait3A_128, %dma_wait3A_129] : memref<79x128xi32, #tpu.memory_space<vmem>> -> memref<78x128xi32, #tpu.memory_space<vmem>>
      %dma_wait3A_131 = arith.constant 0 : i32
      %dma_wait3A_132 = tpu.memref_slice %arg4[%mul3A_4, %dma_wait3A_131] : memref<2500x128xi32, #tpu.memory_space<hbm>> -> memref<78x128xi32, #tpu.memory_space<hbm>>
      %dma_wait3A_133 = arith.constant 0 : i32
      %dma_wait3A_134 = arith.constant 0 : i32
      %dma_wait3A_135 = tpu.memref_slice %arg9[%dma_wait3A_133, %dma_wait3A_134] : memref<79x128xi32, #tpu.memory_space<vmem>> -> memref<78x128xi32, #tpu.memory_space<vmem>>
      %dma_wait3A_136 = arith.constant 0 : i32
      %dma_wait3A_137 = tpu.memref_slice %arg4[%mul3A_4, %dma_wait3A_136] : memref<2500x128xi32, #tpu.memory_space<hbm>> -> memref<78x128xi32, #tpu.memory_space<hbm>>
      tpu.wait_dma2 semaphore(%run_scoped3A_117 : memref<!tpu.dma_semaphore, #tpu.memory_space<semaphore_mem>>) src(%dma_wait3A_137 : memref<78x128xi32, #tpu.memory_space<hbm>>) dst(%dma_wait3A_135 : memref<78x128xi32, #tpu.memory_space<vmem>>)
      tpu.yield
    }) : () -> ()
    %lt3A = arith.constant 4 : i32
    %lt3A_8 = arith.cmpi slt, %add3A, %lt3A : i32
    %convert_element_type3A = arith.extui %lt3A_8 : i1 to i32
    %cond3A = arith.constant 0 : i32
    %cond3A_9 = arith.cmpi ne, %convert_element_type3A, %cond3A : i32
    scf.if %cond3A_9 {
      %add3A_117 = arith.constant 2496 : i32
      %add3A_118 = arith.addi %add3A_117, %add3A : i32
      "tpu.region"() ({
        %run_scoped3A_121 = tpu.sem_alloc : memref<!tpu.dma_semaphore, #tpu.memory_space<semaphore_mem>>
        %dma_start3A_122 = arith.constant 78 : i32
        %dma_start3A_123 = arith.constant 0 : i32
        %dma_start3A_124 = tpu.memref_slice %arg8[%dma_start3A_122, %dma_start3A_123] : memref<79x128xi32, #tpu.memory_space<vmem>> -> memref<1x128xi32, #tpu.memory_space<vmem>>
        %dma_start3A_125 = arith.constant 0 : i32
        %dma_start3A_126 = tpu.memref_slice %arg3[%add3A_118, %dma_start3A_125] : memref<2500x128xi32, #tpu.memory_space<hbm>> -> memref<1x128xi32, #tpu.memory_space<hbm>>
        %dma_start3A_127 = arith.constant 78 : i32
        %dma_start3A_128 = arith.constant 0 : i32
        %dma_start3A_129 = tpu.memref_slice %arg8[%dma_start3A_127, %dma_start3A_128] : memref<79x128xi32, #tpu.memory_space<vmem>> -> memref<1x128xi32, #tpu.memory_space<vmem>>
        %dma_start3A_130 = arith.constant 0 : i32
        %dma_start3A_131 = tpu.memref_slice %arg3[%add3A_118, %dma_start3A_130] : memref<2500x128xi32, #tpu.memory_space<hbm>> -> memref<1x128xi32, #tpu.memory_space<hbm>>
        tpu.enqueue_dma source(%dma_start3A_131 : memref<1x128xi32, #tpu.memory_space<hbm>>) target(%dma_start3A_129 : memref<1x128xi32, #tpu.memory_space<vmem>>) target_semaphore(%run_scoped3A_121 : memref<!tpu.dma_semaphore, #tpu.memory_space<semaphore_mem>>)
        %dma_wait3A_132 = arith.constant 78 : i32
        %dma_wait3A_133 = arith.constant 0 : i32
        %dma_wait3A_134 = tpu.memref_slice %arg8[%dma_wait3A_132, %dma_wait3A_133] : memref<79x128xi32, #tpu.memory_space<vmem>> -> memref<1x128xi32, #tpu.memory_space<vmem>>
        %dma_wait3A_135 = arith.constant 0 : i32
        %dma_wait3A_136 = tpu.memref_slice %arg3[%add3A_118, %dma_wait3A_135] : memref<2500x128xi32, #tpu.memory_space<hbm>> -> memref<1x128xi32, #tpu.memory_space<hbm>>
        %dma_wait3A_137 = arith.constant 78 : i32
        %dma_wait3A_138 = arith.constant 0 : i32
        %dma_wait3A_139 = tpu.memref_slice %arg8[%dma_wait3A_137, %dma_wait3A_138] : memref<79x128xi32, #tpu.memory_space<vmem>> -> memref<1x128xi32, #tpu.memory_space<vmem>>
        %dma_wait3A_140 = arith.constant 0 : i32
        %dma_wait3A_141 = tpu.memref_slice %arg3[%add3A_118, %dma_wait3A_140] : memref<2500x128xi32, #tpu.memory_space<hbm>> -> memref<1x128xi32, #tpu.memory_space<hbm>>
        tpu.wait_dma2 semaphore(%run_scoped3A_121 : memref<!tpu.dma_semaphore, #tpu.memory_space<semaphore_mem>>) src(%dma_wait3A_141 : memref<1x128xi32, #tpu.memory_space<hbm>>) dst(%dma_wait3A_139 : memref<1x128xi32, #tpu.memory_space<vmem>>)
        tpu.yield
      }) : () -> ()
      %add3A_119 = arith.constant 2496 : i32
      %add3A_120 = arith.addi %add3A_119, %add3A : i32
      "tpu.region"() ({
        %run_scoped3A_121 = tpu.sem_alloc : memref<!tpu.dma_semaphore, #tpu.memory_space<semaphore_mem>>
        %dma_start3A_122 = arith.constant 78 : i32
        %dma_start3A_123 = arith.constant 0 : i32
        %dma_start3A_124 = tpu.memref_slice %arg9[%dma_start3A_122, %dma_start3A_123] : memref<79x128xi32, #tpu.memory_space<vmem>> -> memref<1x128xi32, #tpu.memory_space<vmem>>
        %dma_start3A_125 = arith.constant 0 : i32
        %dma_start3A_126 = tpu.memref_slice %arg4[%add3A_120, %dma_start3A_125] : memref<2500x128xi32, #tpu.memory_space<hbm>> -> memref<1x128xi32, #tpu.memory_space<hbm>>
        %dma_start3A_127 = arith.constant 78 : i32
        %dma_start3A_128 = arith.constant 0 : i32
        %dma_start3A_129 = tpu.memref_slice %arg9[%dma_start3A_127, %dma_start3A_128] : memref<79x128xi32, #tpu.memory_space<vmem>> -> memref<1x128xi32, #tpu.memory_space<vmem>>
        %dma_start3A_130 = arith.constant 0 : i32
        %dma_start3A_131 = tpu.memref_slice %arg4[%add3A_120, %dma_start3A_130] : memref<2500x128xi32, #tpu.memory_space<hbm>> -> memref<1x128xi32, #tpu.memory_space<hbm>>
        tpu.enqueue_dma source(%dma_start3A_131 : memref<1x128xi32, #tpu.memory_space<hbm>>) target(%dma_start3A_129 : memref<1x128xi32, #tpu.memory_space<vmem>>) target_semaphore(%run_scoped3A_121 : memref<!tpu.dma_semaphore, #tpu.memory_space<semaphore_mem>>)
        %dma_wait3A_132 = arith.constant 78 : i32
        %dma_wait3A_133 = arith.constant 0 : i32
        %dma_wait3A_134 = tpu.memref_slice %arg9[%dma_wait3A_132, %dma_wait3A_133] : memref<79x128xi32, #tpu.memory_space<vmem>> -> memref<1x128xi32, #tpu.memory_space<vmem>>
        %dma_wait3A_135 = arith.constant 0 : i32
        %dma_wait3A_136 = tpu.memref_slice %arg4[%add3A_120, %dma_wait3A_135] : memref<2500x128xi32, #tpu.memory_space<hbm>> -> memref<1x128xi32, #tpu.memory_space<hbm>>
        %dma_wait3A_137 = arith.constant 78 : i32
        %dma_wait3A_138 = arith.constant 0 : i32
        %dma_wait3A_139 = tpu.memref_slice %arg9[%dma_wait3A_137, %dma_wait3A_138] : memref<79x128xi32, #tpu.memory_space<vmem>> -> memref<1x128xi32, #tpu.memory_space<vmem>>
        %dma_wait3A_140 = arith.constant 0 : i32
        %dma_wait3A_141 = tpu.memref_slice %arg4[%add3A_120, %dma_wait3A_140] : memref<2500x128xi32, #tpu.memory_space<hbm>> -> memref<1x128xi32, #tpu.memory_space<hbm>>
        tpu.wait_dma2 semaphore(%run_scoped3A_121 : memref<!tpu.dma_semaphore, #tpu.memory_space<semaphore_mem>>) src(%dma_wait3A_141 : memref<1x128xi32, #tpu.memory_space<hbm>>) dst(%dma_wait3A_139 : memref<1x128xi32, #tpu.memory_space<vmem>>)
        tpu.yield
      }) : () -> ()
    } else {
    }
    %dma_start3A_10 = arith.constant 0 : i32
    %dma_start3A_11 = arith.constant 0 : i32
    %dma_start3A_12 = tpu.memref_slice %arg8[%dma_start3A_10, %dma_start3A_11] : memref<79x128xi32, #tpu.memory_space<vmem>> -> memref<1x128xi32, #tpu.memory_space<vmem>>
    %dma_start3A_13 = tpu.memref_squeeze %dma_start3A_12 : memref<1x128xi32, #tpu.memory_space<vmem>> -> memref<128xi32, #tpu.memory_space<vmem>>
    %dma_start3A_14 = arith.constant 0 : i32
    %dma_start3A_15 = arith.constant 0 : i32
    %dma_start3A_16 = tpu.memref_slice %arg2[%dma_start3A_14, %dma_start3A_15] : memref<10000x80xf32, #tpu.memory_space<hbm>> -> memref<10000x80xf32, #tpu.memory_space<hbm>>
    tpu.enqueue_indirect_dma source(%dma_start3A_16 : memref<10000x80xf32, #tpu.memory_space<hbm>>) target(%arg10 : memref<128x80xf32, #tpu.memory_space<vmem>>) offsets(%dma_start3A_13 : memref<128xi32, #tpu.memory_space<vmem>>) semaphore(%arg16 : memref<!tpu.dma_semaphore, #tpu.memory_space<semaphore_mem>>)
    %dma_start3A_17 = arith.constant 1 : i32
    %dma_start3A_18 = arith.constant 0 : i32
    %dma_start3A_19 = tpu.memref_slice %arg8[%dma_start3A_17, %dma_start3A_18] : memref<79x128xi32, #tpu.memory_space<vmem>> -> memref<1x128xi32, #tpu.memory_space<vmem>>
    %dma_start3A_20 = tpu.memref_squeeze %dma_start3A_19 : memref<1x128xi32, #tpu.memory_space<vmem>> -> memref<128xi32, #tpu.memory_space<vmem>>
    %dma_start3A_21 = arith.constant 0 : i32
    %dma_start3A_22 = arith.constant 0 : i32
    %dma_start3A_23 = tpu.memref_slice %arg2[%dma_start3A_21, %dma_start3A_22] : memref<10000x80xf32, #tpu.memory_space<hbm>> -> memref<10000x80xf32, #tpu.memory_space<hbm>>
    tpu.enqueue_indirect_dma source(%dma_start3A_23 : memref<10000x80xf32, #tpu.memory_space<hbm>>) target(%arg11 : memref<128x80xf32, #tpu.memory_space<vmem>>) offsets(%dma_start3A_20 : memref<128xi32, #tpu.memory_space<vmem>>) semaphore(%arg17 : memref<!tpu.dma_semaphore, #tpu.memory_space<semaphore_mem>>)
    %dma_start3A_24 = arith.constant 2 : i32
    %dma_start3A_25 = arith.constant 0 : i32
    %dma_start3A_26 = tpu.memref_slice %arg8[%dma_start3A_24, %dma_start3A_25] : memref<79x128xi32, #tpu.memory_space<vmem>> -> memref<1x128xi32, #tpu.memory_space<vmem>>
    %dma_start3A_27 = tpu.memref_squeeze %dma_start3A_26 : memref<1x128xi32, #tpu.memory_space<vmem>> -> memref<128xi32, #tpu.memory_space<vmem>>
    %dma_start3A_28 = arith.constant 0 : i32
    %dma_start3A_29 = arith.constant 0 : i32
    %dma_start3A_30 = tpu.memref_slice %arg2[%dma_start3A_28, %dma_start3A_29] : memref<10000x80xf32, #tpu.memory_space<hbm>> -> memref<10000x80xf32, #tpu.memory_space<hbm>>
    tpu.enqueue_indirect_dma source(%dma_start3A_30 : memref<10000x80xf32, #tpu.memory_space<hbm>>) target(%arg12 : memref<128x80xf32, #tpu.memory_space<vmem>>) offsets(%dma_start3A_27 : memref<128xi32, #tpu.memory_space<vmem>>) semaphore(%arg18 : memref<!tpu.dma_semaphore, #tpu.memory_space<semaphore_mem>>)
    %dma_start3A_31 = arith.constant 3 : i32
    %dma_start3A_32 = arith.constant 0 : i32
    %dma_start3A_33 = tpu.memref_slice %arg8[%dma_start3A_31, %dma_start3A_32] : memref<79x128xi32, #tpu.memory_space<vmem>> -> memref<1x128xi32, #tpu.memory_space<vmem>>
    %dma_start3A_34 = tpu.memref_squeeze %dma_start3A_33 : memref<1x128xi32, #tpu.memory_space<vmem>> -> memref<128xi32, #tpu.memory_space<vmem>>
    %dma_start3A_35 = arith.constant 0 : i32
    %dma_start3A_36 = arith.constant 0 : i32
    %dma_start3A_37 = tpu.memref_slice %arg2[%dma_start3A_35, %dma_start3A_36] : memref<10000x80xf32, #tpu.memory_space<hbm>> -> memref<10000x80xf32, #tpu.memory_space<hbm>>
    tpu.enqueue_indirect_dma source(%dma_start3A_37 : memref<10000x80xf32, #tpu.memory_space<hbm>>) target(%arg13 : memref<128x80xf32, #tpu.memory_space<vmem>>) offsets(%dma_start3A_34 : memref<128xi32, #tpu.memory_space<vmem>>) semaphore(%arg19 : memref<!tpu.dma_semaphore, #tpu.memory_space<semaphore_mem>>)
    %dma_wait3A = arith.constant 0 : i32
    %dma_wait3A_38 = tpu.memref_slice %arg14[%mul3A_2, %dma_wait3A] : memref<10112x80xf32, #tpu.memory_space<vmem_shared>> -> memref<632x80xf32, #tpu.memory_space<vmem_shared>>
    %dma_wait3A_39 = arith.constant 0 : i32
    %dma_wait3A_40 = tpu.memref_slice %arg5[%mul3A_2, %dma_wait3A_39] : memref<10112x80xf32, #tpu.memory_space<hbm>> -> memref<632x80xf32, #tpu.memory_space<hbm>>
    tpu.wait_dma2 semaphore(%arg15 : memref<!tpu.dma_semaphore, #tpu.memory_space<semaphore_mem>>) src(%dma_wait3A_40 : memref<632x80xf32, #tpu.memory_space<hbm>>) dst(%dma_wait3A_38 : memref<632x80xf32, #tpu.memory_space<vmem_shared>>)
    %barrier3A = arith.constant 0 : index
    tpu.barrier barrier_id(%barrier3A)
    %scan3A = arith.constant 0 : i32
    %scan3A_41 = arith.constant 19 : i32
    %scan3A_42 = arith.addi %scan3A, %scan3A_41 : i32
    %scan3A_43 = arith.constant 1 : i32
    scf.for %scan3A_117 = %scan3A to %scan3A_42 step %scan3A_43  : i32 {
      %mul3A_118 = arith.constant 4 : i32
      %mul3A_119 = arith.muli %scan3A_117, %mul3A_118 : i32
      %add3A_120 = arith.constant 0 : i32
      %add3A_121 = arith.addi %add3A_120, %mul3A_119 : i32
      %add3A_122 = arith.constant 0 : i32
      %add3A_123 = arith.addi %add3A_121, %add3A_122 : i32
      %dma_wait3A_124 = arith.constant 0 : i32
      %dma_wait3A_125 = tpu.memref_slice %arg8[%add3A_123, %dma_wait3A_124] : memref<79x128xi32, #tpu.memory_space<vmem>> -> memref<1x128xi32, #tpu.memory_space<vmem>>
      %dma_wait3A_126 = tpu.memref_squeeze %dma_wait3A_125 : memref<1x128xi32, #tpu.memory_space<vmem>> -> memref<128xi32, #tpu.memory_space<vmem>>
      %dma_wait3A_127 = arith.constant 0 : i32
      %dma_wait3A_128 = arith.constant 0 : i32
      %dma_wait3A_129 = tpu.memref_slice %arg2[%dma_wait3A_127, %dma_wait3A_128] : memref<10000x80xf32, #tpu.memory_space<hbm>> -> memref<10000x80xf32, #tpu.memory_space<hbm>>
      tpu.wait_indirect_dma semaphore(%arg16 : memref<!tpu.dma_semaphore, #tpu.memory_space<semaphore_mem>>) src(%dma_wait3A_129 : memref<10000x80xf32, #tpu.memory_space<hbm>>) dst(%arg10 : memref<128x80xf32, #tpu.memory_space<vmem>>)
      %add3A_130 = arith.constant 0 : i32
      %add3A_131 = arith.addi %add3A_121, %add3A_130 : i32
      %dma_start3A_132 = arith.constant 0 : i32
      %dma_start3A_133 = tpu.memref_slice %arg9[%add3A_131, %dma_start3A_132] : memref<79x128xi32, #tpu.memory_space<vmem>> -> memref<1x128xi32, #tpu.memory_space<vmem>>
      %dma_start3A_134 = tpu.memref_squeeze %dma_start3A_133 : memref<1x128xi32, #tpu.memory_space<vmem>> -> memref<128xi32, #tpu.memory_space<vmem>>
      %dma_start3A_135 = arith.constant 0 : i32
      %dma_start3A_136 = arith.constant 0 : i32
      %dma_start3A_137 = tpu.memref_slice %arg14[%dma_start3A_135, %dma_start3A_136] : memref<10112x80xf32, #tpu.memory_space<vmem_shared>> -> memref<10112x80xf32, #tpu.memory_space<vmem_shared>>
      tpu.enqueue_indirect_dma source(%arg10 : memref<128x80xf32, #tpu.memory_space<vmem>>) target(%dma_start3A_137 : memref<10112x80xf32, #tpu.memory_space<vmem_shared>>) offsets(%dma_start3A_134 : memref<128xi32, #tpu.memory_space<vmem>>) semaphore(%arg20 : memref<!tpu.dma_semaphore, #tpu.memory_space<semaphore_mem>>) {add = true}
      %add3A_138 = arith.constant 1 : i32
      %add3A_139 = arith.addi %add3A_121, %add3A_138 : i32
      %dma_wait3A_140 = arith.constant 0 : i32
      %dma_wait3A_141 = tpu.memref_slice %arg8[%add3A_139, %dma_wait3A_140] : memref<79x128xi32, #tpu.memory_space<vmem>> -> memref<1x128xi32, #tpu.memory_space<vmem>>
      %dma_wait3A_142 = tpu.memref_squeeze %dma_wait3A_141 : memref<1x128xi32, #tpu.memory_space<vmem>> -> memref<128xi32, #tpu.memory_space<vmem>>
      %dma_wait3A_143 = arith.constant 0 : i32
      %dma_wait3A_144 = arith.constant 0 : i32
      %dma_wait3A_145 = tpu.memref_slice %arg2[%dma_wait3A_143, %dma_wait3A_144] : memref<10000x80xf32, #tpu.memory_space<hbm>> -> memref<10000x80xf32, #tpu.memory_space<hbm>>
      tpu.wait_indirect_dma semaphore(%arg17 : memref<!tpu.dma_semaphore, #tpu.memory_space<semaphore_mem>>) src(%dma_wait3A_145 : memref<10000x80xf32, #tpu.memory_space<hbm>>) dst(%arg11 : memref<128x80xf32, #tpu.memory_space<vmem>>)
      %add3A_146 = arith.constant 1 : i32
      %add3A_147 = arith.addi %add3A_121, %add3A_146 : i32
      %dma_start3A_148 = arith.constant 0 : i32
      %dma_start3A_149 = tpu.memref_slice %arg9[%add3A_147, %dma_start3A_148] : memref<79x128xi32, #tpu.memory_space<vmem>> -> memref<1x128xi32, #tpu.memory_space<vmem>>
      %dma_start3A_150 = tpu.memref_squeeze %dma_start3A_149 : memref<1x128xi32, #tpu.memory_space<vmem>> -> memref<128xi32, #tpu.memory_space<vmem>>
      %dma_start3A_151 = arith.constant 0 : i32
      %dma_start3A_152 = arith.constant 0 : i32
      %dma_start3A_153 = tpu.memref_slice %arg14[%dma_start3A_151, %dma_start3A_152] : memref<10112x80xf32, #tpu.memory_space<vmem_shared>> -> memref<10112x80xf32, #tpu.memory_space<vmem_shared>>
      tpu.enqueue_indirect_dma source(%arg11 : memref<128x80xf32, #tpu.memory_space<vmem>>) target(%dma_start3A_153 : memref<10112x80xf32, #tpu.memory_space<vmem_shared>>) offsets(%dma_start3A_150 : memref<128xi32, #tpu.memory_space<vmem>>) semaphore(%arg21 : memref<!tpu.dma_semaphore, #tpu.memory_space<semaphore_mem>>) {add = true}
      %add3A_154 = arith.constant 2 : i32
      %add3A_155 = arith.addi %add3A_121, %add3A_154 : i32
      %dma_wait3A_156 = arith.constant 0 : i32
      %dma_wait3A_157 = tpu.memref_slice %arg8[%add3A_155, %dma_wait3A_156] : memref<79x128xi32, #tpu.memory_space<vmem>> -> memref<1x128xi32, #tpu.memory_space<vmem>>
      %dma_wait3A_158 = tpu.memref_squeeze %dma_wait3A_157 : memref<1x128xi32, #tpu.memory_space<vmem>> -> memref<128xi32, #tpu.memory_space<vmem>>
      %dma_wait3A_159 = arith.constant 0 : i32
      %dma_wait3A_160 = arith.constant 0 : i32
      %dma_wait3A_161 = tpu.memref_slice %arg2[%dma_wait3A_159, %dma_wait3A_160] : memref<10000x80xf32, #tpu.memory_space<hbm>> -> memref<10000x80xf32, #tpu.memory_space<hbm>>
      tpu.wait_indirect_dma semaphore(%arg18 : memref<!tpu.dma_semaphore, #tpu.memory_space<semaphore_mem>>) src(%dma_wait3A_161 : memref<10000x80xf32, #tpu.memory_space<hbm>>) dst(%arg12 : memref<128x80xf32, #tpu.memory_space<vmem>>)
      %add3A_162 = arith.constant 2 : i32
      %add3A_163 = arith.addi %add3A_121, %add3A_162 : i32
      %dma_start3A_164 = arith.constant 0 : i32
      %dma_start3A_165 = tpu.memref_slice %arg9[%add3A_163, %dma_start3A_164] : memref<79x128xi32, #tpu.memory_space<vmem>> -> memref<1x128xi32, #tpu.memory_space<vmem>>
      %dma_start3A_166 = tpu.memref_squeeze %dma_start3A_165 : memref<1x128xi32, #tpu.memory_space<vmem>> -> memref<128xi32, #tpu.memory_space<vmem>>
      %dma_start3A_167 = arith.constant 0 : i32
      %dma_start3A_168 = arith.constant 0 : i32
      %dma_start3A_169 = tpu.memref_slice %arg14[%dma_start3A_167, %dma_start3A_168] : memref<10112x80xf32, #tpu.memory_space<vmem_shared>> -> memref<10112x80xf32, #tpu.memory_space<vmem_shared>>
      tpu.enqueue_indirect_dma source(%arg12 : memref<128x80xf32, #tpu.memory_space<vmem>>) target(%dma_start3A_169 : memref<10112x80xf32, #tpu.memory_space<vmem_shared>>) offsets(%dma_start3A_166 : memref<128xi32, #tpu.memory_space<vmem>>) semaphore(%arg22 : memref<!tpu.dma_semaphore, #tpu.memory_space<semaphore_mem>>) {add = true}
      %add3A_170 = arith.constant 3 : i32
      %add3A_171 = arith.addi %add3A_121, %add3A_170 : i32
      %dma_wait3A_172 = arith.constant 0 : i32
      %dma_wait3A_173 = tpu.memref_slice %arg8[%add3A_171, %dma_wait3A_172] : memref<79x128xi32, #tpu.memory_space<vmem>> -> memref<1x128xi32, #tpu.memory_space<vmem>>
      %dma_wait3A_174 = tpu.memref_squeeze %dma_wait3A_173 : memref<1x128xi32, #tpu.memory_space<vmem>> -> memref<128xi32, #tpu.memory_space<vmem>>
      %dma_wait3A_175 = arith.constant 0 : i32
      %dma_wait3A_176 = arith.constant 0 : i32
      %dma_wait3A_177 = tpu.memref_slice %arg2[%dma_wait3A_175, %dma_wait3A_176] : memref<10000x80xf32, #tpu.memory_space<hbm>> -> memref<10000x80xf32, #tpu.memory_space<hbm>>
      tpu.wait_indirect_dma semaphore(%arg19 : memref<!tpu.dma_semaphore, #tpu.memory_space<semaphore_mem>>) src(%dma_wait3A_177 : memref<10000x80xf32, #tpu.memory_space<hbm>>) dst(%arg13 : memref<128x80xf32, #tpu.memory_space<vmem>>)
      %add3A_178 = arith.constant 3 : i32
      %add3A_179 = arith.addi %add3A_121, %add3A_178 : i32
      %dma_start3A_180 = arith.constant 0 : i32
      %dma_start3A_181 = tpu.memref_slice %arg9[%add3A_179, %dma_start3A_180] : memref<79x128xi32, #tpu.memory_space<vmem>> -> memref<1x128xi32, #tpu.memory_space<vmem>>
      %dma_start3A_182 = tpu.memref_squeeze %dma_start3A_181 : memref<1x128xi32, #tpu.memory_space<vmem>> -> memref<128xi32, #tpu.memory_space<vmem>>
      %dma_start3A_183 = arith.constant 0 : i32
      %dma_start3A_184 = arith.constant 0 : i32
      %dma_start3A_185 = tpu.memref_slice %arg14[%dma_start3A_183, %dma_start3A_184] : memref<10112x80xf32, #tpu.memory_space<vmem_shared>> -> memref<10112x80xf32, #tpu.memory_space<vmem_shared>>
      tpu.enqueue_indirect_dma source(%arg13 : memref<128x80xf32, #tpu.memory_space<vmem>>) target(%dma_start3A_185 : memref<10112x80xf32, #tpu.memory_space<vmem_shared>>) offsets(%dma_start3A_182 : memref<128xi32, #tpu.memory_space<vmem>>) semaphore(%arg23 : memref<!tpu.dma_semaphore, #tpu.memory_space<semaphore_mem>>) {add = true}
      %add3A_186 = arith.constant 4 : i32
      %add3A_187 = arith.addi %add3A_121, %add3A_186 : i32
      %add3A_188 = arith.constant 0 : i32
      %add3A_189 = arith.addi %add3A_187, %add3A_188 : i32
      %lt3A_190 = arith.constant 76 : i32
      %lt3A_191 = arith.cmpi slt, %add3A_189, %lt3A_190 : i32
      %convert_element_type3A_192 = arith.extui %lt3A_191 : i1 to i32
      %cond3A_193 = arith.constant 0 : i32
      %cond3A_194 = arith.cmpi ne, %convert_element_type3A_192, %cond3A_193 : i32
      scf.if %cond3A_194 {
        %add3A_222 = arith.constant 0 : i32
        %add3A_223 = arith.addi %add3A_121, %add3A_222 : i32
        %dma_wait3A_224 = arith.constant 0 : i32
        %dma_wait3A_225 = tpu.memref_slice %arg9[%add3A_223, %dma_wait3A_224] : memref<79x128xi32, #tpu.memory_space<vmem>> -> memref<1x128xi32, #tpu.memory_space<vmem>>
        %dma_wait3A_226 = tpu.memref_squeeze %dma_wait3A_225 : memref<1x128xi32, #tpu.memory_space<vmem>> -> memref<128xi32, #tpu.memory_space<vmem>>
        %dma_wait3A_227 = arith.constant 0 : i32
        %dma_wait3A_228 = arith.constant 0 : i32
        %dma_wait3A_229 = tpu.memref_slice %arg14[%dma_wait3A_227, %dma_wait3A_228] : memref<10112x80xf32, #tpu.memory_space<vmem_shared>> -> memref<10112x80xf32, #tpu.memory_space<vmem_shared>>
        tpu.wait_indirect_dma semaphore(%arg20 : memref<!tpu.dma_semaphore, #tpu.memory_space<semaphore_mem>>) src(%arg10 : memref<128x80xf32, #tpu.memory_space<vmem>>) dst(%dma_wait3A_229 : memref<10112x80xf32, #tpu.memory_space<vmem_shared>>)
        %add3A_230 = arith.constant 4 : i32
        %add3A_231 = arith.addi %add3A_121, %add3A_230 : i32
        %add3A_232 = arith.constant 0 : i32
        %add3A_233 = arith.addi %add3A_231, %add3A_232 : i32
        %dma_start3A_234 = arith.constant 0 : i32
        %dma_start3A_235 = tpu.memref_slice %arg8[%add3A_233, %dma_start3A_234] : memref<79x128xi32, #tpu.memory_space<vmem>> -> memref<1x128xi32, #tpu.memory_space<vmem>>
        %dma_start3A_236 = tpu.memref_squeeze %dma_start3A_235 : memref<1x128xi32, #tpu.memory_space<vmem>> -> memref<128xi32, #tpu.memory_space<vmem>>
        %dma_start3A_237 = arith.constant 0 : i32
        %dma_start3A_238 = arith.constant 0 : i32
        %dma_start3A_239 = tpu.memref_slice %arg2[%dma_start3A_237, %dma_start3A_238] : memref<10000x80xf32, #tpu.memory_space<hbm>> -> memref<10000x80xf32, #tpu.memory_space<hbm>>
        tpu.enqueue_indirect_dma source(%dma_start3A_239 : memref<10000x80xf32, #tpu.memory_space<hbm>>) target(%arg10 : memref<128x80xf32, #tpu.memory_space<vmem>>) offsets(%dma_start3A_236 : memref<128xi32, #tpu.memory_space<vmem>>) semaphore(%arg16 : memref<!tpu.dma_semaphore, #tpu.memory_space<semaphore_mem>>)
      } else {
      }
      %add3A_195 = arith.constant 4 : i32
      %add3A_196 = arith.addi %add3A_121, %add3A_195 : i32
      %add3A_197 = arith.constant 1 : i32
      %add3A_198 = arith.addi %add3A_196, %add3A_197 : i32
      %lt3A_199 = arith.constant 76 : i32
      %lt3A_200 = arith.cmpi slt, %add3A_198, %lt3A_199 : i32
      %convert_element_type3A_201 = arith.extui %lt3A_200 : i1 to i32
      %cond3A_202 = arith.constant 0 : i32
      %cond3A_203 = arith.cmpi ne, %convert_element_type3A_201, %cond3A_202 : i32
      scf.if %cond3A_203 {
        %add3A_222 = arith.constant 1 : i32
        %add3A_223 = arith.addi %add3A_121, %add3A_222 : i32
        %dma_wait3A_224 = arith.constant 0 : i32
        %dma_wait3A_225 = tpu.memref_slice %arg9[%add3A_223, %dma_wait3A_224] : memref<79x128xi32, #tpu.memory_space<vmem>> -> memref<1x128xi32, #tpu.memory_space<vmem>>
        %dma_wait3A_226 = tpu.memref_squeeze %dma_wait3A_225 : memref<1x128xi32, #tpu.memory_space<vmem>> -> memref<128xi32, #tpu.memory_space<vmem>>
        %dma_wait3A_227 = arith.constant 0 : i32
        %dma_wait3A_228 = arith.constant 0 : i32
        %dma_wait3A_229 = tpu.memref_slice %arg14[%dma_wait3A_227, %dma_wait3A_228] : memref<10112x80xf32, #tpu.memory_space<vmem_shared>> -> memref<10112x80xf32, #tpu.memory_space<vmem_shared>>
        tpu.wait_indirect_dma semaphore(%arg21 : memref<!tpu.dma_semaphore, #tpu.memory_space<semaphore_mem>>) src(%arg11 : memref<128x80xf32, #tpu.memory_space<vmem>>) dst(%dma_wait3A_229 : memref<10112x80xf32, #tpu.memory_space<vmem_shared>>)
        %add3A_230 = arith.constant 4 : i32
        %add3A_231 = arith.addi %add3A_121, %add3A_230 : i32
        %add3A_232 = arith.constant 1 : i32
        %add3A_233 = arith.addi %add3A_231, %add3A_232 : i32
        %dma_start3A_234 = arith.constant 0 : i32
        %dma_start3A_235 = tpu.memref_slice %arg8[%add3A_233, %dma_start3A_234] : memref<79x128xi32, #tpu.memory_space<vmem>> -> memref<1x128xi32, #tpu.memory_space<vmem>>
        %dma_start3A_236 = tpu.memref_squeeze %dma_start3A_235 : memref<1x128xi32, #tpu.memory_space<vmem>> -> memref<128xi32, #tpu.memory_space<vmem>>
        %dma_start3A_237 = arith.constant 0 : i32
        %dma_start3A_238 = arith.constant 0 : i32
        %dma_start3A_239 = tpu.memref_slice %arg2[%dma_start3A_237, %dma_start3A_238] : memref<10000x80xf32, #tpu.memory_space<hbm>> -> memref<10000x80xf32, #tpu.memory_space<hbm>>
        tpu.enqueue_indirect_dma source(%dma_start3A_239 : memref<10000x80xf32, #tpu.memory_space<hbm>>) target(%arg11 : memref<128x80xf32, #tpu.memory_space<vmem>>) offsets(%dma_start3A_236 : memref<128xi32, #tpu.memory_space<vmem>>) semaphore(%arg17 : memref<!tpu.dma_semaphore, #tpu.memory_space<semaphore_mem>>)
      } else {
      }
      %add3A_204 = arith.constant 4 : i32
      %add3A_205 = arith.addi %add3A_121, %add3A_204 : i32
      %add3A_206 = arith.constant 2 : i32
      %add3A_207 = arith.addi %add3A_205, %add3A_206 : i32
      %lt3A_208 = arith.constant 76 : i32
      %lt3A_209 = arith.cmpi slt, %add3A_207, %lt3A_208 : i32
      %convert_element_type3A_210 = arith.extui %lt3A_209 : i1 to i32
      %cond3A_211 = arith.constant 0 : i32
      %cond3A_212 = arith.cmpi ne, %convert_element_type3A_210, %cond3A_211 : i32
      scf.if %cond3A_212 {
        %add3A_222 = arith.constant 2 : i32
        %add3A_223 = arith.addi %add3A_121, %add3A_222 : i32
        %dma_wait3A_224 = arith.constant 0 : i32
        %dma_wait3A_225 = tpu.memref_slice %arg9[%add3A_223, %dma_wait3A_224] : memref<79x128xi32, #tpu.memory_space<vmem>> -> memref<1x128xi32, #tpu.memory_space<vmem>>
        %dma_wait3A_226 = tpu.memref_squeeze %dma_wait3A_225 : memref<1x128xi32, #tpu.memory_space<vmem>> -> memref<128xi32, #tpu.memory_space<vmem>>
        %dma_wait3A_227 = arith.constant 0 : i32
        %dma_wait3A_228 = arith.constant 0 : i32
        %dma_wait3A_229 = tpu.memref_slice %arg14[%dma_wait3A_227, %dma_wait3A_228] : memref<10112x80xf32, #tpu.memory_space<vmem_shared>> -> memref<10112x80xf32, #tpu.memory_space<vmem_shared>>
        tpu.wait_indirect_dma semaphore(%arg22 : memref<!tpu.dma_semaphore, #tpu.memory_space<semaphore_mem>>) src(%arg12 : memref<128x80xf32, #tpu.memory_space<vmem>>) dst(%dma_wait3A_229 : memref<10112x80xf32, #tpu.memory_space<vmem_shared>>)
        %add3A_230 = arith.constant 4 : i32
        %add3A_231 = arith.addi %add3A_121, %add3A_230 : i32
        %add3A_232 = arith.constant 2 : i32
        %add3A_233 = arith.addi %add3A_231, %add3A_232 : i32
        %dma_start3A_234 = arith.constant 0 : i32
        %dma_start3A_235 = tpu.memref_slice %arg8[%add3A_233, %dma_start3A_234] : memref<79x128xi32, #tpu.memory_space<vmem>> -> memref<1x128xi32, #tpu.memory_space<vmem>>
        %dma_start3A_236 = tpu.memref_squeeze %dma_start3A_235 : memref<1x128xi32, #tpu.memory_space<vmem>> -> memref<128xi32, #tpu.memory_space<vmem>>
        %dma_start3A_237 = arith.constant 0 : i32
        %dma_start3A_238 = arith.constant 0 : i32
        %dma_start3A_239 = tpu.memref_slice %arg2[%dma_start3A_237, %dma_start3A_238] : memref<10000x80xf32, #tpu.memory_space<hbm>> -> memref<10000x80xf32, #tpu.memory_space<hbm>>
        tpu.enqueue_indirect_dma source(%dma_start3A_239 : memref<10000x80xf32, #tpu.memory_space<hbm>>) target(%arg12 : memref<128x80xf32, #tpu.memory_space<vmem>>) offsets(%dma_start3A_236 : memref<128xi32, #tpu.memory_space<vmem>>) semaphore(%arg18 : memref<!tpu.dma_semaphore, #tpu.memory_space<semaphore_mem>>)
      } else {
      }
      %add3A_213 = arith.constant 4 : i32
      %add3A_214 = arith.addi %add3A_121, %add3A_213 : i32
      %add3A_215 = arith.constant 3 : i32
      %add3A_216 = arith.addi %add3A_214, %add3A_215 : i32
      %lt3A_217 = arith.constant 76 : i32
      %lt3A_218 = arith.cmpi slt, %add3A_216, %lt3A_217 : i32
      %convert_element_type3A_219 = arith.extui %lt3A_218 : i1 to i32
      %cond3A_220 = arith.constant 0 : i32
      %cond3A_221 = arith.cmpi ne, %convert_element_type3A_219, %cond3A_220 : i32
      scf.if %cond3A_221 {
        %add3A_222 = arith.constant 3 : i32
        %add3A_223 = arith.addi %add3A_121, %add3A_222 : i32
        %dma_wait3A_224 = arith.constant 0 : i32
        %dma_wait3A_225 = tpu.memref_slice %arg9[%add3A_223, %dma_wait3A_224] : memref<79x128xi32, #tpu.memory_space<vmem>> -> memref<1x128xi32, #tpu.memory_space<vmem>>
        %dma_wait3A_226 = tpu.memref_squeeze %dma_wait3A_225 : memref<1x128xi32, #tpu.memory_space<vmem>> -> memref<128xi32, #tpu.memory_space<vmem>>
        %dma_wait3A_227 = arith.constant 0 : i32
        %dma_wait3A_228 = arith.constant 0 : i32
        %dma_wait3A_229 = tpu.memref_slice %arg14[%dma_wait3A_227, %dma_wait3A_228] : memref<10112x80xf32, #tpu.memory_space<vmem_shared>> -> memref<10112x80xf32, #tpu.memory_space<vmem_shared>>
        tpu.wait_indirect_dma semaphore(%arg23 : memref<!tpu.dma_semaphore, #tpu.memory_space<semaphore_mem>>) src(%arg13 : memref<128x80xf32, #tpu.memory_space<vmem>>) dst(%dma_wait3A_229 : memref<10112x80xf32, #tpu.memory_space<vmem_shared>>)
        %add3A_230 = arith.constant 4 : i32
        %add3A_231 = arith.addi %add3A_121, %add3A_230 : i32
        %add3A_232 = arith.constant 3 : i32
        %add3A_233 = arith.addi %add3A_231, %add3A_232 : i32
        %dma_start3A_234 = arith.constant 0 : i32
        %dma_start3A_235 = tpu.memref_slice %arg8[%add3A_233, %dma_start3A_234] : memref<79x128xi32, #tpu.memory_space<vmem>> -> memref<1x128xi32, #tpu.memory_space<vmem>>
        %dma_start3A_236 = tpu.memref_squeeze %dma_start3A_235 : memref<1x128xi32, #tpu.memory_space<vmem>> -> memref<128xi32, #tpu.memory_space<vmem>>
        %dma_start3A_237 = arith.constant 0 : i32
        %dma_start3A_238 = arith.constant 0 : i32
        %dma_start3A_239 = tpu.memref_slice %arg2[%dma_start3A_237, %dma_start3A_238] : memref<10000x80xf32, #tpu.memory_space<hbm>> -> memref<10000x80xf32, #tpu.memory_space<hbm>>
        tpu.enqueue_indirect_dma source(%dma_start3A_239 : memref<10000x80xf32, #tpu.memory_space<hbm>>) target(%arg13 : memref<128x80xf32, #tpu.memory_space<vmem>>) offsets(%dma_start3A_236 : memref<128xi32, #tpu.memory_space<vmem>>) semaphore(%arg19 : memref<!tpu.dma_semaphore, #tpu.memory_space<semaphore_mem>>)
      } else {
      }
    }
    %scan3A_44 = arith.constant 19 : i32
    %dma_wait3A_45 = arith.constant 0 : i32
    %dma_wait3A_46 = arith.constant 0 : i32
    %dma_wait3A_47 = tpu.memref_slice %arg9[%dma_wait3A_45, %dma_wait3A_46] : memref<79x128xi32, #tpu.memory_space<vmem>> -> memref<1x128xi32, #tpu.memory_space<vmem>>
    %dma_wait3A_48 = tpu.memref_squeeze %dma_wait3A_47 : memref<1x128xi32, #tpu.memory_space<vmem>> -> memref<128xi32, #tpu.memory_space<vmem>>
    %dma_wait3A_49 = arith.constant 0 : i32
    %dma_wait3A_50 = arith.constant 0 : i32
    %dma_wait3A_51 = tpu.memref_slice %arg14[%dma_wait3A_49, %dma_wait3A_50] : memref<10112x80xf32, #tpu.memory_space<vmem_shared>> -> memref<10112x80xf32, #tpu.memory_space<vmem_shared>>
    tpu.wait_indirect_dma semaphore(%arg20 : memref<!tpu.dma_semaphore, #tpu.memory_space<semaphore_mem>>) src(%arg10 : memref<128x80xf32, #tpu.memory_space<vmem>>) dst(%dma_wait3A_51 : memref<10112x80xf32, #tpu.memory_space<vmem_shared>>)
    %dma_wait3A_52 = arith.constant 1 : i32
    %dma_wait3A_53 = arith.constant 0 : i32
    %dma_wait3A_54 = tpu.memref_slice %arg9[%dma_wait3A_52, %dma_wait3A_53] : memref<79x128xi32, #tpu.memory_space<vmem>> -> memref<1x128xi32, #tpu.memory_space<vmem>>
    %dma_wait3A_55 = tpu.memref_squeeze %dma_wait3A_54 : memref<1x128xi32, #tpu.memory_space<vmem>> -> memref<128xi32, #tpu.memory_space<vmem>>
    %dma_wait3A_56 = arith.constant 0 : i32
    %dma_wait3A_57 = arith.constant 0 : i32
    %dma_wait3A_58 = tpu.memref_slice %arg14[%dma_wait3A_56, %dma_wait3A_57] : memref<10112x80xf32, #tpu.memory_space<vmem_shared>> -> memref<10112x80xf32, #tpu.memory_space<vmem_shared>>
    tpu.wait_indirect_dma semaphore(%arg21 : memref<!tpu.dma_semaphore, #tpu.memory_space<semaphore_mem>>) src(%arg11 : memref<128x80xf32, #tpu.memory_space<vmem>>) dst(%dma_wait3A_58 : memref<10112x80xf32, #tpu.memory_space<vmem_shared>>)
    %dma_wait3A_59 = arith.constant 2 : i32
    %dma_wait3A_60 = arith.constant 0 : i32
    %dma_wait3A_61 = tpu.memref_slice %arg9[%dma_wait3A_59, %dma_wait3A_60] : memref<79x128xi32, #tpu.memory_space<vmem>> -> memref<1x128xi32, #tpu.memory_space<vmem>>
    %dma_wait3A_62 = tpu.memref_squeeze %dma_wait3A_61 : memref<1x128xi32, #tpu.memory_space<vmem>> -> memref<128xi32, #tpu.memory_space<vmem>>
    %dma_wait3A_63 = arith.constant 0 : i32
    %dma_wait3A_64 = arith.constant 0 : i32
    %dma_wait3A_65 = tpu.memref_slice %arg14[%dma_wait3A_63, %dma_wait3A_64] : memref<10112x80xf32, #tpu.memory_space<vmem_shared>> -> memref<10112x80xf32, #tpu.memory_space<vmem_shared>>
    tpu.wait_indirect_dma semaphore(%arg22 : memref<!tpu.dma_semaphore, #tpu.memory_space<semaphore_mem>>) src(%arg12 : memref<128x80xf32, #tpu.memory_space<vmem>>) dst(%dma_wait3A_65 : memref<10112x80xf32, #tpu.memory_space<vmem_shared>>)
    %dma_wait3A_66 = arith.constant 3 : i32
    %dma_wait3A_67 = arith.constant 0 : i32
    %dma_wait3A_68 = tpu.memref_slice %arg9[%dma_wait3A_66, %dma_wait3A_67] : memref<79x128xi32, #tpu.memory_space<vmem>> -> memref<1x128xi32, #tpu.memory_space<vmem>>
    %dma_wait3A_69 = tpu.memref_squeeze %dma_wait3A_68 : memref<1x128xi32, #tpu.memory_space<vmem>> -> memref<128xi32, #tpu.memory_space<vmem>>
    %dma_wait3A_70 = arith.constant 0 : i32
    %dma_wait3A_71 = arith.constant 0 : i32
    %dma_wait3A_72 = tpu.memref_slice %arg14[%dma_wait3A_70, %dma_wait3A_71] : memref<10112x80xf32, #tpu.memory_space<vmem_shared>> -> memref<10112x80xf32, #tpu.memory_space<vmem_shared>>
    tpu.wait_indirect_dma semaphore(%arg23 : memref<!tpu.dma_semaphore, #tpu.memory_space<semaphore_mem>>) src(%arg13 : memref<128x80xf32, #tpu.memory_space<vmem>>) dst(%dma_wait3A_72 : memref<10112x80xf32, #tpu.memory_space<vmem_shared>>)
    %dma_start3A_73 = arith.constant 76 : i32
    %dma_start3A_74 = arith.constant 0 : i32
    %dma_start3A_75 = tpu.memref_slice %arg8[%dma_start3A_73, %dma_start3A_74] : memref<79x128xi32, #tpu.memory_space<vmem>> -> memref<1x128xi32, #tpu.memory_space<vmem>>
    %dma_start3A_76 = tpu.memref_squeeze %dma_start3A_75 : memref<1x128xi32, #tpu.memory_space<vmem>> -> memref<128xi32, #tpu.memory_space<vmem>>
    %dma_start3A_77 = arith.constant 0 : i32
    %dma_start3A_78 = arith.constant 0 : i32
    %dma_start3A_79 = tpu.memref_slice %arg2[%dma_start3A_77, %dma_start3A_78] : memref<10000x80xf32, #tpu.memory_space<hbm>> -> memref<10000x80xf32, #tpu.memory_space<hbm>>
    tpu.enqueue_indirect_dma source(%dma_start3A_79 : memref<10000x80xf32, #tpu.memory_space<hbm>>) target(%arg10 : memref<128x80xf32, #tpu.memory_space<vmem>>) offsets(%dma_start3A_76 : memref<128xi32, #tpu.memory_space<vmem>>) semaphore(%arg16 : memref<!tpu.dma_semaphore, #tpu.memory_space<semaphore_mem>>)
    %dma_start3A_80 = arith.constant 77 : i32
    %dma_start3A_81 = arith.constant 0 : i32
    %dma_start3A_82 = tpu.memref_slice %arg8[%dma_start3A_80, %dma_start3A_81] : memref<79x128xi32, #tpu.memory_space<vmem>> -> memref<1x128xi32, #tpu.memory_space<vmem>>
    %dma_start3A_83 = tpu.memref_squeeze %dma_start3A_82 : memref<1x128xi32, #tpu.memory_space<vmem>> -> memref<128xi32, #tpu.memory_space<vmem>>
    %dma_start3A_84 = arith.constant 0 : i32
    %dma_start3A_85 = arith.constant 0 : i32
    %dma_start3A_86 = tpu.memref_slice %arg2[%dma_start3A_84, %dma_start3A_85] : memref<10000x80xf32, #tpu.memory_space<hbm>> -> memref<10000x80xf32, #tpu.memory_space<hbm>>
    tpu.enqueue_indirect_dma source(%dma_start3A_86 : memref<10000x80xf32, #tpu.memory_space<hbm>>) target(%arg11 : memref<128x80xf32, #tpu.memory_space<vmem>>) offsets(%dma_start3A_83 : memref<128xi32, #tpu.memory_space<vmem>>) semaphore(%arg17 : memref<!tpu.dma_semaphore, #tpu.memory_space<semaphore_mem>>)
    %dma_wait3A_87 = arith.constant 76 : i32
    %dma_wait3A_88 = arith.constant 0 : i32
    %dma_wait3A_89 = tpu.memref_slice %arg8[%dma_wait3A_87, %dma_wait3A_88] : memref<79x128xi32, #tpu.memory_space<vmem>> -> memref<1x128xi32, #tpu.memory_space<vmem>>
    %dma_wait3A_90 = tpu.memref_squeeze %dma_wait3A_89 : memref<1x128xi32, #tpu.memory_space<vmem>> -> memref<128xi32, #tpu.memory_space<vmem>>
    %dma_wait3A_91 = arith.constant 0 : i32
    %dma_wait3A_92 = arith.constant 0 : i32
    %dma_wait3A_93 = tpu.memref_slice %arg2[%dma_wait3A_91, %dma_wait3A_92] : memref<10000x80xf32, #tpu.memory_space<hbm>> -> memref<10000x80xf32, #tpu.memory_space<hbm>>
    tpu.wait_indirect_dma semaphore(%arg16 : memref<!tpu.dma_semaphore, #tpu.memory_space<semaphore_mem>>) src(%dma_wait3A_93 : memref<10000x80xf32, #tpu.memory_space<hbm>>) dst(%arg10 : memref<128x80xf32, #tpu.memory_space<vmem>>)
    %run_scoped3A = arith.constant 76 : i32
    "tpu.region"() ({
      %run_scoped3A_117 = tpu.sem_alloc : memref<!tpu.dma_semaphore, #tpu.memory_space<semaphore_mem>>
      %dma_start3A_118 = arith.constant 0 : i32
      %dma_start3A_119 = tpu.memref_slice %arg9[%run_scoped3A, %dma_start3A_118] : memref<79x128xi32, #tpu.memory_space<vmem>> -> memref<1x128xi32, #tpu.memory_space<vmem>>
      %dma_start3A_120 = tpu.memref_squeeze %dma_start3A_119 : memref<1x128xi32, #tpu.memory_space<vmem>> -> memref<128xi32, #tpu.memory_space<vmem>>
      %dma_start3A_121 = arith.constant 0 : i32
      %dma_start3A_122 = arith.constant 0 : i32
      %dma_start3A_123 = tpu.memref_slice %arg14[%dma_start3A_121, %dma_start3A_122] : memref<10112x80xf32, #tpu.memory_space<vmem_shared>> -> memref<10112x80xf32, #tpu.memory_space<vmem_shared>>
      tpu.enqueue_indirect_dma source(%arg10 : memref<128x80xf32, #tpu.memory_space<vmem>>) target(%dma_start3A_123 : memref<10112x80xf32, #tpu.memory_space<vmem_shared>>) offsets(%dma_start3A_120 : memref<128xi32, #tpu.memory_space<vmem>>) semaphore(%run_scoped3A_117 : memref<!tpu.dma_semaphore, #tpu.memory_space<semaphore_mem>>) {add = true}
      %dma_wait3A_124 = arith.constant 0 : i32
      %dma_wait3A_125 = tpu.memref_slice %arg9[%run_scoped3A, %dma_wait3A_124] : memref<79x128xi32, #tpu.memory_space<vmem>> -> memref<1x128xi32, #tpu.memory_space<vmem>>
      %dma_wait3A_126 = tpu.memref_squeeze %dma_wait3A_125 : memref<1x128xi32, #tpu.memory_space<vmem>> -> memref<128xi32, #tpu.memory_space<vmem>>
      %dma_wait3A_127 = arith.constant 0 : i32
      %dma_wait3A_128 = arith.constant 0 : i32
      %dma_wait3A_129 = tpu.memref_slice %arg14[%dma_wait3A_127, %dma_wait3A_128] : memref<10112x80xf32, #tpu.memory_space<vmem_shared>> -> memref<10112x80xf32, #tpu.memory_space<vmem_shared>>
      tpu.wait_indirect_dma semaphore(%run_scoped3A_117 : memref<!tpu.dma_semaphore, #tpu.memory_space<semaphore_mem>>) src(%arg10 : memref<128x80xf32, #tpu.memory_space<vmem>>) dst(%dma_wait3A_129 : memref<10112x80xf32, #tpu.memory_space<vmem_shared>>)
      tpu.yield
    }) : () -> ()
    %dma_wait3A_94 = arith.constant 77 : i32
    %dma_wait3A_95 = arith.constant 0 : i32
    %dma_wait3A_96 = tpu.memref_slice %arg8[%dma_wait3A_94, %dma_wait3A_95] : memref<79x128xi32, #tpu.memory_space<vmem>> -> memref<1x128xi32, #tpu.memory_space<vmem>>
    %dma_wait3A_97 = tpu.memref_squeeze %dma_wait3A_96 : memref<1x128xi32, #tpu.memory_space<vmem>> -> memref<128xi32, #tpu.memory_space<vmem>>
    %dma_wait3A_98 = arith.constant 0 : i32
    %dma_wait3A_99 = arith.constant 0 : i32
    %dma_wait3A_100 = tpu.memref_slice %arg2[%dma_wait3A_98, %dma_wait3A_99] : memref<10000x80xf32, #tpu.memory_space<hbm>> -> memref<10000x80xf32, #tpu.memory_space<hbm>>
    tpu.wait_indirect_dma semaphore(%arg17 : memref<!tpu.dma_semaphore, #tpu.memory_space<semaphore_mem>>) src(%dma_wait3A_100 : memref<10000x80xf32, #tpu.memory_space<hbm>>) dst(%arg11 : memref<128x80xf32, #tpu.memory_space<vmem>>)
    %run_scoped3A_101 = arith.constant 77 : i32
    "tpu.region"() ({
      %run_scoped3A_117 = tpu.sem_alloc : memref<!tpu.dma_semaphore, #tpu.memory_space<semaphore_mem>>
      %dma_start3A_118 = arith.constant 0 : i32
      %dma_start3A_119 = tpu.memref_slice %arg9[%run_scoped3A_101, %dma_start3A_118] : memref<79x128xi32, #tpu.memory_space<vmem>> -> memref<1x128xi32, #tpu.memory_space<vmem>>
      %dma_start3A_120 = tpu.memref_squeeze %dma_start3A_119 : memref<1x128xi32, #tpu.memory_space<vmem>> -> memref<128xi32, #tpu.memory_space<vmem>>
      %dma_start3A_121 = arith.constant 0 : i32
      %dma_start3A_122 = arith.constant 0 : i32
      %dma_start3A_123 = tpu.memref_slice %arg14[%dma_start3A_121, %dma_start3A_122] : memref<10112x80xf32, #tpu.memory_space<vmem_shared>> -> memref<10112x80xf32, #tpu.memory_space<vmem_shared>>
      tpu.enqueue_indirect_dma source(%arg11 : memref<128x80xf32, #tpu.memory_space<vmem>>) target(%dma_start3A_123 : memref<10112x80xf32, #tpu.memory_space<vmem_shared>>) offsets(%dma_start3A_120 : memref<128xi32, #tpu.memory_space<vmem>>) semaphore(%run_scoped3A_117 : memref<!tpu.dma_semaphore, #tpu.memory_space<semaphore_mem>>) {add = true}
      %dma_wait3A_124 = arith.constant 0 : i32
      %dma_wait3A_125 = tpu.memref_slice %arg9[%run_scoped3A_101, %dma_wait3A_124] : memref<79x128xi32, #tpu.memory_space<vmem>> -> memref<1x128xi32, #tpu.memory_space<vmem>>
      %dma_wait3A_126 = tpu.memref_squeeze %dma_wait3A_125 : memref<1x128xi32, #tpu.memory_space<vmem>> -> memref<128xi32, #tpu.memory_space<vmem>>
      %dma_wait3A_127 = arith.constant 0 : i32
      %dma_wait3A_128 = arith.constant 0 : i32
      %dma_wait3A_129 = tpu.memref_slice %arg14[%dma_wait3A_127, %dma_wait3A_128] : memref<10112x80xf32, #tpu.memory_space<vmem_shared>> -> memref<10112x80xf32, #tpu.memory_space<vmem_shared>>
      tpu.wait_indirect_dma semaphore(%run_scoped3A_117 : memref<!tpu.dma_semaphore, #tpu.memory_space<semaphore_mem>>) src(%arg11 : memref<128x80xf32, #tpu.memory_space<vmem>>) dst(%dma_wait3A_129 : memref<10112x80xf32, #tpu.memory_space<vmem_shared>>)
      tpu.yield
    }) : () -> ()
    %lt3A_102 = arith.constant 4 : i32
    %lt3A_103 = arith.cmpi slt, %add3A, %lt3A_102 : i32
    %convert_element_type3A_104 = arith.extui %lt3A_103 : i1 to i32
    %cond3A_105 = arith.constant 0 : i32
    %cond3A_106 = arith.cmpi ne, %convert_element_type3A_104, %cond3A_105 : i32
    scf.if %cond3A_106 {
      %dma_start3A_117 = arith.constant 78 : i32
      %dma_start3A_118 = arith.constant 0 : i32
      %dma_start3A_119 = tpu.memref_slice %arg8[%dma_start3A_117, %dma_start3A_118] : memref<79x128xi32, #tpu.memory_space<vmem>> -> memref<1x128xi32, #tpu.memory_space<vmem>>
      %dma_start3A_120 = tpu.memref_squeeze %dma_start3A_119 : memref<1x128xi32, #tpu.memory_space<vmem>> -> memref<128xi32, #tpu.memory_space<vmem>>
      %dma_start3A_121 = arith.constant 0 : i32
      %dma_start3A_122 = arith.constant 0 : i32
      %dma_start3A_123 = tpu.memref_slice %arg2[%dma_start3A_121, %dma_start3A_122] : memref<10000x80xf32, #tpu.memory_space<hbm>> -> memref<10000x80xf32, #tpu.memory_space<hbm>>
      tpu.enqueue_indirect_dma source(%dma_start3A_123 : memref<10000x80xf32, #tpu.memory_space<hbm>>) target(%arg10 : memref<128x80xf32, #tpu.memory_space<vmem>>) offsets(%dma_start3A_120 : memref<128xi32, #tpu.memory_space<vmem>>) semaphore(%arg16 : memref<!tpu.dma_semaphore, #tpu.memory_space<semaphore_mem>>)
      %dma_wait3A_124 = arith.constant 78 : i32
      %dma_wait3A_125 = arith.constant 0 : i32
      %dma_wait3A_126 = tpu.memref_slice %arg8[%dma_wait3A_124, %dma_wait3A_125] : memref<79x128xi32, #tpu.memory_space<vmem>> -> memref<1x128xi32, #tpu.memory_space<vmem>>
      %dma_wait3A_127 = tpu.memref_squeeze %dma_wait3A_126 : memref<1x128xi32, #tpu.memory_space<vmem>> -> memref<128xi32, #tpu.memory_space<vmem>>
      %dma_wait3A_128 = arith.constant 0 : i32
      %dma_wait3A_129 = arith.constant 0 : i32
      %dma_wait3A_130 = tpu.memref_slice %arg2[%dma_wait3A_128, %dma_wait3A_129] : memref<10000x80xf32, #tpu.memory_space<hbm>> -> memref<10000x80xf32, #tpu.memory_space<hbm>>
      tpu.wait_indirect_dma semaphore(%arg16 : memref<!tpu.dma_semaphore, #tpu.memory_space<semaphore_mem>>) src(%dma_wait3A_130 : memref<10000x80xf32, #tpu.memory_space<hbm>>) dst(%arg10 : memref<128x80xf32, #tpu.memory_space<vmem>>)
      %run_scoped3A_131 = arith.constant 78 : i32
      "tpu.region"() ({
        %run_scoped3A_132 = tpu.sem_alloc : memref<!tpu.dma_semaphore, #tpu.memory_space<semaphore_mem>>
        %dma_start3A_133 = arith.constant 0 : i32
        %dma_start3A_134 = tpu.memref_slice %arg9[%run_scoped3A_131, %dma_start3A_133] : memref<79x128xi32, #tpu.memory_space<vmem>> -> memref<1x128xi32, #tpu.memory_space<vmem>>
        %dma_start3A_135 = tpu.memref_squeeze %dma_start3A_134 : memref<1x128xi32, #tpu.memory_space<vmem>> -> memref<128xi32, #tpu.memory_space<vmem>>
        %dma_start3A_136 = arith.constant 0 : i32
        %dma_start3A_137 = arith.constant 0 : i32
        %dma_start3A_138 = tpu.memref_slice %arg14[%dma_start3A_136, %dma_start3A_137] : memref<10112x80xf32, #tpu.memory_space<vmem_shared>> -> memref<10112x80xf32, #tpu.memory_space<vmem_shared>>
        tpu.enqueue_indirect_dma source(%arg10 : memref<128x80xf32, #tpu.memory_space<vmem>>) target(%dma_start3A_138 : memref<10112x80xf32, #tpu.memory_space<vmem_shared>>) offsets(%dma_start3A_135 : memref<128xi32, #tpu.memory_space<vmem>>) semaphore(%run_scoped3A_132 : memref<!tpu.dma_semaphore, #tpu.memory_space<semaphore_mem>>) {add = true}
        %dma_wait3A_139 = arith.constant 0 : i32
        %dma_wait3A_140 = tpu.memref_slice %arg9[%run_scoped3A_131, %dma_wait3A_139] : memref<79x128xi32, #tpu.memory_space<vmem>> -> memref<1x128xi32, #tpu.memory_space<vmem>>
        %dma_wait3A_141 = tpu.memref_squeeze %dma_wait3A_140 : memref<1x128xi32, #tpu.memory_space<vmem>> -> memref<128xi32, #tpu.memory_space<vmem>>
        %dma_wait3A_142 = arith.constant 0 : i32
        %dma_wait3A_143 = arith.constant 0 : i32
        %dma_wait3A_144 = tpu.memref_slice %arg14[%dma_wait3A_142, %dma_wait3A_143] : memref<10112x80xf32, #tpu.memory_space<vmem_shared>> -> memref<10112x80xf32, #tpu.memory_space<vmem_shared>>
        tpu.wait_indirect_dma semaphore(%run_scoped3A_132 : memref<!tpu.dma_semaphore, #tpu.memory_space<semaphore_mem>>) src(%arg10 : memref<128x80xf32, #tpu.memory_space<vmem>>) dst(%dma_wait3A_144 : memref<10112x80xf32, #tpu.memory_space<vmem_shared>>)
        tpu.yield
      }) : () -> ()
    } else {
    }
    %barrier3A_107 = arith.constant 0 : index
    tpu.barrier barrier_id(%barrier3A_107)
    %eq3A = arith.constant 0 : i32
    %eq3A_108 = arith.cmpi eq, %arg0, %eq3A : i32
    %convert_element_type3A_109 = arith.extui %eq3A_108 : i1 to i32
    %cond3A_110 = arith.constant 0 : i32
    %cond3A_111 = arith.cmpi ne, %convert_element_type3A_109, %cond3A_110 : i32
    scf.if %cond3A_111 {
      %mul3A_117 = arith.constant 632 : i32
      %mul3A_118 = arith.muli %arg1, %mul3A_117 : i32
      %mul3A_119 = arith.constant 632 : i32
      %mul3A_120 = arith.muli %arg1, %mul3A_119 : i32
      "tpu.region"() ({
        %run_scoped3A_121 = tpu.sem_alloc : memref<!tpu.dma_semaphore, #tpu.memory_space<semaphore_mem>>
        %dma_start3A_122 = arith.constant 0 : i32
        %dma_start3A_123 = tpu.memref_slice %arg6[%mul3A_120, %dma_start3A_122] : memref<10112x80xf32, #tpu.memory_space<hbm>> -> memref<632x80xf32, #tpu.memory_space<hbm>>
        %dma_start3A_124 = arith.constant 0 : i32
        %dma_start3A_125 = tpu.memref_slice %arg14[%mul3A_118, %dma_start3A_124] : memref<10112x80xf32, #tpu.memory_space<vmem_shared>> -> memref<632x80xf32, #tpu.memory_space<vmem_shared>>
        tpu.enqueue_dma source(%dma_start3A_125 : memref<632x80xf32, #tpu.memory_space<vmem_shared>>) target(%dma_start3A_123 : memref<632x80xf32, #tpu.memory_space<hbm>>) target_semaphore(%run_scoped3A_121 : memref<!tpu.dma_semaphore, #tpu.memory_space<semaphore_mem>>)
        %dma_wait3A_126 = arith.constant 0 : i32
        %dma_wait3A_127 = tpu.memref_slice %arg6[%mul3A_120, %dma_wait3A_126] : memref<10112x80xf32, #tpu.memory_space<hbm>> -> memref<632x80xf32, #tpu.memory_space<hbm>>
        %dma_wait3A_128 = arith.constant 0 : i32
        %dma_wait3A_129 = tpu.memref_slice %arg14[%mul3A_118, %dma_wait3A_128] : memref<10112x80xf32, #tpu.memory_space<vmem_shared>> -> memref<632x80xf32, #tpu.memory_space<vmem_shared>>
        tpu.wait_dma2 semaphore(%run_scoped3A_121 : memref<!tpu.dma_semaphore, #tpu.memory_space<semaphore_mem>>) src(%dma_wait3A_129 : memref<632x80xf32, #tpu.memory_space<vmem_shared>>) dst(%dma_wait3A_127 : memref<632x80xf32, #tpu.memory_space<hbm>>)
        tpu.yield
      }) : () -> ()
    } else {
    }
    %eq3A_112 = arith.constant 1 : i32
    %eq3A_113 = arith.cmpi eq, %arg0, %eq3A_112 : i32
    %convert_element_type3A_114 = arith.extui %eq3A_113 : i1 to i32
    %cond3A_115 = arith.constant 0 : i32
    %cond3A_116 = arith.cmpi ne, %convert_element_type3A_114, %cond3A_115 : i32
    scf.if %cond3A_116 {
      %mul3A_117 = arith.constant 632 : i32
      %mul3A_118 = arith.muli %arg1, %mul3A_117 : i32
      %mul3A_119 = arith.constant 632 : i32
      %mul3A_120 = arith.muli %arg1, %mul3A_119 : i32
      "tpu.region"() ({
        %run_scoped3A_121 = tpu.sem_alloc : memref<!tpu.dma_semaphore, #tpu.memory_space<semaphore_mem>>
        %dma_start3A_122 = arith.constant 0 : i32
        %dma_start3A_123 = tpu.memref_slice %arg7[%mul3A_120, %dma_start3A_122] : memref<10112x80xf32, #tpu.memory_space<hbm>> -> memref<632x80xf32, #tpu.memory_space<hbm>>
        %dma_start3A_124 = arith.constant 0 : i32
        %dma_start3A_125 = tpu.memref_slice %arg14[%mul3A_118, %dma_start3A_124] : memref<10112x80xf32, #tpu.memory_space<vmem_shared>> -> memref<632x80xf32, #tpu.memory_space<vmem_shared>>
        tpu.enqueue_dma source(%dma_start3A_125 : memref<632x80xf32, #tpu.memory_space<vmem_shared>>) target(%dma_start3A_123 : memref<632x80xf32, #tpu.memory_space<hbm>>) target_semaphore(%run_scoped3A_121 : memref<!tpu.dma_semaphore, #tpu.memory_space<semaphore_mem>>)
        %dma_wait3A_126 = arith.constant 0 : i32
        %dma_wait3A_127 = tpu.memref_slice %arg7[%mul3A_120, %dma_wait3A_126] : memref<10112x80xf32, #tpu.memory_space<hbm>> -> memref<632x80xf32, #tpu.memory_space<hbm>>
        %dma_wait3A_128 = arith.constant 0 : i32
        %dma_wait3A_129 = tpu.memref_slice %arg14[%mul3A_118, %dma_wait3A_128] : memref<10112x80xf32, #tpu.memory_space<vmem_shared>> -> memref<632x80xf32, #tpu.memory_space<vmem_shared>>
        tpu.wait_dma2 semaphore(%run_scoped3A_121 : memref<!tpu.dma_semaphore, #tpu.memory_space<semaphore_mem>>) src(%dma_wait3A_129 : memref<632x80xf32, #tpu.memory_space<vmem_shared>>) dst(%dma_wait3A_127 : memref<632x80xf32, #tpu.memory_space<hbm>>)
        tpu.yield
      }) : () -> ()
    } else {
    }
    return
  }
}

#map = affine_map<(d0, d1) -> (0, 0)>
module attributes {stable_mosaic.version = 14 : i64} {
  func.func @sc_segsum_d64(%arg0: i32, %arg1: i32, %arg2: memref<10000x64xf32, #tpu.memory_space<hbm>>, %arg3: memref<2500x128xi32, #tpu.memory_space<hbm>>, %arg4: memref<2500x128xi32, #tpu.memory_space<hbm>>, %arg5: memref<10112x64xf32, #tpu.memory_space<hbm>>, %arg6: memref<10112x64xf32, #tpu.memory_space<hbm>>, %arg7: memref<10112x64xf32, #tpu.memory_space<hbm>>, %arg8: memref<79x128xi32, #tpu.memory_space<vmem>>, %arg9: memref<79x128xi32, #tpu.memory_space<vmem>>, %arg10: memref<128x64xf32, #tpu.memory_space<vmem>>, %arg11: memref<128x64xf32, #tpu.memory_space<vmem>>, %arg12: memref<128x64xf32, #tpu.memory_space<vmem>>, %arg13: memref<128x64xf32, #tpu.memory_space<vmem>>, %arg14: memref<10112x64xf32, #tpu.memory_space<vmem_shared>>, %arg15: memref<!tpu.dma_semaphore, #tpu.memory_space<semaphore_mem>>, %arg16: memref<!tpu.dma_semaphore, #tpu.memory_space<semaphore_mem>>, %arg17: memref<!tpu.dma_semaphore, #tpu.memory_space<semaphore_mem>>, %arg18: memref<!tpu.dma_semaphore, #tpu.memory_space<semaphore_mem>>, %arg19: memref<!tpu.dma_semaphore, #tpu.memory_space<semaphore_mem>>, %arg20: memref<!tpu.dma_semaphore, #tpu.memory_space<semaphore_mem>>, %arg21: memref<!tpu.dma_semaphore, #tpu.memory_space<semaphore_mem>>, %arg22: memref<!tpu.dma_semaphore, #tpu.memory_space<semaphore_mem>>, %arg23: memref<!tpu.dma_semaphore, #tpu.memory_space<semaphore_mem>>) attributes {dimension_semantics = [#tpu.dimension_semantics<core_parallel>, #tpu.dimension_semantics<subcore_parallel>], iteration_bounds = array<i64: 2, 16>, scalar_prefetch = 0 : i64, scratch_operands = 16 : i64, tpu.core_type = #tpu.core_type<sc_vector_subcore>, window_params = [{transform_indices = #map}, {transform_indices = #map}, {transform_indices = #map}, {transform_indices = #map}, {transform_indices = #map}, {transform_indices = #map}]} {
    %mul3A = arith.constant 2 : i32
    %mul3A_0 = arith.muli %arg1, %mul3A : i32
    %add3A = arith.addi %mul3A_0, %arg0 : i32
    %mul3A_1 = arith.constant 632 : i32
    %mul3A_2 = arith.muli %arg1, %mul3A_1 : i32
    %mul3A_3 = arith.constant 78 : i32
    %mul3A_4 = arith.muli %add3A, %mul3A_3 : i32
    %dma_start3A = arith.constant 0 : i32
    %dma_start3A_5 = tpu.memref_slice %arg14[%mul3A_2, %dma_start3A] : memref<10112x64xf32, #tpu.memory_space<vmem_shared>> -> memref<632x64xf32, #tpu.memory_space<vmem_shared>>
    %dma_start3A_6 = arith.constant 0 : i32
    %dma_start3A_7 = tpu.memref_slice %arg5[%mul3A_2, %dma_start3A_6] : memref<10112x64xf32, #tpu.memory_space<hbm>> -> memref<632x64xf32, #tpu.memory_space<hbm>>
    tpu.enqueue_dma source(%dma_start3A_7 : memref<632x64xf32, #tpu.memory_space<hbm>>) target(%dma_start3A_5 : memref<632x64xf32, #tpu.memory_space<vmem_shared>>) target_semaphore(%arg15 : memref<!tpu.dma_semaphore, #tpu.memory_space<semaphore_mem>>)
    "tpu.region"() ({
      %run_scoped3A_117 = tpu.sem_alloc : memref<!tpu.dma_semaphore, #tpu.memory_space<semaphore_mem>>
      %dma_start3A_118 = arith.constant 0 : i32
      %dma_start3A_119 = arith.constant 0 : i32
      %dma_start3A_120 = tpu.memref_slice %arg8[%dma_start3A_118, %dma_start3A_119] : memref<79x128xi32, #tpu.memory_space<vmem>> -> memref<78x128xi32, #tpu.memory_space<vmem>>
      %dma_start3A_121 = arith.constant 0 : i32
      %dma_start3A_122 = tpu.memref_slice %arg3[%mul3A_4, %dma_start3A_121] : memref<2500x128xi32, #tpu.memory_space<hbm>> -> memref<78x128xi32, #tpu.memory_space<hbm>>
      %dma_start3A_123 = arith.constant 0 : i32
      %dma_start3A_124 = arith.constant 0 : i32
      %dma_start3A_125 = tpu.memref_slice %arg8[%dma_start3A_123, %dma_start3A_124] : memref<79x128xi32, #tpu.memory_space<vmem>> -> memref<78x128xi32, #tpu.memory_space<vmem>>
      %dma_start3A_126 = arith.constant 0 : i32
      %dma_start3A_127 = tpu.memref_slice %arg3[%mul3A_4, %dma_start3A_126] : memref<2500x128xi32, #tpu.memory_space<hbm>> -> memref<78x128xi32, #tpu.memory_space<hbm>>
      tpu.enqueue_dma source(%dma_start3A_127 : memref<78x128xi32, #tpu.memory_space<hbm>>) target(%dma_start3A_125 : memref<78x128xi32, #tpu.memory_space<vmem>>) target_semaphore(%run_scoped3A_117 : memref<!tpu.dma_semaphore, #tpu.memory_space<semaphore_mem>>)
      %dma_wait3A_128 = arith.constant 0 : i32
      %dma_wait3A_129 = arith.constant 0 : i32
      %dma_wait3A_130 = tpu.memref_slice %arg8[%dma_wait3A_128, %dma_wait3A_129] : memref<79x128xi32, #tpu.memory_space<vmem>> -> memref<78x128xi32, #tpu.memory_space<vmem>>
      %dma_wait3A_131 = arith.constant 0 : i32
      %dma_wait3A_132 = tpu.memref_slice %arg3[%mul3A_4, %dma_wait3A_131] : memref<2500x128xi32, #tpu.memory_space<hbm>> -> memref<78x128xi32, #tpu.memory_space<hbm>>
      %dma_wait3A_133 = arith.constant 0 : i32
      %dma_wait3A_134 = arith.constant 0 : i32
      %dma_wait3A_135 = tpu.memref_slice %arg8[%dma_wait3A_133, %dma_wait3A_134] : memref<79x128xi32, #tpu.memory_space<vmem>> -> memref<78x128xi32, #tpu.memory_space<vmem>>
      %dma_wait3A_136 = arith.constant 0 : i32
      %dma_wait3A_137 = tpu.memref_slice %arg3[%mul3A_4, %dma_wait3A_136] : memref<2500x128xi32, #tpu.memory_space<hbm>> -> memref<78x128xi32, #tpu.memory_space<hbm>>
      tpu.wait_dma2 semaphore(%run_scoped3A_117 : memref<!tpu.dma_semaphore, #tpu.memory_space<semaphore_mem>>) src(%dma_wait3A_137 : memref<78x128xi32, #tpu.memory_space<hbm>>) dst(%dma_wait3A_135 : memref<78x128xi32, #tpu.memory_space<vmem>>)
      tpu.yield
    }) : () -> ()
    "tpu.region"() ({
      %run_scoped3A_117 = tpu.sem_alloc : memref<!tpu.dma_semaphore, #tpu.memory_space<semaphore_mem>>
      %dma_start3A_118 = arith.constant 0 : i32
      %dma_start3A_119 = arith.constant 0 : i32
      %dma_start3A_120 = tpu.memref_slice %arg9[%dma_start3A_118, %dma_start3A_119] : memref<79x128xi32, #tpu.memory_space<vmem>> -> memref<78x128xi32, #tpu.memory_space<vmem>>
      %dma_start3A_121 = arith.constant 0 : i32
      %dma_start3A_122 = tpu.memref_slice %arg4[%mul3A_4, %dma_start3A_121] : memref<2500x128xi32, #tpu.memory_space<hbm>> -> memref<78x128xi32, #tpu.memory_space<hbm>>
      %dma_start3A_123 = arith.constant 0 : i32
      %dma_start3A_124 = arith.constant 0 : i32
      %dma_start3A_125 = tpu.memref_slice %arg9[%dma_start3A_123, %dma_start3A_124] : memref<79x128xi32, #tpu.memory_space<vmem>> -> memref<78x128xi32, #tpu.memory_space<vmem>>
      %dma_start3A_126 = arith.constant 0 : i32
      %dma_start3A_127 = tpu.memref_slice %arg4[%mul3A_4, %dma_start3A_126] : memref<2500x128xi32, #tpu.memory_space<hbm>> -> memref<78x128xi32, #tpu.memory_space<hbm>>
      tpu.enqueue_dma source(%dma_start3A_127 : memref<78x128xi32, #tpu.memory_space<hbm>>) target(%dma_start3A_125 : memref<78x128xi32, #tpu.memory_space<vmem>>) target_semaphore(%run_scoped3A_117 : memref<!tpu.dma_semaphore, #tpu.memory_space<semaphore_mem>>)
      %dma_wait3A_128 = arith.constant 0 : i32
      %dma_wait3A_129 = arith.constant 0 : i32
      %dma_wait3A_130 = tpu.memref_slice %arg9[%dma_wait3A_128, %dma_wait3A_129] : memref<79x128xi32, #tpu.memory_space<vmem>> -> memref<78x128xi32, #tpu.memory_space<vmem>>
      %dma_wait3A_131 = arith.constant 0 : i32
      %dma_wait3A_132 = tpu.memref_slice %arg4[%mul3A_4, %dma_wait3A_131] : memref<2500x128xi32, #tpu.memory_space<hbm>> -> memref<78x128xi32, #tpu.memory_space<hbm>>
      %dma_wait3A_133 = arith.constant 0 : i32
      %dma_wait3A_134 = arith.constant 0 : i32
      %dma_wait3A_135 = tpu.memref_slice %arg9[%dma_wait3A_133, %dma_wait3A_134] : memref<79x128xi32, #tpu.memory_space<vmem>> -> memref<78x128xi32, #tpu.memory_space<vmem>>
      %dma_wait3A_136 = arith.constant 0 : i32
      %dma_wait3A_137 = tpu.memref_slice %arg4[%mul3A_4, %dma_wait3A_136] : memref<2500x128xi32, #tpu.memory_space<hbm>> -> memref<78x128xi32, #tpu.memory_space<hbm>>
      tpu.wait_dma2 semaphore(%run_scoped3A_117 : memref<!tpu.dma_semaphore, #tpu.memory_space<semaphore_mem>>) src(%dma_wait3A_137 : memref<78x128xi32, #tpu.memory_space<hbm>>) dst(%dma_wait3A_135 : memref<78x128xi32, #tpu.memory_space<vmem>>)
      tpu.yield
    }) : () -> ()
    %lt3A = arith.constant 4 : i32
    %lt3A_8 = arith.cmpi slt, %add3A, %lt3A : i32
    %convert_element_type3A = arith.extui %lt3A_8 : i1 to i32
    %cond3A = arith.constant 0 : i32
    %cond3A_9 = arith.cmpi ne, %convert_element_type3A, %cond3A : i32
    scf.if %cond3A_9 {
      %add3A_117 = arith.constant 2496 : i32
      %add3A_118 = arith.addi %add3A_117, %add3A : i32
      "tpu.region"() ({
        %run_scoped3A_121 = tpu.sem_alloc : memref<!tpu.dma_semaphore, #tpu.memory_space<semaphore_mem>>
        %dma_start3A_122 = arith.constant 78 : i32
        %dma_start3A_123 = arith.constant 0 : i32
        %dma_start3A_124 = tpu.memref_slice %arg8[%dma_start3A_122, %dma_start3A_123] : memref<79x128xi32, #tpu.memory_space<vmem>> -> memref<1x128xi32, #tpu.memory_space<vmem>>
        %dma_start3A_125 = arith.constant 0 : i32
        %dma_start3A_126 = tpu.memref_slice %arg3[%add3A_118, %dma_start3A_125] : memref<2500x128xi32, #tpu.memory_space<hbm>> -> memref<1x128xi32, #tpu.memory_space<hbm>>
        %dma_start3A_127 = arith.constant 78 : i32
        %dma_start3A_128 = arith.constant 0 : i32
        %dma_start3A_129 = tpu.memref_slice %arg8[%dma_start3A_127, %dma_start3A_128] : memref<79x128xi32, #tpu.memory_space<vmem>> -> memref<1x128xi32, #tpu.memory_space<vmem>>
        %dma_start3A_130 = arith.constant 0 : i32
        %dma_start3A_131 = tpu.memref_slice %arg3[%add3A_118, %dma_start3A_130] : memref<2500x128xi32, #tpu.memory_space<hbm>> -> memref<1x128xi32, #tpu.memory_space<hbm>>
        tpu.enqueue_dma source(%dma_start3A_131 : memref<1x128xi32, #tpu.memory_space<hbm>>) target(%dma_start3A_129 : memref<1x128xi32, #tpu.memory_space<vmem>>) target_semaphore(%run_scoped3A_121 : memref<!tpu.dma_semaphore, #tpu.memory_space<semaphore_mem>>)
        %dma_wait3A_132 = arith.constant 78 : i32
        %dma_wait3A_133 = arith.constant 0 : i32
        %dma_wait3A_134 = tpu.memref_slice %arg8[%dma_wait3A_132, %dma_wait3A_133] : memref<79x128xi32, #tpu.memory_space<vmem>> -> memref<1x128xi32, #tpu.memory_space<vmem>>
        %dma_wait3A_135 = arith.constant 0 : i32
        %dma_wait3A_136 = tpu.memref_slice %arg3[%add3A_118, %dma_wait3A_135] : memref<2500x128xi32, #tpu.memory_space<hbm>> -> memref<1x128xi32, #tpu.memory_space<hbm>>
        %dma_wait3A_137 = arith.constant 78 : i32
        %dma_wait3A_138 = arith.constant 0 : i32
        %dma_wait3A_139 = tpu.memref_slice %arg8[%dma_wait3A_137, %dma_wait3A_138] : memref<79x128xi32, #tpu.memory_space<vmem>> -> memref<1x128xi32, #tpu.memory_space<vmem>>
        %dma_wait3A_140 = arith.constant 0 : i32
        %dma_wait3A_141 = tpu.memref_slice %arg3[%add3A_118, %dma_wait3A_140] : memref<2500x128xi32, #tpu.memory_space<hbm>> -> memref<1x128xi32, #tpu.memory_space<hbm>>
        tpu.wait_dma2 semaphore(%run_scoped3A_121 : memref<!tpu.dma_semaphore, #tpu.memory_space<semaphore_mem>>) src(%dma_wait3A_141 : memref<1x128xi32, #tpu.memory_space<hbm>>) dst(%dma_wait3A_139 : memref<1x128xi32, #tpu.memory_space<vmem>>)
        tpu.yield
      }) : () -> ()
      %add3A_119 = arith.constant 2496 : i32
      %add3A_120 = arith.addi %add3A_119, %add3A : i32
      "tpu.region"() ({
        %run_scoped3A_121 = tpu.sem_alloc : memref<!tpu.dma_semaphore, #tpu.memory_space<semaphore_mem>>
        %dma_start3A_122 = arith.constant 78 : i32
        %dma_start3A_123 = arith.constant 0 : i32
        %dma_start3A_124 = tpu.memref_slice %arg9[%dma_start3A_122, %dma_start3A_123] : memref<79x128xi32, #tpu.memory_space<vmem>> -> memref<1x128xi32, #tpu.memory_space<vmem>>
        %dma_start3A_125 = arith.constant 0 : i32
        %dma_start3A_126 = tpu.memref_slice %arg4[%add3A_120, %dma_start3A_125] : memref<2500x128xi32, #tpu.memory_space<hbm>> -> memref<1x128xi32, #tpu.memory_space<hbm>>
        %dma_start3A_127 = arith.constant 78 : i32
        %dma_start3A_128 = arith.constant 0 : i32
        %dma_start3A_129 = tpu.memref_slice %arg9[%dma_start3A_127, %dma_start3A_128] : memref<79x128xi32, #tpu.memory_space<vmem>> -> memref<1x128xi32, #tpu.memory_space<vmem>>
        %dma_start3A_130 = arith.constant 0 : i32
        %dma_start3A_131 = tpu.memref_slice %arg4[%add3A_120, %dma_start3A_130] : memref<2500x128xi32, #tpu.memory_space<hbm>> -> memref<1x128xi32, #tpu.memory_space<hbm>>
        tpu.enqueue_dma source(%dma_start3A_131 : memref<1x128xi32, #tpu.memory_space<hbm>>) target(%dma_start3A_129 : memref<1x128xi32, #tpu.memory_space<vmem>>) target_semaphore(%run_scoped3A_121 : memref<!tpu.dma_semaphore, #tpu.memory_space<semaphore_mem>>)
        %dma_wait3A_132 = arith.constant 78 : i32
        %dma_wait3A_133 = arith.constant 0 : i32
        %dma_wait3A_134 = tpu.memref_slice %arg9[%dma_wait3A_132, %dma_wait3A_133] : memref<79x128xi32, #tpu.memory_space<vmem>> -> memref<1x128xi32, #tpu.memory_space<vmem>>
        %dma_wait3A_135 = arith.constant 0 : i32
        %dma_wait3A_136 = tpu.memref_slice %arg4[%add3A_120, %dma_wait3A_135] : memref<2500x128xi32, #tpu.memory_space<hbm>> -> memref<1x128xi32, #tpu.memory_space<hbm>>
        %dma_wait3A_137 = arith.constant 78 : i32
        %dma_wait3A_138 = arith.constant 0 : i32
        %dma_wait3A_139 = tpu.memref_slice %arg9[%dma_wait3A_137, %dma_wait3A_138] : memref<79x128xi32, #tpu.memory_space<vmem>> -> memref<1x128xi32, #tpu.memory_space<vmem>>
        %dma_wait3A_140 = arith.constant 0 : i32
        %dma_wait3A_141 = tpu.memref_slice %arg4[%add3A_120, %dma_wait3A_140] : memref<2500x128xi32, #tpu.memory_space<hbm>> -> memref<1x128xi32, #tpu.memory_space<hbm>>
        tpu.wait_dma2 semaphore(%run_scoped3A_121 : memref<!tpu.dma_semaphore, #tpu.memory_space<semaphore_mem>>) src(%dma_wait3A_141 : memref<1x128xi32, #tpu.memory_space<hbm>>) dst(%dma_wait3A_139 : memref<1x128xi32, #tpu.memory_space<vmem>>)
        tpu.yield
      }) : () -> ()
    } else {
    }
    %dma_start3A_10 = arith.constant 0 : i32
    %dma_start3A_11 = arith.constant 0 : i32
    %dma_start3A_12 = tpu.memref_slice %arg8[%dma_start3A_10, %dma_start3A_11] : memref<79x128xi32, #tpu.memory_space<vmem>> -> memref<1x128xi32, #tpu.memory_space<vmem>>
    %dma_start3A_13 = tpu.memref_squeeze %dma_start3A_12 : memref<1x128xi32, #tpu.memory_space<vmem>> -> memref<128xi32, #tpu.memory_space<vmem>>
    %dma_start3A_14 = arith.constant 0 : i32
    %dma_start3A_15 = arith.constant 0 : i32
    %dma_start3A_16 = tpu.memref_slice %arg2[%dma_start3A_14, %dma_start3A_15] : memref<10000x64xf32, #tpu.memory_space<hbm>> -> memref<10000x64xf32, #tpu.memory_space<hbm>>
    tpu.enqueue_indirect_dma source(%dma_start3A_16 : memref<10000x64xf32, #tpu.memory_space<hbm>>) target(%arg10 : memref<128x64xf32, #tpu.memory_space<vmem>>) offsets(%dma_start3A_13 : memref<128xi32, #tpu.memory_space<vmem>>) semaphore(%arg16 : memref<!tpu.dma_semaphore, #tpu.memory_space<semaphore_mem>>)
    %dma_start3A_17 = arith.constant 1 : i32
    %dma_start3A_18 = arith.constant 0 : i32
    %dma_start3A_19 = tpu.memref_slice %arg8[%dma_start3A_17, %dma_start3A_18] : memref<79x128xi32, #tpu.memory_space<vmem>> -> memref<1x128xi32, #tpu.memory_space<vmem>>
    %dma_start3A_20 = tpu.memref_squeeze %dma_start3A_19 : memref<1x128xi32, #tpu.memory_space<vmem>> -> memref<128xi32, #tpu.memory_space<vmem>>
    %dma_start3A_21 = arith.constant 0 : i32
    %dma_start3A_22 = arith.constant 0 : i32
    %dma_start3A_23 = tpu.memref_slice %arg2[%dma_start3A_21, %dma_start3A_22] : memref<10000x64xf32, #tpu.memory_space<hbm>> -> memref<10000x64xf32, #tpu.memory_space<hbm>>
    tpu.enqueue_indirect_dma source(%dma_start3A_23 : memref<10000x64xf32, #tpu.memory_space<hbm>>) target(%arg11 : memref<128x64xf32, #tpu.memory_space<vmem>>) offsets(%dma_start3A_20 : memref<128xi32, #tpu.memory_space<vmem>>) semaphore(%arg17 : memref<!tpu.dma_semaphore, #tpu.memory_space<semaphore_mem>>)
    %dma_start3A_24 = arith.constant 2 : i32
    %dma_start3A_25 = arith.constant 0 : i32
    %dma_start3A_26 = tpu.memref_slice %arg8[%dma_start3A_24, %dma_start3A_25] : memref<79x128xi32, #tpu.memory_space<vmem>> -> memref<1x128xi32, #tpu.memory_space<vmem>>
    %dma_start3A_27 = tpu.memref_squeeze %dma_start3A_26 : memref<1x128xi32, #tpu.memory_space<vmem>> -> memref<128xi32, #tpu.memory_space<vmem>>
    %dma_start3A_28 = arith.constant 0 : i32
    %dma_start3A_29 = arith.constant 0 : i32
    %dma_start3A_30 = tpu.memref_slice %arg2[%dma_start3A_28, %dma_start3A_29] : memref<10000x64xf32, #tpu.memory_space<hbm>> -> memref<10000x64xf32, #tpu.memory_space<hbm>>
    tpu.enqueue_indirect_dma source(%dma_start3A_30 : memref<10000x64xf32, #tpu.memory_space<hbm>>) target(%arg12 : memref<128x64xf32, #tpu.memory_space<vmem>>) offsets(%dma_start3A_27 : memref<128xi32, #tpu.memory_space<vmem>>) semaphore(%arg18 : memref<!tpu.dma_semaphore, #tpu.memory_space<semaphore_mem>>)
    %dma_start3A_31 = arith.constant 3 : i32
    %dma_start3A_32 = arith.constant 0 : i32
    %dma_start3A_33 = tpu.memref_slice %arg8[%dma_start3A_31, %dma_start3A_32] : memref<79x128xi32, #tpu.memory_space<vmem>> -> memref<1x128xi32, #tpu.memory_space<vmem>>
    %dma_start3A_34 = tpu.memref_squeeze %dma_start3A_33 : memref<1x128xi32, #tpu.memory_space<vmem>> -> memref<128xi32, #tpu.memory_space<vmem>>
    %dma_start3A_35 = arith.constant 0 : i32
    %dma_start3A_36 = arith.constant 0 : i32
    %dma_start3A_37 = tpu.memref_slice %arg2[%dma_start3A_35, %dma_start3A_36] : memref<10000x64xf32, #tpu.memory_space<hbm>> -> memref<10000x64xf32, #tpu.memory_space<hbm>>
    tpu.enqueue_indirect_dma source(%dma_start3A_37 : memref<10000x64xf32, #tpu.memory_space<hbm>>) target(%arg13 : memref<128x64xf32, #tpu.memory_space<vmem>>) offsets(%dma_start3A_34 : memref<128xi32, #tpu.memory_space<vmem>>) semaphore(%arg19 : memref<!tpu.dma_semaphore, #tpu.memory_space<semaphore_mem>>)
    %dma_wait3A = arith.constant 0 : i32
    %dma_wait3A_38 = tpu.memref_slice %arg14[%mul3A_2, %dma_wait3A] : memref<10112x64xf32, #tpu.memory_space<vmem_shared>> -> memref<632x64xf32, #tpu.memory_space<vmem_shared>>
    %dma_wait3A_39 = arith.constant 0 : i32
    %dma_wait3A_40 = tpu.memref_slice %arg5[%mul3A_2, %dma_wait3A_39] : memref<10112x64xf32, #tpu.memory_space<hbm>> -> memref<632x64xf32, #tpu.memory_space<hbm>>
    tpu.wait_dma2 semaphore(%arg15 : memref<!tpu.dma_semaphore, #tpu.memory_space<semaphore_mem>>) src(%dma_wait3A_40 : memref<632x64xf32, #tpu.memory_space<hbm>>) dst(%dma_wait3A_38 : memref<632x64xf32, #tpu.memory_space<vmem_shared>>)
    %barrier3A = arith.constant 0 : index
    tpu.barrier barrier_id(%barrier3A)
    %scan3A = arith.constant 0 : i32
    %scan3A_41 = arith.constant 19 : i32
    %scan3A_42 = arith.addi %scan3A, %scan3A_41 : i32
    %scan3A_43 = arith.constant 1 : i32
    scf.for %scan3A_117 = %scan3A to %scan3A_42 step %scan3A_43  : i32 {
      %mul3A_118 = arith.constant 4 : i32
      %mul3A_119 = arith.muli %scan3A_117, %mul3A_118 : i32
      %add3A_120 = arith.constant 0 : i32
      %add3A_121 = arith.addi %add3A_120, %mul3A_119 : i32
      %add3A_122 = arith.constant 0 : i32
      %add3A_123 = arith.addi %add3A_121, %add3A_122 : i32
      %dma_wait3A_124 = arith.constant 0 : i32
      %dma_wait3A_125 = tpu.memref_slice %arg8[%add3A_123, %dma_wait3A_124] : memref<79x128xi32, #tpu.memory_space<vmem>> -> memref<1x128xi32, #tpu.memory_space<vmem>>
      %dma_wait3A_126 = tpu.memref_squeeze %dma_wait3A_125 : memref<1x128xi32, #tpu.memory_space<vmem>> -> memref<128xi32, #tpu.memory_space<vmem>>
      %dma_wait3A_127 = arith.constant 0 : i32
      %dma_wait3A_128 = arith.constant 0 : i32
      %dma_wait3A_129 = tpu.memref_slice %arg2[%dma_wait3A_127, %dma_wait3A_128] : memref<10000x64xf32, #tpu.memory_space<hbm>> -> memref<10000x64xf32, #tpu.memory_space<hbm>>
      tpu.wait_indirect_dma semaphore(%arg16 : memref<!tpu.dma_semaphore, #tpu.memory_space<semaphore_mem>>) src(%dma_wait3A_129 : memref<10000x64xf32, #tpu.memory_space<hbm>>) dst(%arg10 : memref<128x64xf32, #tpu.memory_space<vmem>>)
      %add3A_130 = arith.constant 0 : i32
      %add3A_131 = arith.addi %add3A_121, %add3A_130 : i32
      %dma_start3A_132 = arith.constant 0 : i32
      %dma_start3A_133 = tpu.memref_slice %arg9[%add3A_131, %dma_start3A_132] : memref<79x128xi32, #tpu.memory_space<vmem>> -> memref<1x128xi32, #tpu.memory_space<vmem>>
      %dma_start3A_134 = tpu.memref_squeeze %dma_start3A_133 : memref<1x128xi32, #tpu.memory_space<vmem>> -> memref<128xi32, #tpu.memory_space<vmem>>
      %dma_start3A_135 = arith.constant 0 : i32
      %dma_start3A_136 = arith.constant 0 : i32
      %dma_start3A_137 = tpu.memref_slice %arg14[%dma_start3A_135, %dma_start3A_136] : memref<10112x64xf32, #tpu.memory_space<vmem_shared>> -> memref<10112x64xf32, #tpu.memory_space<vmem_shared>>
      tpu.enqueue_indirect_dma source(%arg10 : memref<128x64xf32, #tpu.memory_space<vmem>>) target(%dma_start3A_137 : memref<10112x64xf32, #tpu.memory_space<vmem_shared>>) offsets(%dma_start3A_134 : memref<128xi32, #tpu.memory_space<vmem>>) semaphore(%arg20 : memref<!tpu.dma_semaphore, #tpu.memory_space<semaphore_mem>>) {add = true}
      %add3A_138 = arith.constant 1 : i32
      %add3A_139 = arith.addi %add3A_121, %add3A_138 : i32
      %dma_wait3A_140 = arith.constant 0 : i32
      %dma_wait3A_141 = tpu.memref_slice %arg8[%add3A_139, %dma_wait3A_140] : memref<79x128xi32, #tpu.memory_space<vmem>> -> memref<1x128xi32, #tpu.memory_space<vmem>>
      %dma_wait3A_142 = tpu.memref_squeeze %dma_wait3A_141 : memref<1x128xi32, #tpu.memory_space<vmem>> -> memref<128xi32, #tpu.memory_space<vmem>>
      %dma_wait3A_143 = arith.constant 0 : i32
      %dma_wait3A_144 = arith.constant 0 : i32
      %dma_wait3A_145 = tpu.memref_slice %arg2[%dma_wait3A_143, %dma_wait3A_144] : memref<10000x64xf32, #tpu.memory_space<hbm>> -> memref<10000x64xf32, #tpu.memory_space<hbm>>
      tpu.wait_indirect_dma semaphore(%arg17 : memref<!tpu.dma_semaphore, #tpu.memory_space<semaphore_mem>>) src(%dma_wait3A_145 : memref<10000x64xf32, #tpu.memory_space<hbm>>) dst(%arg11 : memref<128x64xf32, #tpu.memory_space<vmem>>)
      %add3A_146 = arith.constant 1 : i32
      %add3A_147 = arith.addi %add3A_121, %add3A_146 : i32
      %dma_start3A_148 = arith.constant 0 : i32
      %dma_start3A_149 = tpu.memref_slice %arg9[%add3A_147, %dma_start3A_148] : memref<79x128xi32, #tpu.memory_space<vmem>> -> memref<1x128xi32, #tpu.memory_space<vmem>>
      %dma_start3A_150 = tpu.memref_squeeze %dma_start3A_149 : memref<1x128xi32, #tpu.memory_space<vmem>> -> memref<128xi32, #tpu.memory_space<vmem>>
      %dma_start3A_151 = arith.constant 0 : i32
      %dma_start3A_152 = arith.constant 0 : i32
      %dma_start3A_153 = tpu.memref_slice %arg14[%dma_start3A_151, %dma_start3A_152] : memref<10112x64xf32, #tpu.memory_space<vmem_shared>> -> memref<10112x64xf32, #tpu.memory_space<vmem_shared>>
      tpu.enqueue_indirect_dma source(%arg11 : memref<128x64xf32, #tpu.memory_space<vmem>>) target(%dma_start3A_153 : memref<10112x64xf32, #tpu.memory_space<vmem_shared>>) offsets(%dma_start3A_150 : memref<128xi32, #tpu.memory_space<vmem>>) semaphore(%arg21 : memref<!tpu.dma_semaphore, #tpu.memory_space<semaphore_mem>>) {add = true}
      %add3A_154 = arith.constant 2 : i32
      %add3A_155 = arith.addi %add3A_121, %add3A_154 : i32
      %dma_wait3A_156 = arith.constant 0 : i32
      %dma_wait3A_157 = tpu.memref_slice %arg8[%add3A_155, %dma_wait3A_156] : memref<79x128xi32, #tpu.memory_space<vmem>> -> memref<1x128xi32, #tpu.memory_space<vmem>>
      %dma_wait3A_158 = tpu.memref_squeeze %dma_wait3A_157 : memref<1x128xi32, #tpu.memory_space<vmem>> -> memref<128xi32, #tpu.memory_space<vmem>>
      %dma_wait3A_159 = arith.constant 0 : i32
      %dma_wait3A_160 = arith.constant 0 : i32
      %dma_wait3A_161 = tpu.memref_slice %arg2[%dma_wait3A_159, %dma_wait3A_160] : memref<10000x64xf32, #tpu.memory_space<hbm>> -> memref<10000x64xf32, #tpu.memory_space<hbm>>
      tpu.wait_indirect_dma semaphore(%arg18 : memref<!tpu.dma_semaphore, #tpu.memory_space<semaphore_mem>>) src(%dma_wait3A_161 : memref<10000x64xf32, #tpu.memory_space<hbm>>) dst(%arg12 : memref<128x64xf32, #tpu.memory_space<vmem>>)
      %add3A_162 = arith.constant 2 : i32
      %add3A_163 = arith.addi %add3A_121, %add3A_162 : i32
      %dma_start3A_164 = arith.constant 0 : i32
      %dma_start3A_165 = tpu.memref_slice %arg9[%add3A_163, %dma_start3A_164] : memref<79x128xi32, #tpu.memory_space<vmem>> -> memref<1x128xi32, #tpu.memory_space<vmem>>
      %dma_start3A_166 = tpu.memref_squeeze %dma_start3A_165 : memref<1x128xi32, #tpu.memory_space<vmem>> -> memref<128xi32, #tpu.memory_space<vmem>>
      %dma_start3A_167 = arith.constant 0 : i32
      %dma_start3A_168 = arith.constant 0 : i32
      %dma_start3A_169 = tpu.memref_slice %arg14[%dma_start3A_167, %dma_start3A_168] : memref<10112x64xf32, #tpu.memory_space<vmem_shared>> -> memref<10112x64xf32, #tpu.memory_space<vmem_shared>>
      tpu.enqueue_indirect_dma source(%arg12 : memref<128x64xf32, #tpu.memory_space<vmem>>) target(%dma_start3A_169 : memref<10112x64xf32, #tpu.memory_space<vmem_shared>>) offsets(%dma_start3A_166 : memref<128xi32, #tpu.memory_space<vmem>>) semaphore(%arg22 : memref<!tpu.dma_semaphore, #tpu.memory_space<semaphore_mem>>) {add = true}
      %add3A_170 = arith.constant 3 : i32
      %add3A_171 = arith.addi %add3A_121, %add3A_170 : i32
      %dma_wait3A_172 = arith.constant 0 : i32
      %dma_wait3A_173 = tpu.memref_slice %arg8[%add3A_171, %dma_wait3A_172] : memref<79x128xi32, #tpu.memory_space<vmem>> -> memref<1x128xi32, #tpu.memory_space<vmem>>
      %dma_wait3A_174 = tpu.memref_squeeze %dma_wait3A_173 : memref<1x128xi32, #tpu.memory_space<vmem>> -> memref<128xi32, #tpu.memory_space<vmem>>
      %dma_wait3A_175 = arith.constant 0 : i32
      %dma_wait3A_176 = arith.constant 0 : i32
      %dma_wait3A_177 = tpu.memref_slice %arg2[%dma_wait3A_175, %dma_wait3A_176] : memref<10000x64xf32, #tpu.memory_space<hbm>> -> memref<10000x64xf32, #tpu.memory_space<hbm>>
      tpu.wait_indirect_dma semaphore(%arg19 : memref<!tpu.dma_semaphore, #tpu.memory_space<semaphore_mem>>) src(%dma_wait3A_177 : memref<10000x64xf32, #tpu.memory_space<hbm>>) dst(%arg13 : memref<128x64xf32, #tpu.memory_space<vmem>>)
      %add3A_178 = arith.constant 3 : i32
      %add3A_179 = arith.addi %add3A_121, %add3A_178 : i32
      %dma_start3A_180 = arith.constant 0 : i32
      %dma_start3A_181 = tpu.memref_slice %arg9[%add3A_179, %dma_start3A_180] : memref<79x128xi32, #tpu.memory_space<vmem>> -> memref<1x128xi32, #tpu.memory_space<vmem>>
      %dma_start3A_182 = tpu.memref_squeeze %dma_start3A_181 : memref<1x128xi32, #tpu.memory_space<vmem>> -> memref<128xi32, #tpu.memory_space<vmem>>
      %dma_start3A_183 = arith.constant 0 : i32
      %dma_start3A_184 = arith.constant 0 : i32
      %dma_start3A_185 = tpu.memref_slice %arg14[%dma_start3A_183, %dma_start3A_184] : memref<10112x64xf32, #tpu.memory_space<vmem_shared>> -> memref<10112x64xf32, #tpu.memory_space<vmem_shared>>
      tpu.enqueue_indirect_dma source(%arg13 : memref<128x64xf32, #tpu.memory_space<vmem>>) target(%dma_start3A_185 : memref<10112x64xf32, #tpu.memory_space<vmem_shared>>) offsets(%dma_start3A_182 : memref<128xi32, #tpu.memory_space<vmem>>) semaphore(%arg23 : memref<!tpu.dma_semaphore, #tpu.memory_space<semaphore_mem>>) {add = true}
      %add3A_186 = arith.constant 4 : i32
      %add3A_187 = arith.addi %add3A_121, %add3A_186 : i32
      %add3A_188 = arith.constant 0 : i32
      %add3A_189 = arith.addi %add3A_187, %add3A_188 : i32
      %lt3A_190 = arith.constant 76 : i32
      %lt3A_191 = arith.cmpi slt, %add3A_189, %lt3A_190 : i32
      %convert_element_type3A_192 = arith.extui %lt3A_191 : i1 to i32
      %cond3A_193 = arith.constant 0 : i32
      %cond3A_194 = arith.cmpi ne, %convert_element_type3A_192, %cond3A_193 : i32
      scf.if %cond3A_194 {
        %add3A_222 = arith.constant 0 : i32
        %add3A_223 = arith.addi %add3A_121, %add3A_222 : i32
        %dma_wait3A_224 = arith.constant 0 : i32
        %dma_wait3A_225 = tpu.memref_slice %arg9[%add3A_223, %dma_wait3A_224] : memref<79x128xi32, #tpu.memory_space<vmem>> -> memref<1x128xi32, #tpu.memory_space<vmem>>
        %dma_wait3A_226 = tpu.memref_squeeze %dma_wait3A_225 : memref<1x128xi32, #tpu.memory_space<vmem>> -> memref<128xi32, #tpu.memory_space<vmem>>
        %dma_wait3A_227 = arith.constant 0 : i32
        %dma_wait3A_228 = arith.constant 0 : i32
        %dma_wait3A_229 = tpu.memref_slice %arg14[%dma_wait3A_227, %dma_wait3A_228] : memref<10112x64xf32, #tpu.memory_space<vmem_shared>> -> memref<10112x64xf32, #tpu.memory_space<vmem_shared>>
        tpu.wait_indirect_dma semaphore(%arg20 : memref<!tpu.dma_semaphore, #tpu.memory_space<semaphore_mem>>) src(%arg10 : memref<128x64xf32, #tpu.memory_space<vmem>>) dst(%dma_wait3A_229 : memref<10112x64xf32, #tpu.memory_space<vmem_shared>>)
        %add3A_230 = arith.constant 4 : i32
        %add3A_231 = arith.addi %add3A_121, %add3A_230 : i32
        %add3A_232 = arith.constant 0 : i32
        %add3A_233 = arith.addi %add3A_231, %add3A_232 : i32
        %dma_start3A_234 = arith.constant 0 : i32
        %dma_start3A_235 = tpu.memref_slice %arg8[%add3A_233, %dma_start3A_234] : memref<79x128xi32, #tpu.memory_space<vmem>> -> memref<1x128xi32, #tpu.memory_space<vmem>>
        %dma_start3A_236 = tpu.memref_squeeze %dma_start3A_235 : memref<1x128xi32, #tpu.memory_space<vmem>> -> memref<128xi32, #tpu.memory_space<vmem>>
        %dma_start3A_237 = arith.constant 0 : i32
        %dma_start3A_238 = arith.constant 0 : i32
        %dma_start3A_239 = tpu.memref_slice %arg2[%dma_start3A_237, %dma_start3A_238] : memref<10000x64xf32, #tpu.memory_space<hbm>> -> memref<10000x64xf32, #tpu.memory_space<hbm>>
        tpu.enqueue_indirect_dma source(%dma_start3A_239 : memref<10000x64xf32, #tpu.memory_space<hbm>>) target(%arg10 : memref<128x64xf32, #tpu.memory_space<vmem>>) offsets(%dma_start3A_236 : memref<128xi32, #tpu.memory_space<vmem>>) semaphore(%arg16 : memref<!tpu.dma_semaphore, #tpu.memory_space<semaphore_mem>>)
      } else {
      }
      %add3A_195 = arith.constant 4 : i32
      %add3A_196 = arith.addi %add3A_121, %add3A_195 : i32
      %add3A_197 = arith.constant 1 : i32
      %add3A_198 = arith.addi %add3A_196, %add3A_197 : i32
      %lt3A_199 = arith.constant 76 : i32
      %lt3A_200 = arith.cmpi slt, %add3A_198, %lt3A_199 : i32
      %convert_element_type3A_201 = arith.extui %lt3A_200 : i1 to i32
      %cond3A_202 = arith.constant 0 : i32
      %cond3A_203 = arith.cmpi ne, %convert_element_type3A_201, %cond3A_202 : i32
      scf.if %cond3A_203 {
        %add3A_222 = arith.constant 1 : i32
        %add3A_223 = arith.addi %add3A_121, %add3A_222 : i32
        %dma_wait3A_224 = arith.constant 0 : i32
        %dma_wait3A_225 = tpu.memref_slice %arg9[%add3A_223, %dma_wait3A_224] : memref<79x128xi32, #tpu.memory_space<vmem>> -> memref<1x128xi32, #tpu.memory_space<vmem>>
        %dma_wait3A_226 = tpu.memref_squeeze %dma_wait3A_225 : memref<1x128xi32, #tpu.memory_space<vmem>> -> memref<128xi32, #tpu.memory_space<vmem>>
        %dma_wait3A_227 = arith.constant 0 : i32
        %dma_wait3A_228 = arith.constant 0 : i32
        %dma_wait3A_229 = tpu.memref_slice %arg14[%dma_wait3A_227, %dma_wait3A_228] : memref<10112x64xf32, #tpu.memory_space<vmem_shared>> -> memref<10112x64xf32, #tpu.memory_space<vmem_shared>>
        tpu.wait_indirect_dma semaphore(%arg21 : memref<!tpu.dma_semaphore, #tpu.memory_space<semaphore_mem>>) src(%arg11 : memref<128x64xf32, #tpu.memory_space<vmem>>) dst(%dma_wait3A_229 : memref<10112x64xf32, #tpu.memory_space<vmem_shared>>)
        %add3A_230 = arith.constant 4 : i32
        %add3A_231 = arith.addi %add3A_121, %add3A_230 : i32
        %add3A_232 = arith.constant 1 : i32
        %add3A_233 = arith.addi %add3A_231, %add3A_232 : i32
        %dma_start3A_234 = arith.constant 0 : i32
        %dma_start3A_235 = tpu.memref_slice %arg8[%add3A_233, %dma_start3A_234] : memref<79x128xi32, #tpu.memory_space<vmem>> -> memref<1x128xi32, #tpu.memory_space<vmem>>
        %dma_start3A_236 = tpu.memref_squeeze %dma_start3A_235 : memref<1x128xi32, #tpu.memory_space<vmem>> -> memref<128xi32, #tpu.memory_space<vmem>>
        %dma_start3A_237 = arith.constant 0 : i32
        %dma_start3A_238 = arith.constant 0 : i32
        %dma_start3A_239 = tpu.memref_slice %arg2[%dma_start3A_237, %dma_start3A_238] : memref<10000x64xf32, #tpu.memory_space<hbm>> -> memref<10000x64xf32, #tpu.memory_space<hbm>>
        tpu.enqueue_indirect_dma source(%dma_start3A_239 : memref<10000x64xf32, #tpu.memory_space<hbm>>) target(%arg11 : memref<128x64xf32, #tpu.memory_space<vmem>>) offsets(%dma_start3A_236 : memref<128xi32, #tpu.memory_space<vmem>>) semaphore(%arg17 : memref<!tpu.dma_semaphore, #tpu.memory_space<semaphore_mem>>)
      } else {
      }
      %add3A_204 = arith.constant 4 : i32
      %add3A_205 = arith.addi %add3A_121, %add3A_204 : i32
      %add3A_206 = arith.constant 2 : i32
      %add3A_207 = arith.addi %add3A_205, %add3A_206 : i32
      %lt3A_208 = arith.constant 76 : i32
      %lt3A_209 = arith.cmpi slt, %add3A_207, %lt3A_208 : i32
      %convert_element_type3A_210 = arith.extui %lt3A_209 : i1 to i32
      %cond3A_211 = arith.constant 0 : i32
      %cond3A_212 = arith.cmpi ne, %convert_element_type3A_210, %cond3A_211 : i32
      scf.if %cond3A_212 {
        %add3A_222 = arith.constant 2 : i32
        %add3A_223 = arith.addi %add3A_121, %add3A_222 : i32
        %dma_wait3A_224 = arith.constant 0 : i32
        %dma_wait3A_225 = tpu.memref_slice %arg9[%add3A_223, %dma_wait3A_224] : memref<79x128xi32, #tpu.memory_space<vmem>> -> memref<1x128xi32, #tpu.memory_space<vmem>>
        %dma_wait3A_226 = tpu.memref_squeeze %dma_wait3A_225 : memref<1x128xi32, #tpu.memory_space<vmem>> -> memref<128xi32, #tpu.memory_space<vmem>>
        %dma_wait3A_227 = arith.constant 0 : i32
        %dma_wait3A_228 = arith.constant 0 : i32
        %dma_wait3A_229 = tpu.memref_slice %arg14[%dma_wait3A_227, %dma_wait3A_228] : memref<10112x64xf32, #tpu.memory_space<vmem_shared>> -> memref<10112x64xf32, #tpu.memory_space<vmem_shared>>
        tpu.wait_indirect_dma semaphore(%arg22 : memref<!tpu.dma_semaphore, #tpu.memory_space<semaphore_mem>>) src(%arg12 : memref<128x64xf32, #tpu.memory_space<vmem>>) dst(%dma_wait3A_229 : memref<10112x64xf32, #tpu.memory_space<vmem_shared>>)
        %add3A_230 = arith.constant 4 : i32
        %add3A_231 = arith.addi %add3A_121, %add3A_230 : i32
        %add3A_232 = arith.constant 2 : i32
        %add3A_233 = arith.addi %add3A_231, %add3A_232 : i32
        %dma_start3A_234 = arith.constant 0 : i32
        %dma_start3A_235 = tpu.memref_slice %arg8[%add3A_233, %dma_start3A_234] : memref<79x128xi32, #tpu.memory_space<vmem>> -> memref<1x128xi32, #tpu.memory_space<vmem>>
        %dma_start3A_236 = tpu.memref_squeeze %dma_start3A_235 : memref<1x128xi32, #tpu.memory_space<vmem>> -> memref<128xi32, #tpu.memory_space<vmem>>
        %dma_start3A_237 = arith.constant 0 : i32
        %dma_start3A_238 = arith.constant 0 : i32
        %dma_start3A_239 = tpu.memref_slice %arg2[%dma_start3A_237, %dma_start3A_238] : memref<10000x64xf32, #tpu.memory_space<hbm>> -> memref<10000x64xf32, #tpu.memory_space<hbm>>
        tpu.enqueue_indirect_dma source(%dma_start3A_239 : memref<10000x64xf32, #tpu.memory_space<hbm>>) target(%arg12 : memref<128x64xf32, #tpu.memory_space<vmem>>) offsets(%dma_start3A_236 : memref<128xi32, #tpu.memory_space<vmem>>) semaphore(%arg18 : memref<!tpu.dma_semaphore, #tpu.memory_space<semaphore_mem>>)
      } else {
      }
      %add3A_213 = arith.constant 4 : i32
      %add3A_214 = arith.addi %add3A_121, %add3A_213 : i32
      %add3A_215 = arith.constant 3 : i32
      %add3A_216 = arith.addi %add3A_214, %add3A_215 : i32
      %lt3A_217 = arith.constant 76 : i32
      %lt3A_218 = arith.cmpi slt, %add3A_216, %lt3A_217 : i32
      %convert_element_type3A_219 = arith.extui %lt3A_218 : i1 to i32
      %cond3A_220 = arith.constant 0 : i32
      %cond3A_221 = arith.cmpi ne, %convert_element_type3A_219, %cond3A_220 : i32
      scf.if %cond3A_221 {
        %add3A_222 = arith.constant 3 : i32
        %add3A_223 = arith.addi %add3A_121, %add3A_222 : i32
        %dma_wait3A_224 = arith.constant 0 : i32
        %dma_wait3A_225 = tpu.memref_slice %arg9[%add3A_223, %dma_wait3A_224] : memref<79x128xi32, #tpu.memory_space<vmem>> -> memref<1x128xi32, #tpu.memory_space<vmem>>
        %dma_wait3A_226 = tpu.memref_squeeze %dma_wait3A_225 : memref<1x128xi32, #tpu.memory_space<vmem>> -> memref<128xi32, #tpu.memory_space<vmem>>
        %dma_wait3A_227 = arith.constant 0 : i32
        %dma_wait3A_228 = arith.constant 0 : i32
        %dma_wait3A_229 = tpu.memref_slice %arg14[%dma_wait3A_227, %dma_wait3A_228] : memref<10112x64xf32, #tpu.memory_space<vmem_shared>> -> memref<10112x64xf32, #tpu.memory_space<vmem_shared>>
        tpu.wait_indirect_dma semaphore(%arg23 : memref<!tpu.dma_semaphore, #tpu.memory_space<semaphore_mem>>) src(%arg13 : memref<128x64xf32, #tpu.memory_space<vmem>>) dst(%dma_wait3A_229 : memref<10112x64xf32, #tpu.memory_space<vmem_shared>>)
        %add3A_230 = arith.constant 4 : i32
        %add3A_231 = arith.addi %add3A_121, %add3A_230 : i32
        %add3A_232 = arith.constant 3 : i32
        %add3A_233 = arith.addi %add3A_231, %add3A_232 : i32
        %dma_start3A_234 = arith.constant 0 : i32
        %dma_start3A_235 = tpu.memref_slice %arg8[%add3A_233, %dma_start3A_234] : memref<79x128xi32, #tpu.memory_space<vmem>> -> memref<1x128xi32, #tpu.memory_space<vmem>>
        %dma_start3A_236 = tpu.memref_squeeze %dma_start3A_235 : memref<1x128xi32, #tpu.memory_space<vmem>> -> memref<128xi32, #tpu.memory_space<vmem>>
        %dma_start3A_237 = arith.constant 0 : i32
        %dma_start3A_238 = arith.constant 0 : i32
        %dma_start3A_239 = tpu.memref_slice %arg2[%dma_start3A_237, %dma_start3A_238] : memref<10000x64xf32, #tpu.memory_space<hbm>> -> memref<10000x64xf32, #tpu.memory_space<hbm>>
        tpu.enqueue_indirect_dma source(%dma_start3A_239 : memref<10000x64xf32, #tpu.memory_space<hbm>>) target(%arg13 : memref<128x64xf32, #tpu.memory_space<vmem>>) offsets(%dma_start3A_236 : memref<128xi32, #tpu.memory_space<vmem>>) semaphore(%arg19 : memref<!tpu.dma_semaphore, #tpu.memory_space<semaphore_mem>>)
      } else {
      }
    }
    %scan3A_44 = arith.constant 19 : i32
    %dma_wait3A_45 = arith.constant 0 : i32
    %dma_wait3A_46 = arith.constant 0 : i32
    %dma_wait3A_47 = tpu.memref_slice %arg9[%dma_wait3A_45, %dma_wait3A_46] : memref<79x128xi32, #tpu.memory_space<vmem>> -> memref<1x128xi32, #tpu.memory_space<vmem>>
    %dma_wait3A_48 = tpu.memref_squeeze %dma_wait3A_47 : memref<1x128xi32, #tpu.memory_space<vmem>> -> memref<128xi32, #tpu.memory_space<vmem>>
    %dma_wait3A_49 = arith.constant 0 : i32
    %dma_wait3A_50 = arith.constant 0 : i32
    %dma_wait3A_51 = tpu.memref_slice %arg14[%dma_wait3A_49, %dma_wait3A_50] : memref<10112x64xf32, #tpu.memory_space<vmem_shared>> -> memref<10112x64xf32, #tpu.memory_space<vmem_shared>>
    tpu.wait_indirect_dma semaphore(%arg20 : memref<!tpu.dma_semaphore, #tpu.memory_space<semaphore_mem>>) src(%arg10 : memref<128x64xf32, #tpu.memory_space<vmem>>) dst(%dma_wait3A_51 : memref<10112x64xf32, #tpu.memory_space<vmem_shared>>)
    %dma_wait3A_52 = arith.constant 1 : i32
    %dma_wait3A_53 = arith.constant 0 : i32
    %dma_wait3A_54 = tpu.memref_slice %arg9[%dma_wait3A_52, %dma_wait3A_53] : memref<79x128xi32, #tpu.memory_space<vmem>> -> memref<1x128xi32, #tpu.memory_space<vmem>>
    %dma_wait3A_55 = tpu.memref_squeeze %dma_wait3A_54 : memref<1x128xi32, #tpu.memory_space<vmem>> -> memref<128xi32, #tpu.memory_space<vmem>>
    %dma_wait3A_56 = arith.constant 0 : i32
    %dma_wait3A_57 = arith.constant 0 : i32
    %dma_wait3A_58 = tpu.memref_slice %arg14[%dma_wait3A_56, %dma_wait3A_57] : memref<10112x64xf32, #tpu.memory_space<vmem_shared>> -> memref<10112x64xf32, #tpu.memory_space<vmem_shared>>
    tpu.wait_indirect_dma semaphore(%arg21 : memref<!tpu.dma_semaphore, #tpu.memory_space<semaphore_mem>>) src(%arg11 : memref<128x64xf32, #tpu.memory_space<vmem>>) dst(%dma_wait3A_58 : memref<10112x64xf32, #tpu.memory_space<vmem_shared>>)
    %dma_wait3A_59 = arith.constant 2 : i32
    %dma_wait3A_60 = arith.constant 0 : i32
    %dma_wait3A_61 = tpu.memref_slice %arg9[%dma_wait3A_59, %dma_wait3A_60] : memref<79x128xi32, #tpu.memory_space<vmem>> -> memref<1x128xi32, #tpu.memory_space<vmem>>
    %dma_wait3A_62 = tpu.memref_squeeze %dma_wait3A_61 : memref<1x128xi32, #tpu.memory_space<vmem>> -> memref<128xi32, #tpu.memory_space<vmem>>
    %dma_wait3A_63 = arith.constant 0 : i32
    %dma_wait3A_64 = arith.constant 0 : i32
    %dma_wait3A_65 = tpu.memref_slice %arg14[%dma_wait3A_63, %dma_wait3A_64] : memref<10112x64xf32, #tpu.memory_space<vmem_shared>> -> memref<10112x64xf32, #tpu.memory_space<vmem_shared>>
    tpu.wait_indirect_dma semaphore(%arg22 : memref<!tpu.dma_semaphore, #tpu.memory_space<semaphore_mem>>) src(%arg12 : memref<128x64xf32, #tpu.memory_space<vmem>>) dst(%dma_wait3A_65 : memref<10112x64xf32, #tpu.memory_space<vmem_shared>>)
    %dma_wait3A_66 = arith.constant 3 : i32
    %dma_wait3A_67 = arith.constant 0 : i32
    %dma_wait3A_68 = tpu.memref_slice %arg9[%dma_wait3A_66, %dma_wait3A_67] : memref<79x128xi32, #tpu.memory_space<vmem>> -> memref<1x128xi32, #tpu.memory_space<vmem>>
    %dma_wait3A_69 = tpu.memref_squeeze %dma_wait3A_68 : memref<1x128xi32, #tpu.memory_space<vmem>> -> memref<128xi32, #tpu.memory_space<vmem>>
    %dma_wait3A_70 = arith.constant 0 : i32
    %dma_wait3A_71 = arith.constant 0 : i32
    %dma_wait3A_72 = tpu.memref_slice %arg14[%dma_wait3A_70, %dma_wait3A_71] : memref<10112x64xf32, #tpu.memory_space<vmem_shared>> -> memref<10112x64xf32, #tpu.memory_space<vmem_shared>>
    tpu.wait_indirect_dma semaphore(%arg23 : memref<!tpu.dma_semaphore, #tpu.memory_space<semaphore_mem>>) src(%arg13 : memref<128x64xf32, #tpu.memory_space<vmem>>) dst(%dma_wait3A_72 : memref<10112x64xf32, #tpu.memory_space<vmem_shared>>)
    %dma_start3A_73 = arith.constant 76 : i32
    %dma_start3A_74 = arith.constant 0 : i32
    %dma_start3A_75 = tpu.memref_slice %arg8[%dma_start3A_73, %dma_start3A_74] : memref<79x128xi32, #tpu.memory_space<vmem>> -> memref<1x128xi32, #tpu.memory_space<vmem>>
    %dma_start3A_76 = tpu.memref_squeeze %dma_start3A_75 : memref<1x128xi32, #tpu.memory_space<vmem>> -> memref<128xi32, #tpu.memory_space<vmem>>
    %dma_start3A_77 = arith.constant 0 : i32
    %dma_start3A_78 = arith.constant 0 : i32
    %dma_start3A_79 = tpu.memref_slice %arg2[%dma_start3A_77, %dma_start3A_78] : memref<10000x64xf32, #tpu.memory_space<hbm>> -> memref<10000x64xf32, #tpu.memory_space<hbm>>
    tpu.enqueue_indirect_dma source(%dma_start3A_79 : memref<10000x64xf32, #tpu.memory_space<hbm>>) target(%arg10 : memref<128x64xf32, #tpu.memory_space<vmem>>) offsets(%dma_start3A_76 : memref<128xi32, #tpu.memory_space<vmem>>) semaphore(%arg16 : memref<!tpu.dma_semaphore, #tpu.memory_space<semaphore_mem>>)
    %dma_start3A_80 = arith.constant 77 : i32
    %dma_start3A_81 = arith.constant 0 : i32
    %dma_start3A_82 = tpu.memref_slice %arg8[%dma_start3A_80, %dma_start3A_81] : memref<79x128xi32, #tpu.memory_space<vmem>> -> memref<1x128xi32, #tpu.memory_space<vmem>>
    %dma_start3A_83 = tpu.memref_squeeze %dma_start3A_82 : memref<1x128xi32, #tpu.memory_space<vmem>> -> memref<128xi32, #tpu.memory_space<vmem>>
    %dma_start3A_84 = arith.constant 0 : i32
    %dma_start3A_85 = arith.constant 0 : i32
    %dma_start3A_86 = tpu.memref_slice %arg2[%dma_start3A_84, %dma_start3A_85] : memref<10000x64xf32, #tpu.memory_space<hbm>> -> memref<10000x64xf32, #tpu.memory_space<hbm>>
    tpu.enqueue_indirect_dma source(%dma_start3A_86 : memref<10000x64xf32, #tpu.memory_space<hbm>>) target(%arg11 : memref<128x64xf32, #tpu.memory_space<vmem>>) offsets(%dma_start3A_83 : memref<128xi32, #tpu.memory_space<vmem>>) semaphore(%arg17 : memref<!tpu.dma_semaphore, #tpu.memory_space<semaphore_mem>>)
    %dma_wait3A_87 = arith.constant 76 : i32
    %dma_wait3A_88 = arith.constant 0 : i32
    %dma_wait3A_89 = tpu.memref_slice %arg8[%dma_wait3A_87, %dma_wait3A_88] : memref<79x128xi32, #tpu.memory_space<vmem>> -> memref<1x128xi32, #tpu.memory_space<vmem>>
    %dma_wait3A_90 = tpu.memref_squeeze %dma_wait3A_89 : memref<1x128xi32, #tpu.memory_space<vmem>> -> memref<128xi32, #tpu.memory_space<vmem>>
    %dma_wait3A_91 = arith.constant 0 : i32
    %dma_wait3A_92 = arith.constant 0 : i32
    %dma_wait3A_93 = tpu.memref_slice %arg2[%dma_wait3A_91, %dma_wait3A_92] : memref<10000x64xf32, #tpu.memory_space<hbm>> -> memref<10000x64xf32, #tpu.memory_space<hbm>>
    tpu.wait_indirect_dma semaphore(%arg16 : memref<!tpu.dma_semaphore, #tpu.memory_space<semaphore_mem>>) src(%dma_wait3A_93 : memref<10000x64xf32, #tpu.memory_space<hbm>>) dst(%arg10 : memref<128x64xf32, #tpu.memory_space<vmem>>)
    %run_scoped3A = arith.constant 76 : i32
    "tpu.region"() ({
      %run_scoped3A_117 = tpu.sem_alloc : memref<!tpu.dma_semaphore, #tpu.memory_space<semaphore_mem>>
      %dma_start3A_118 = arith.constant 0 : i32
      %dma_start3A_119 = tpu.memref_slice %arg9[%run_scoped3A, %dma_start3A_118] : memref<79x128xi32, #tpu.memory_space<vmem>> -> memref<1x128xi32, #tpu.memory_space<vmem>>
      %dma_start3A_120 = tpu.memref_squeeze %dma_start3A_119 : memref<1x128xi32, #tpu.memory_space<vmem>> -> memref<128xi32, #tpu.memory_space<vmem>>
      %dma_start3A_121 = arith.constant 0 : i32
      %dma_start3A_122 = arith.constant 0 : i32
      %dma_start3A_123 = tpu.memref_slice %arg14[%dma_start3A_121, %dma_start3A_122] : memref<10112x64xf32, #tpu.memory_space<vmem_shared>> -> memref<10112x64xf32, #tpu.memory_space<vmem_shared>>
      tpu.enqueue_indirect_dma source(%arg10 : memref<128x64xf32, #tpu.memory_space<vmem>>) target(%dma_start3A_123 : memref<10112x64xf32, #tpu.memory_space<vmem_shared>>) offsets(%dma_start3A_120 : memref<128xi32, #tpu.memory_space<vmem>>) semaphore(%run_scoped3A_117 : memref<!tpu.dma_semaphore, #tpu.memory_space<semaphore_mem>>) {add = true}
      %dma_wait3A_124 = arith.constant 0 : i32
      %dma_wait3A_125 = tpu.memref_slice %arg9[%run_scoped3A, %dma_wait3A_124] : memref<79x128xi32, #tpu.memory_space<vmem>> -> memref<1x128xi32, #tpu.memory_space<vmem>>
      %dma_wait3A_126 = tpu.memref_squeeze %dma_wait3A_125 : memref<1x128xi32, #tpu.memory_space<vmem>> -> memref<128xi32, #tpu.memory_space<vmem>>
      %dma_wait3A_127 = arith.constant 0 : i32
      %dma_wait3A_128 = arith.constant 0 : i32
      %dma_wait3A_129 = tpu.memref_slice %arg14[%dma_wait3A_127, %dma_wait3A_128] : memref<10112x64xf32, #tpu.memory_space<vmem_shared>> -> memref<10112x64xf32, #tpu.memory_space<vmem_shared>>
      tpu.wait_indirect_dma semaphore(%run_scoped3A_117 : memref<!tpu.dma_semaphore, #tpu.memory_space<semaphore_mem>>) src(%arg10 : memref<128x64xf32, #tpu.memory_space<vmem>>) dst(%dma_wait3A_129 : memref<10112x64xf32, #tpu.memory_space<vmem_shared>>)
      tpu.yield
    }) : () -> ()
    %dma_wait3A_94 = arith.constant 77 : i32
    %dma_wait3A_95 = arith.constant 0 : i32
    %dma_wait3A_96 = tpu.memref_slice %arg8[%dma_wait3A_94, %dma_wait3A_95] : memref<79x128xi32, #tpu.memory_space<vmem>> -> memref<1x128xi32, #tpu.memory_space<vmem>>
    %dma_wait3A_97 = tpu.memref_squeeze %dma_wait3A_96 : memref<1x128xi32, #tpu.memory_space<vmem>> -> memref<128xi32, #tpu.memory_space<vmem>>
    %dma_wait3A_98 = arith.constant 0 : i32
    %dma_wait3A_99 = arith.constant 0 : i32
    %dma_wait3A_100 = tpu.memref_slice %arg2[%dma_wait3A_98, %dma_wait3A_99] : memref<10000x64xf32, #tpu.memory_space<hbm>> -> memref<10000x64xf32, #tpu.memory_space<hbm>>
    tpu.wait_indirect_dma semaphore(%arg17 : memref<!tpu.dma_semaphore, #tpu.memory_space<semaphore_mem>>) src(%dma_wait3A_100 : memref<10000x64xf32, #tpu.memory_space<hbm>>) dst(%arg11 : memref<128x64xf32, #tpu.memory_space<vmem>>)
    %run_scoped3A_101 = arith.constant 77 : i32
    "tpu.region"() ({
      %run_scoped3A_117 = tpu.sem_alloc : memref<!tpu.dma_semaphore, #tpu.memory_space<semaphore_mem>>
      %dma_start3A_118 = arith.constant 0 : i32
      %dma_start3A_119 = tpu.memref_slice %arg9[%run_scoped3A_101, %dma_start3A_118] : memref<79x128xi32, #tpu.memory_space<vmem>> -> memref<1x128xi32, #tpu.memory_space<vmem>>
      %dma_start3A_120 = tpu.memref_squeeze %dma_start3A_119 : memref<1x128xi32, #tpu.memory_space<vmem>> -> memref<128xi32, #tpu.memory_space<vmem>>
      %dma_start3A_121 = arith.constant 0 : i32
      %dma_start3A_122 = arith.constant 0 : i32
      %dma_start3A_123 = tpu.memref_slice %arg14[%dma_start3A_121, %dma_start3A_122] : memref<10112x64xf32, #tpu.memory_space<vmem_shared>> -> memref<10112x64xf32, #tpu.memory_space<vmem_shared>>
      tpu.enqueue_indirect_dma source(%arg11 : memref<128x64xf32, #tpu.memory_space<vmem>>) target(%dma_start3A_123 : memref<10112x64xf32, #tpu.memory_space<vmem_shared>>) offsets(%dma_start3A_120 : memref<128xi32, #tpu.memory_space<vmem>>) semaphore(%run_scoped3A_117 : memref<!tpu.dma_semaphore, #tpu.memory_space<semaphore_mem>>) {add = true}
      %dma_wait3A_124 = arith.constant 0 : i32
      %dma_wait3A_125 = tpu.memref_slice %arg9[%run_scoped3A_101, %dma_wait3A_124] : memref<79x128xi32, #tpu.memory_space<vmem>> -> memref<1x128xi32, #tpu.memory_space<vmem>>
      %dma_wait3A_126 = tpu.memref_squeeze %dma_wait3A_125 : memref<1x128xi32, #tpu.memory_space<vmem>> -> memref<128xi32, #tpu.memory_space<vmem>>
      %dma_wait3A_127 = arith.constant 0 : i32
      %dma_wait3A_128 = arith.constant 0 : i32
      %dma_wait3A_129 = tpu.memref_slice %arg14[%dma_wait3A_127, %dma_wait3A_128] : memref<10112x64xf32, #tpu.memory_space<vmem_shared>> -> memref<10112x64xf32, #tpu.memory_space<vmem_shared>>
      tpu.wait_indirect_dma semaphore(%run_scoped3A_117 : memref<!tpu.dma_semaphore, #tpu.memory_space<semaphore_mem>>) src(%arg11 : memref<128x64xf32, #tpu.memory_space<vmem>>) dst(%dma_wait3A_129 : memref<10112x64xf32, #tpu.memory_space<vmem_shared>>)
      tpu.yield
    }) : () -> ()
    %lt3A_102 = arith.constant 4 : i32
    %lt3A_103 = arith.cmpi slt, %add3A, %lt3A_102 : i32
    %convert_element_type3A_104 = arith.extui %lt3A_103 : i1 to i32
    %cond3A_105 = arith.constant 0 : i32
    %cond3A_106 = arith.cmpi ne, %convert_element_type3A_104, %cond3A_105 : i32
    scf.if %cond3A_106 {
      %dma_start3A_117 = arith.constant 78 : i32
      %dma_start3A_118 = arith.constant 0 : i32
      %dma_start3A_119 = tpu.memref_slice %arg8[%dma_start3A_117, %dma_start3A_118] : memref<79x128xi32, #tpu.memory_space<vmem>> -> memref<1x128xi32, #tpu.memory_space<vmem>>
      %dma_start3A_120 = tpu.memref_squeeze %dma_start3A_119 : memref<1x128xi32, #tpu.memory_space<vmem>> -> memref<128xi32, #tpu.memory_space<vmem>>
      %dma_start3A_121 = arith.constant 0 : i32
      %dma_start3A_122 = arith.constant 0 : i32
      %dma_start3A_123 = tpu.memref_slice %arg2[%dma_start3A_121, %dma_start3A_122] : memref<10000x64xf32, #tpu.memory_space<hbm>> -> memref<10000x64xf32, #tpu.memory_space<hbm>>
      tpu.enqueue_indirect_dma source(%dma_start3A_123 : memref<10000x64xf32, #tpu.memory_space<hbm>>) target(%arg10 : memref<128x64xf32, #tpu.memory_space<vmem>>) offsets(%dma_start3A_120 : memref<128xi32, #tpu.memory_space<vmem>>) semaphore(%arg16 : memref<!tpu.dma_semaphore, #tpu.memory_space<semaphore_mem>>)
      %dma_wait3A_124 = arith.constant 78 : i32
      %dma_wait3A_125 = arith.constant 0 : i32
      %dma_wait3A_126 = tpu.memref_slice %arg8[%dma_wait3A_124, %dma_wait3A_125] : memref<79x128xi32, #tpu.memory_space<vmem>> -> memref<1x128xi32, #tpu.memory_space<vmem>>
      %dma_wait3A_127 = tpu.memref_squeeze %dma_wait3A_126 : memref<1x128xi32, #tpu.memory_space<vmem>> -> memref<128xi32, #tpu.memory_space<vmem>>
      %dma_wait3A_128 = arith.constant 0 : i32
      %dma_wait3A_129 = arith.constant 0 : i32
      %dma_wait3A_130 = tpu.memref_slice %arg2[%dma_wait3A_128, %dma_wait3A_129] : memref<10000x64xf32, #tpu.memory_space<hbm>> -> memref<10000x64xf32, #tpu.memory_space<hbm>>
      tpu.wait_indirect_dma semaphore(%arg16 : memref<!tpu.dma_semaphore, #tpu.memory_space<semaphore_mem>>) src(%dma_wait3A_130 : memref<10000x64xf32, #tpu.memory_space<hbm>>) dst(%arg10 : memref<128x64xf32, #tpu.memory_space<vmem>>)
      %run_scoped3A_131 = arith.constant 78 : i32
      "tpu.region"() ({
        %run_scoped3A_132 = tpu.sem_alloc : memref<!tpu.dma_semaphore, #tpu.memory_space<semaphore_mem>>
        %dma_start3A_133 = arith.constant 0 : i32
        %dma_start3A_134 = tpu.memref_slice %arg9[%run_scoped3A_131, %dma_start3A_133] : memref<79x128xi32, #tpu.memory_space<vmem>> -> memref<1x128xi32, #tpu.memory_space<vmem>>
        %dma_start3A_135 = tpu.memref_squeeze %dma_start3A_134 : memref<1x128xi32, #tpu.memory_space<vmem>> -> memref<128xi32, #tpu.memory_space<vmem>>
        %dma_start3A_136 = arith.constant 0 : i32
        %dma_start3A_137 = arith.constant 0 : i32
        %dma_start3A_138 = tpu.memref_slice %arg14[%dma_start3A_136, %dma_start3A_137] : memref<10112x64xf32, #tpu.memory_space<vmem_shared>> -> memref<10112x64xf32, #tpu.memory_space<vmem_shared>>
        tpu.enqueue_indirect_dma source(%arg10 : memref<128x64xf32, #tpu.memory_space<vmem>>) target(%dma_start3A_138 : memref<10112x64xf32, #tpu.memory_space<vmem_shared>>) offsets(%dma_start3A_135 : memref<128xi32, #tpu.memory_space<vmem>>) semaphore(%run_scoped3A_132 : memref<!tpu.dma_semaphore, #tpu.memory_space<semaphore_mem>>) {add = true}
        %dma_wait3A_139 = arith.constant 0 : i32
        %dma_wait3A_140 = tpu.memref_slice %arg9[%run_scoped3A_131, %dma_wait3A_139] : memref<79x128xi32, #tpu.memory_space<vmem>> -> memref<1x128xi32, #tpu.memory_space<vmem>>
        %dma_wait3A_141 = tpu.memref_squeeze %dma_wait3A_140 : memref<1x128xi32, #tpu.memory_space<vmem>> -> memref<128xi32, #tpu.memory_space<vmem>>
        %dma_wait3A_142 = arith.constant 0 : i32
        %dma_wait3A_143 = arith.constant 0 : i32
        %dma_wait3A_144 = tpu.memref_slice %arg14[%dma_wait3A_142, %dma_wait3A_143] : memref<10112x64xf32, #tpu.memory_space<vmem_shared>> -> memref<10112x64xf32, #tpu.memory_space<vmem_shared>>
        tpu.wait_indirect_dma semaphore(%run_scoped3A_132 : memref<!tpu.dma_semaphore, #tpu.memory_space<semaphore_mem>>) src(%arg10 : memref<128x64xf32, #tpu.memory_space<vmem>>) dst(%dma_wait3A_144 : memref<10112x64xf32, #tpu.memory_space<vmem_shared>>)
        tpu.yield
      }) : () -> ()
    } else {
    }
    %barrier3A_107 = arith.constant 0 : index
    tpu.barrier barrier_id(%barrier3A_107)
    %eq3A = arith.constant 0 : i32
    %eq3A_108 = arith.cmpi eq, %arg0, %eq3A : i32
    %convert_element_type3A_109 = arith.extui %eq3A_108 : i1 to i32
    %cond3A_110 = arith.constant 0 : i32
    %cond3A_111 = arith.cmpi ne, %convert_element_type3A_109, %cond3A_110 : i32
    scf.if %cond3A_111 {
      %mul3A_117 = arith.constant 632 : i32
      %mul3A_118 = arith.muli %arg1, %mul3A_117 : i32
      %mul3A_119 = arith.constant 632 : i32
      %mul3A_120 = arith.muli %arg1, %mul3A_119 : i32
      "tpu.region"() ({
        %run_scoped3A_121 = tpu.sem_alloc : memref<!tpu.dma_semaphore, #tpu.memory_space<semaphore_mem>>
        %dma_start3A_122 = arith.constant 0 : i32
        %dma_start3A_123 = tpu.memref_slice %arg6[%mul3A_120, %dma_start3A_122] : memref<10112x64xf32, #tpu.memory_space<hbm>> -> memref<632x64xf32, #tpu.memory_space<hbm>>
        %dma_start3A_124 = arith.constant 0 : i32
        %dma_start3A_125 = tpu.memref_slice %arg14[%mul3A_118, %dma_start3A_124] : memref<10112x64xf32, #tpu.memory_space<vmem_shared>> -> memref<632x64xf32, #tpu.memory_space<vmem_shared>>
        tpu.enqueue_dma source(%dma_start3A_125 : memref<632x64xf32, #tpu.memory_space<vmem_shared>>) target(%dma_start3A_123 : memref<632x64xf32, #tpu.memory_space<hbm>>) target_semaphore(%run_scoped3A_121 : memref<!tpu.dma_semaphore, #tpu.memory_space<semaphore_mem>>)
        %dma_wait3A_126 = arith.constant 0 : i32
        %dma_wait3A_127 = tpu.memref_slice %arg6[%mul3A_120, %dma_wait3A_126] : memref<10112x64xf32, #tpu.memory_space<hbm>> -> memref<632x64xf32, #tpu.memory_space<hbm>>
        %dma_wait3A_128 = arith.constant 0 : i32
        %dma_wait3A_129 = tpu.memref_slice %arg14[%mul3A_118, %dma_wait3A_128] : memref<10112x64xf32, #tpu.memory_space<vmem_shared>> -> memref<632x64xf32, #tpu.memory_space<vmem_shared>>
        tpu.wait_dma2 semaphore(%run_scoped3A_121 : memref<!tpu.dma_semaphore, #tpu.memory_space<semaphore_mem>>) src(%dma_wait3A_129 : memref<632x64xf32, #tpu.memory_space<vmem_shared>>) dst(%dma_wait3A_127 : memref<632x64xf32, #tpu.memory_space<hbm>>)
        tpu.yield
      }) : () -> ()
    } else {
    }
    %eq3A_112 = arith.constant 1 : i32
    %eq3A_113 = arith.cmpi eq, %arg0, %eq3A_112 : i32
    %convert_element_type3A_114 = arith.extui %eq3A_113 : i1 to i32
    %cond3A_115 = arith.constant 0 : i32
    %cond3A_116 = arith.cmpi ne, %convert_element_type3A_114, %cond3A_115 : i32
    scf.if %cond3A_116 {
      %mul3A_117 = arith.constant 632 : i32
      %mul3A_118 = arith.muli %arg1, %mul3A_117 : i32
      %mul3A_119 = arith.constant 632 : i32
      %mul3A_120 = arith.muli %arg1, %mul3A_119 : i32
      "tpu.region"() ({
        %run_scoped3A_121 = tpu.sem_alloc : memref<!tpu.dma_semaphore, #tpu.memory_space<semaphore_mem>>
        %dma_start3A_122 = arith.constant 0 : i32
        %dma_start3A_123 = tpu.memref_slice %arg7[%mul3A_120, %dma_start3A_122] : memref<10112x64xf32, #tpu.memory_space<hbm>> -> memref<632x64xf32, #tpu.memory_space<hbm>>
        %dma_start3A_124 = arith.constant 0 : i32
        %dma_start3A_125 = tpu.memref_slice %arg14[%mul3A_118, %dma_start3A_124] : memref<10112x64xf32, #tpu.memory_space<vmem_shared>> -> memref<632x64xf32, #tpu.memory_space<vmem_shared>>
        tpu.enqueue_dma source(%dma_start3A_125 : memref<632x64xf32, #tpu.memory_space<vmem_shared>>) target(%dma_start3A_123 : memref<632x64xf32, #tpu.memory_space<hbm>>) target_semaphore(%run_scoped3A_121 : memref<!tpu.dma_semaphore, #tpu.memory_space<semaphore_mem>>)
        %dma_wait3A_126 = arith.constant 0 : i32
        %dma_wait3A_127 = tpu.memref_slice %arg7[%mul3A_120, %dma_wait3A_126] : memref<10112x64xf32, #tpu.memory_space<hbm>> -> memref<632x64xf32, #tpu.memory_space<hbm>>
        %dma_wait3A_128 = arith.constant 0 : i32
        %dma_wait3A_129 = tpu.memref_slice %arg14[%mul3A_118, %dma_wait3A_128] : memref<10112x64xf32, #tpu.memory_space<vmem_shared>> -> memref<632x64xf32, #tpu.memory_space<vmem_shared>>
        tpu.wait_dma2 semaphore(%run_scoped3A_121 : memref<!tpu.dma_semaphore, #tpu.memory_space<semaphore_mem>>) src(%dma_wait3A_129 : memref<632x64xf32, #tpu.memory_space<vmem_shared>>) dst(%dma_wait3A_127 : memref<632x64xf32, #tpu.memory_space<hbm>>)
        tpu.yield
      }) : () -> ()
    } else {
    }
    return
  }
}

module attributes {stable_mosaic.version = 14 : i64} {
  func.func @_mm_aug_kernel(%arg0: i32, %arg1: memref<2000x128xf32, #tpu.memory_space<vmem>>, %arg2: memref<128x80xf32, #tpu.memory_space<vmem>>, %arg3: memref<128x64xf32, #tpu.memory_space<vmem>>, %arg4: memref<2000x80xf32, #tpu.memory_space<vmem>>, %arg5: memref<2000x64xf32, #tpu.memory_space<vmem>>) attributes {dimension_semantics = [#tpu.dimension_semantics<arbitrary>], iteration_bounds = array<i64: 5>, scalar_prefetch = 0 : i64, scratch_operands = 0 : i64, tpu.core_type = #tpu.core_type<tc>, window_params = [{transform_indices = @transform_0, window_bounds = array<i64: 2000, 128>}, {pipeline_mode = #tpu.pipeline_mode<synchronous>, transform_indices = @transform_1, window_bounds = array<i64: 128, 80>}, {pipeline_mode = #tpu.pipeline_mode<synchronous>, transform_indices = @transform_2, window_bounds = array<i64: 128, 64>}, {transform_indices = @transform_3, window_bounds = array<i64: 2000, 80>}, {transform_indices = @transform_4, window_bounds = array<i64: 2000, 64>}]} {
    %get3A = arith.constant 0 : index
    %get3A_0 = arith.constant 0 : index
    %get3A_1 = vector.load %arg1[%get3A, %get3A_0] : memref<2000x128xf32, #tpu.memory_space<vmem>>, vector<2000x128xf32>
    %get3A_2 = arith.constant 0 : index
    %get3A_3 = arith.constant 0 : index
    %get3A_4 = vector.load %arg2[%get3A_2, %get3A_3] : memref<128x80xf32, #tpu.memory_space<vmem>>, vector<128x80xf32>
    %dot_general3A = arith.constant dense<0.000000e+00> : vector<2000x80xf32>
    %dot_general3A_5 = tpu.matmul %get3A_1, %get3A_4, %dot_general3A {dimension_numbers = #tpu.dot_dimension_numbers<[1], [0], [0], [1], [0, 0, 1, 1], [], []>, precision = #tpu.contract_precision<fp32>, transpose_lhs_hint = false} : vector<2000x128xf32>, vector<128x80xf32>, vector<2000x80xf32> -> vector<2000x80xf32>
    %iota3A = tpu.iota {dimensions = array<i32: 1>} : vector<2000x80xi32>
    %eq3A = arith.constant 64 : i32
    %eq3A_6 = vector.broadcast %eq3A : i32 to vector<2000x80xi32>
    %eq3A_7 = arith.cmpi eq, %iota3A, %eq3A_6 : vector<2000x80xi32>
    %jit3A = arith.constant 1.000000e+00 : f32
    %jit3A_8 = arith.constant 0.000000e+00 : f32
    %broadcast_in_dim3A = vector.broadcast %jit3A : f32 to vector<2000x80xf32>
    %broadcast_in_dim3A_9 = vector.broadcast %jit3A_8 : f32 to vector<2000x80xf32>
    %select_n3A = arith.select %eq3A_7, %broadcast_in_dim3A, %broadcast_in_dim3A_9 : vector<2000x80xi1>, vector<2000x80xf32>
    %add3A = arith.addf %dot_general3A_5, %select_n3A : vector<2000x80xf32>
    %swap3A = arith.constant 0 : index
    %swap3A_10 = arith.constant 0 : index
    %swap3A_11 = vector.load %arg4[%swap3A, %swap3A_10] : memref<2000x80xf32, #tpu.memory_space<vmem>>, vector<2000x80xf32>
    tpu.vector_store %arg4[%swap3A, %swap3A_10], %add3A {strides = array<i32>} : memref<2000x80xf32, #tpu.memory_space<vmem>>, vector<2000x80xf32>,
    %get3A_12 = arith.constant 0 : index
    %get3A_13 = arith.constant 0 : index
    %get3A_14 = vector.load %arg3[%get3A_12, %get3A_13] : memref<128x64xf32, #tpu.memory_space<vmem>>, vector<128x64xf32>
    %dot_general3A_15 = arith.constant dense<0.000000e+00> : vector<2000x64xf32>
    %dot_general3A_16 = tpu.matmul %get3A_1, %get3A_14, %dot_general3A_15 {dimension_numbers = #tpu.dot_dimension_numbers<[1], [0], [0], [1], [0, 0, 1, 1], [], []>, precision = #tpu.contract_precision<fp32>, transpose_lhs_hint = false} : vector<2000x128xf32>, vector<128x64xf32>, vector<2000x64xf32> -> vector<2000x64xf32>
    %swap3A_17 = arith.constant 0 : index
    %swap3A_18 = arith.constant 0 : index
    %swap3A_19 = vector.load %arg5[%swap3A_17, %swap3A_18] : memref<2000x64xf32, #tpu.memory_space<vmem>>, vector<2000x64xf32>
    tpu.vector_store %arg5[%swap3A_17, %swap3A_18], %dot_general3A_16 {strides = array<i32>} : memref<2000x64xf32, #tpu.memory_space<vmem>>, vector<2000x64xf32>,
    return
  }
  func.func @transform_0(%arg0: i32) -> (i32, i32) {
    %c0_i32 = arith.constant 0 : i32
    %c0_i32_0 = arith.constant 0 : i32
    return %arg0, %c0_i32 : i32, i32
  }
  func.func @transform_1(%arg0: i32) -> (i32, i32) {
    %c0_i32 = arith.constant 0 : i32
    %c0_i32_0 = arith.constant 0 : i32
    %c0_i32_1 = arith.constant 0 : i32
    return %c0_i32, %c0_i32_0 : i32, i32
  }
  func.func @transform_2(%arg0: i32) -> (i32, i32) {
    %c0_i32 = arith.constant 0 : i32
    %c0_i32_0 = arith.constant 0 : i32
    %c0_i32_1 = arith.constant 0 : i32
    return %c0_i32, %c0_i32_0 : i32, i32
  }
  func.func @transform_3(%arg0: i32) -> (i32, i32) {
    %c0_i32 = arith.constant 0 : i32
    %c0_i32_0 = arith.constant 0 : i32
    return %arg0, %c0_i32 : i32, i32
  }
  func.func @transform_4(%arg0: i32) -> (i32, i32) {
    %c0_i32 = arith.constant 0 : i32
    %c0_i32_0 = arith.constant 0 : i32
    return %arg0, %c0_i32 : i32, i32
  }
}

module attributes {stable_mosaic.version = 14 : i64} {
  func.func @_stage2_kernel(%arg0: i32, %arg1: memref<2000x80xf32, #tpu.memory_space<vmem>>, %arg2: memref<2000x80xf32, #tpu.memory_space<vmem>>, %arg3: memref<2000x64xf32, #tpu.memory_space<vmem>>, %arg4: memref<2000x64xf32, #tpu.memory_space<vmem>>, %arg5: memref<2000x80xf32, #tpu.memory_space<vmem>>, %arg6: memref<2000x64xf32, #tpu.memory_space<vmem>>, %arg7: memref<1x128xf32, #tpu.memory_space<vmem>>, %arg8: memref<128x64xf32, #tpu.memory_space<vmem>>, %arg9: memref<2000x64xf32, #tpu.memory_space<vmem>>, %arg10: memref<2000x1xf32, #tpu.memory_space<vmem>>) attributes {dimension_semantics = [#tpu.dimension_semantics<arbitrary>], iteration_bounds = array<i64: 5>, scalar_prefetch = 0 : i64, scratch_operands = 0 : i64, tpu.core_type = #tpu.core_type<tc>, window_params = [{transform_indices = @transform_0, window_bounds = array<i64: 2000, 80>}, {transform_indices = @transform_1, window_bounds = array<i64: 2000, 80>}, {transform_indices = @transform_2, window_bounds = array<i64: 2000, 64>}, {transform_indices = @transform_3, window_bounds = array<i64: 2000, 64>}, {transform_indices = @transform_4, window_bounds = array<i64: 2000, 80>}, {transform_indices = @transform_5, window_bounds = array<i64: 2000, 64>}, {pipeline_mode = #tpu.pipeline_mode<synchronous>, transform_indices = @transform_6, window_bounds = array<i64: 1, 128>}, {pipeline_mode = #tpu.pipeline_mode<synchronous>, transform_indices = @transform_7, window_bounds = array<i64: 128, 64>}, {transform_indices = @transform_8, window_bounds = array<i64: 2000, 64>}, {transform_indices = @transform_9, window_bounds = array<i64: 2000, 1>}]} {
    %get3A = arith.constant 0 : index
    %get3A_0 = arith.constant 0 : index
    %get3A_1 = vector.load %arg1[%get3A, %get3A_0] : memref<2000x80xf32, #tpu.memory_space<vmem>>, vector<2000x80xf32>
    %get3A_2 = arith.constant 0 : index
    %get3A_3 = arith.constant 0 : index
    %get3A_4 = vector.load %arg2[%get3A_2, %get3A_3] : memref<2000x80xf32, #tpu.memory_space<vmem>>, vector<2000x80xf32>
    %add3A = arith.addf %get3A_1, %get3A_4 : vector<2000x80xf32>
    %get3A_5 = arith.constant 0 : index
    %get3A_6 = arith.constant 0 : index
    %get3A_7 = vector.load %arg3[%get3A_5, %get3A_6] : memref<2000x64xf32, #tpu.memory_space<vmem>>, vector<2000x64xf32>
    %get3A_8 = arith.constant 0 : index
    %get3A_9 = arith.constant 0 : index
    %get3A_10 = vector.load %arg4[%get3A_8, %get3A_9] : memref<2000x64xf32, #tpu.memory_space<vmem>>, vector<2000x64xf32>
    %add3A_11 = arith.addf %get3A_7, %get3A_10 : vector<2000x64xf32>
    %slice3A = vector.extract_strided_slice %add3A {offsets = [0, 64], sizes = [2000, 1], strides = [1, 1]} : vector<2000x80xf32> to vector<2000x1xf32>
    %add3A_12 = arith.constant 1.000000e+00 : f32
    %add3A_13 = vector.broadcast %add3A_12 : f32 to vector<2000x1xf32>
    %add3A_14 = arith.addf %slice3A, %add3A_13 : vector<2000x1xf32>
    %div3A = arith.constant 1.000000e+00 : f32
    %div3A_15 = vector.broadcast %div3A : f32 to vector<2000x1xf32>
    %div3A_16 = arith.divf %div3A_15, %add3A_14 : vector<2000x1xf32>
    %slice3A_17 = vector.extract_strided_slice %add3A {offsets = [0, 0], sizes = [2000, 64], strides = [1, 1]} : vector<2000x80xf32> to vector<2000x64xf32>
    %get3A_18 = arith.constant 0 : index
    %get3A_19 = arith.constant 0 : index
    %get3A_20 = vector.load %arg5[%get3A_18, %get3A_19] : memref<2000x80xf32, #tpu.memory_space<vmem>>, vector<2000x64xf32>
    %add3A_21 = arith.addf %slice3A_17, %get3A_20 : vector<2000x64xf32>
    %get3A_22 = arith.constant 0 : index
    %get3A_23 = arith.constant 0 : index
    %get3A_24 = vector.load %arg6[%get3A_22, %get3A_23] : memref<2000x64xf32, #tpu.memory_space<vmem>>, vector<2000x64xf32>
    %add3A_25 = arith.addf %add3A_11, %get3A_24 : vector<2000x64xf32>
    %concatenate3A = tpu.concatenate %add3A_21, %add3A_25 in 1 : vector<2000x64xf32>, vector<2000x64xf32> -> vector<2000x128xf32>
    %mul3A = vector.broadcast %div3A_16 : vector<2000x1xf32> to vector<2000x128xf32>
    %mul3A_26 = arith.mulf %concatenate3A, %mul3A : vector<2000x128xf32>
    %get3A_27 = arith.constant 0 : index
    %get3A_28 = arith.constant 0 : index
    %get3A_29 = vector.load %arg7[%get3A_27, %get3A_28] : memref<1x128xf32, #tpu.memory_space<vmem>>, vector<1x128xf32>
    %add3A_30 = vector.broadcast %get3A_29 : vector<1x128xf32> to vector<2000x128xf32>
    %add3A_31 = arith.addf %mul3A_26, %add3A_30 : vector<2000x128xf32>
    %max3A = arith.constant 0.000000e+00 : f32
    %max3A_32 = vector.broadcast %max3A : f32 to vector<2000x128xf32>
    %max3A_33 = arith.maximumf %add3A_31, %max3A_32 : vector<2000x128xf32>
    %get3A_34 = arith.constant 0 : index
    %get3A_35 = arith.constant 0 : index
    %get3A_36 = vector.load %arg8[%get3A_34, %get3A_35] : memref<128x64xf32, #tpu.memory_space<vmem>>, vector<128x64xf32>
    %dot_general3A = arith.constant dense<0.000000e+00> : vector<2000x64xf32>
    %dot_general3A_37 = tpu.matmul %max3A_33, %get3A_36, %dot_general3A {dimension_numbers = #tpu.dot_dimension_numbers<[1], [0], [0], [1], [0, 0, 1, 1], [], []>, precision = #tpu.contract_precision<fp32>, transpose_lhs_hint = false} : vector<2000x128xf32>, vector<128x64xf32>, vector<2000x64xf32> -> vector<2000x64xf32>
    %swap3A = arith.constant 0 : index
    %swap3A_38 = arith.constant 0 : index
    %swap3A_39 = vector.load %arg9[%swap3A, %swap3A_38] : memref<2000x64xf32, #tpu.memory_space<vmem>>, vector<2000x64xf32>
    tpu.vector_store %arg9[%swap3A, %swap3A_38], %dot_general3A_37 {strides = array<i32>} : memref<2000x64xf32, #tpu.memory_space<vmem>>, vector<2000x64xf32>,
    %swap3A_40 = arith.constant 0 : index
    %swap3A_41 = arith.constant 0 : index
    %swap3A_42 = vector.load %arg10[%swap3A_40, %swap3A_41] : memref<2000x1xf32, #tpu.memory_space<vmem>>, vector<2000x1xf32>
    tpu.vector_store %arg10[%swap3A_40, %swap3A_41], %div3A_16 {strides = array<i32>} : memref<2000x1xf32, #tpu.memory_space<vmem>>, vector<2000x1xf32>,
    return
  }
  func.func @transform_0(%arg0: i32) -> (i32, i32) {
    %c0_i32 = arith.constant 0 : i32
    %c0_i32_0 = arith.constant 0 : i32
    return %arg0, %c0_i32 : i32, i32
  }
  func.func @transform_1(%arg0: i32) -> (i32, i32) {
    %c0_i32 = arith.constant 0 : i32
    %c0_i32_0 = arith.constant 0 : i32
    return %arg0, %c0_i32 : i32, i32
  }
  func.func @transform_2(%arg0: i32) -> (i32, i32) {
    %c0_i32 = arith.constant 0 : i32
    %c0_i32_0 = arith.constant 0 : i32
    return %arg0, %c0_i32 : i32, i32
  }
  func.func @transform_3(%arg0: i32) -> (i32, i32) {
    %c0_i32 = arith.constant 0 : i32
    %c0_i32_0 = arith.constant 0 : i32
    return %arg0, %c0_i32 : i32, i32
  }
  func.func @transform_4(%arg0: i32) -> (i32, i32) {
    %c0_i32 = arith.constant 0 : i32
    %c0_i32_0 = arith.constant 0 : i32
    return %arg0, %c0_i32 : i32, i32
  }
  func.func @transform_5(%arg0: i32) -> (i32, i32) {
    %c0_i32 = arith.constant 0 : i32
    %c0_i32_0 = arith.constant 0 : i32
    return %arg0, %c0_i32 : i32, i32
  }
  func.func @transform_6(%arg0: i32) -> (i32, i32) {
    %c0_i32 = arith.constant 0 : i32
    %c0_i32_0 = arith.constant 0 : i32
    %c0_i32_1 = arith.constant 0 : i32
    return %c0_i32, %c0_i32_0 : i32, i32
  }
  func.func @transform_7(%arg0: i32) -> (i32, i32) {
    %c0_i32 = arith.constant 0 : i32
    %c0_i32_0 = arith.constant 0 : i32
    %c0_i32_1 = arith.constant 0 : i32
    return %c0_i32, %c0_i32_0 : i32, i32
  }
  func.func @transform_8(%arg0: i32) -> (i32, i32) {
    %c0_i32 = arith.constant 0 : i32
    %c0_i32_0 = arith.constant 0 : i32
    return %arg0, %c0_i32 : i32, i32
  }
  func.func @transform_9(%arg0: i32) -> (i32, i32) {
    %c0_i32 = arith.constant 0 : i32
    %c0_i32_0 = arith.constant 0 : i32
    return %arg0, %c0_i32 : i32, i32
  }
}

module attributes {stable_mosaic.version = 14 : i64} {
  func.func @_stage3_kernel(%arg0: i32, %arg1: memref<2000x64xf32, #tpu.memory_space<vmem>>, %arg2: memref<2000x64xf32, #tpu.memory_space<vmem>>, %arg3: memref<2000x64xf32, #tpu.memory_space<vmem>>, %arg4: memref<2000x1xf32, #tpu.memory_space<vmem>>, %arg5: memref<1x64xf32, #tpu.memory_space<vmem>>, %arg6: memref<2000x64xf32, #tpu.memory_space<vmem>>) attributes {dimension_semantics = [#tpu.dimension_semantics<arbitrary>], iteration_bounds = array<i64: 5>, scalar_prefetch = 0 : i64, scratch_operands = 0 : i64, tpu.core_type = #tpu.core_type<tc>, window_params = [{transform_indices = @transform_0, window_bounds = array<i64: 2000, 64>}, {transform_indices = @transform_1, window_bounds = array<i64: 2000, 64>}, {transform_indices = @transform_2, window_bounds = array<i64: 2000, 64>}, {transform_indices = @transform_3, window_bounds = array<i64: 2000, 1>}, {pipeline_mode = #tpu.pipeline_mode<synchronous>, transform_indices = @transform_4, window_bounds = array<i64: 1, 64>}, {transform_indices = @transform_5, window_bounds = array<i64: 2000, 64>}]} {
    %get3A = arith.constant 0 : index
    %get3A_0 = arith.constant 0 : index
    %get3A_1 = vector.load %arg1[%get3A, %get3A_0] : memref<2000x64xf32, #tpu.memory_space<vmem>>, vector<2000x64xf32>
    %get3A_2 = arith.constant 0 : index
    %get3A_3 = arith.constant 0 : index
    %get3A_4 = vector.load %arg2[%get3A_2, %get3A_3] : memref<2000x64xf32, #tpu.memory_space<vmem>>, vector<2000x64xf32>
    %add3A = arith.addf %get3A_1, %get3A_4 : vector<2000x64xf32>
    %get3A_5 = arith.constant 0 : index
    %get3A_6 = arith.constant 0 : index
    %get3A_7 = vector.load %arg3[%get3A_5, %get3A_6] : memref<2000x64xf32, #tpu.memory_space<vmem>>, vector<2000x64xf32>
    %add3A_8 = arith.addf %add3A, %get3A_7 : vector<2000x64xf32>
    %get3A_9 = arith.constant 0 : index
    %get3A_10 = arith.constant 0 : index
    %get3A_11 = vector.load %arg4[%get3A_9, %get3A_10] : memref<2000x1xf32, #tpu.memory_space<vmem>>, vector<2000x1xf32>
    %mul3A = vector.broadcast %get3A_11 : vector<2000x1xf32> to vector<2000x64xf32>
    %mul3A_12 = arith.mulf %add3A_8, %mul3A : vector<2000x64xf32>
    %get3A_13 = arith.constant 0 : index
    %get3A_14 = arith.constant 0 : index
    %get3A_15 = vector.load %arg5[%get3A_13, %get3A_14] : memref<1x64xf32, #tpu.memory_space<vmem>>, vector<1x64xf32>
    %add3A_16 = vector.broadcast %get3A_15 : vector<1x64xf32> to vector<2000x64xf32>
    %add3A_17 = arith.addf %mul3A_12, %add3A_16 : vector<2000x64xf32>
    %swap3A = arith.constant 0 : index
    %swap3A_18 = arith.constant 0 : index
    %swap3A_19 = vector.load %arg6[%swap3A, %swap3A_18] : memref<2000x64xf32, #tpu.memory_space<vmem>>, vector<2000x64xf32>
    tpu.vector_store %arg6[%swap3A, %swap3A_18], %add3A_17 {strides = array<i32>} : memref<2000x64xf32, #tpu.memory_space<vmem>>, vector<2000x64xf32>,
    return
  }
  func.func @transform_0(%arg0: i32) -> (i32, i32) {
    %c0_i32 = arith.constant 0 : i32
    %c0_i32_0 = arith.constant 0 : i32
    return %arg0, %c0_i32 : i32, i32
  }
  func.func @transform_1(%arg0: i32) -> (i32, i32) {
    %c0_i32 = arith.constant 0 : i32
    %c0_i32_0 = arith.constant 0 : i32
    return %arg0, %c0_i32 : i32, i32
  }
  func.func @transform_2(%arg0: i32) -> (i32, i32) {
    %c0_i32 = arith.constant 0 : i32
    %c0_i32_0 = arith.constant 0 : i32
    return %arg0, %c0_i32 : i32, i32
  }
  func.func @transform_3(%arg0: i32) -> (i32, i32) {
    %c0_i32 = arith.constant 0 : i32
    %c0_i32_0 = arith.constant 0 : i32
    return %arg0, %c0_i32 : i32, i32
  }
  func.func @transform_4(%arg0: i32) -> (i32, i32) {
    %c0_i32 = arith.constant 0 : i32
    %c0_i32_0 = arith.constant 0 : i32
    %c0_i32_1 = arith.constant 0 : i32
    return %c0_i32, %c0_i32_0 : i32, i32
  }
  func.func @transform_5(%arg0: i32) -> (i32, i32) {
    %c0_i32 = arith.constant 0 : i32
    %c0_i32_0 = arith.constant 0 : i32
    return %arg0, %c0_i32 : i32, i32
  }
}

</mosaic_0001>

<sc_bundles>
// kernel: sc_segsum_d64.4.cloned.1.call-start
scs
__scs_entry_jumppad:
0x0: {  	(pc) =	sbr.rel $0x88, $3  }
0x1: {  	(tag) =	ssettag $0x0;
	lr =	simm.s32 $0x1  }
0x2: {  	[smem:$0x3F9B] =	sst lr;
	_ =	strace $0xD0000000  }
0x3: {  	_ = 	snop  }
0x4: {  	_ = 	snop  }
0x5: {  	_ = 	snop  }
0x6: {  	_ = 	snop  }
0x7: {  	_ = 	snop  }
__scs_overlays_trampoline_lowered:
0x8: {  	[smem:$0x3FAA] =	sst s0  }
0x9: {  	[smem:$0x3FAB] =	sst s1  }
0xa: {  	[smem:$0x3FAC] =	sst s2  }
0xb: {  	[smem:$0x3FAD] =	sst s3  }
0xc: {  	[smem:$0x3FAE] =	sst s4  }
0xd: {  	[smem:$0x3FAF] =	sst s5  }
0xe: {  	[smem:$0x3FB0] =	sst s6  }
0xf: {  	[smem:$0x3FB1] =	sst s7  }
0x10: {  	[smem:$0x3FB2] =	sst s8  }
0x11: {  	[smem:$0x3FB3] =	sst s9;
	s0 =	simm.s32 @!p0 $0x0  }
0x12: {  	s1 =	sld [smem:$0x3F99];
	s0 =	simm.s32 @p0 $0x1  }
0x13: {  	[smem:$0x3FB4] =	sst s0;
	s0 =	simm.s32 @!p1 $0x0  }
0x14: {  	s2 =	sld [smem:$0x3F98];
	s0 =	simm.s32 @p1 $0x1  }
0x15: {  	[smem:$0x3FB5] =	sst s0;
	s0 =	simm.s32 @!p2 $0x0  }
0x16: {  	s3 =	sld [smem:$0x3FDB];
	s0 =	simm.s32 @p2 $0x1  }
0x17: {  	s4 =	simm.s32 $0x1BF5;
	[smem:$0x3FB7] =	sst s0  }
0x18: {  	s0 =	sld [smem:$0x3F9A];
	_ =	swait.ge [sflag:s4], $0x0  }
0x19: {  	s7 =	sld [smem:$0x3F9B]  }
0x1a: {  	s8 =	sadd.s32 $0xFFFFE003, lr  }
0x1b: {  	s9 =	sadd.s32 $0xFFFFFEF7, lr;
	s5 =	simm.s32 $0xFFFFFFFF;
	p2 =	slt.u32 s8, $0xFFFFF086  }
0x1c: {  	p1 =	slt.u32 s9, $0xF7A;
	s5 =	simm.s32 @!p2 $0x0  }
0x1d: {  	s5 =	simm.s32 @p1 $0x1;
	p0 =	seq.s32 s7, s2  }
0x1e: {  	s7 =	smul.u32 @!p0 $0xF7A, s2;
	p2 =	seq.s32 @!p0 s5, $0x0  }
0x1f: {  	s9 =	smul.u32 $0xF7A, s1;
	s8 =	simm.s32 @!p0 $0x1BF5;
	p2 =	por !p2, p0  }
0x20: {  	[sflag:s8] =	ssyncset.s32 @!p0 $0xFFFFF086;
	s6 =	sadd.s32 @!p0 s3, s7;
	s7 =	simm.s32 @!p0 $0x108  }
0x21: {  	s3 =	sadd.s32 s3, s9;
	s6 =	sadd.s32 @!p0 $0x88, s6;
	s7 =	simm.s32 @p2 $0x1082  }
0x22: {  	[simem:s7], [sflag:s8] =	dma.local @!p0 [hbm:s6], $0xF7A  }
0x23: {  	s9 =	sor.u32 $0xD0000000, s2;
	s6 =	simm.s32 $0x108;
	_ =	swait.ge @!p0 [sflag:s8], $0x0  }
0x24: {  	s3 =	sadd.s32 $0x88, s3;
	s6 =	simm.s32 @!p1 $0x1082;
	[sflag:s4] =	ssyncset.s32 $0xFFFFF086  }
0x25: {  	[simem:s6], [sflag:s4] =	dma.local [hbm:s3], $0xF7A  }
0x26: {  	[smem:$0x3F9B] =	sst s1;
	(tag) =	ssettag s2;
	_ =	strace s9  }
0x27: {  	s1 =	sld [smem:$0x3FAB]  }
0x28: {  	s2 =	sld [smem:$0x3FAC]  }
0x29: {  	s4 =	sld [smem:$0x3FAE]  }
0x2a: {  	p0 =	seq.s32 s5, $0x0;
	s5 =	sld [smem:$0x3FAF]  }
0x2b: {  	s6 =	sld [smem:$0x3FB0]  }
0x2c: {  	s7 =	sld [smem:$0x3FB1]  }
0x2d: {  	s3 =	simm.s32 $0x108;
	s8 =	sld [smem:$0x3FB2]  }
0x2e: {  	s3 =	simm.s32 @!p0 $0x1082;
	s9 =	sld [smem:$0x3FB3]  }
0x2f: {  	lr =	sadd.s32 s0, s3;
	s0 =	sld [smem:$0x3FAA]  }
0x30: {  	s3 =	sld [smem:$0x3FAD]  }
0x31: {  	[smem:$0x3FB6] =	sst s10  }
0x32: {  	s10 =	sld [smem:$0x3FB4];
	_ =	sdelay $0x3  }
0x33: {  	p0 =	seq.s32 s10, $0x1;
	s10 =	sld [smem:$0x3FB6];
	_ =	sdelay $0x3  }
0x34: {  	[smem:$0x3FB6] =	sst s10  }
0x35: {  	s10 =	sld [smem:$0x3FB5];
	_ =	sdelay $0x3  }
0x36: {  	p1 =	seq.s32 s10, $0x1;
	s10 =	sld [smem:$0x3FB6];
	_ =	sdelay $0x3  }
0x37: {  	[smem:$0x3FB6] =	sst s10  }
0x38: {  	s10 =	sld [smem:$0x3FB7]  }
0x39: {  	_ = 	snop;
	(pc) =	sbr.ind lr, $3  }
0x3a: {  	_ = 	snop  }
0x3b: {  	_ = 	snop  }
0x3c: {  	p2 =	seq.s32 s10, $0x1;
	s10 =	sld [smem:$0x3FB6]  }
0x3d: {  	_ =	shalt  }
0x3e: {  	_ =	shalt  }
0x3f: {  	_ =	shalt  }
0x40: {  	_ =	shalt  }
0x41: {  	_ =	shalt  }
0x42: {  	_ =	shalt  }
0x43: {  	_ =	shalt  }
0x44: {  	_ =	shalt  }
0x45: {  	_ =	shalt  }
0x46: {  	_ =	shalt  }
0x47: {  	_ =	shalt  }
0x48: {  	_ =	shalt  }
0x49: {  	_ =	shalt  }
0x4a: {  	_ =	shalt  }
0x4b: {  	_ =	shalt  }
0x4c: {  	_ =	shalt  }
0x4d: {  	_ =	shalt  }
0x4e: {  	_ =	shalt  }
0x4f: {  	_ =	shalt  }
0x50: {  	_ =	shalt  }
0x51: {  	_ =	shalt  }
0x52: {  	_ =	shalt  }
0x53: {  	_ =	shalt  }
0x54: {  	_ =	shalt  }
0x55: {  	_ =	shalt  }
0x56: {  	_ =	shalt  }
0x57: {  	_ =	shalt  }
0x58: {  	_ =	shalt  }
0x59: {  	_ =	shalt  }
0x5a: {  	_ =	shalt  }
0x5b: {  	_ =	shalt  }
0x5c: {  	_ =	shalt  }
0x5d: {  	_ =	shalt  }
0x5e: {  	_ =	shalt  }
0x5f: {  	_ =	shalt  }
0x60: {  	_ =	shalt  }
0x61: {  	_ =	shalt  }
0x62: {  	_ =	shalt  }
0x63: {  	_ =	shalt  }
0x64: {  	_ =	shalt  }
0x65: {  	_ =	shalt  }
0x66: {  	_ =	shalt  }
0x67: {  	_ =	shalt  }
0x68: {  	_ =	shalt  }
0x69: {  	_ =	shalt  }
0x6a: {  	_ =	shalt  }
0x6b: {  	_ =	shalt  }
0x6c: {  	_ =	shalt  }
0x6d: {  	_ =	shalt  }
0x6e: {  	_ =	shalt  }
0x6f: {  	_ =	shalt  }
0x70: {  	_ =	shalt  }
0x71: {  	_ =	shalt  }
0x72: {  	_ =	shalt  }
0x73: {  	_ =	shalt  }
0x74: {  	_ =	shalt  }
0x75: {  	_ =	shalt  }
0x76: {  	_ =	shalt  }
0x77: {  	_ =	shalt  }
0x78: {  	_ =	shalt  }
0x79: {  	_ =	shalt  }
0x7a: {  	_ =	shalt  }
0x7b: {  	_ =	shalt  }
0x7c: {  	_ =	shalt  }
0x7d: {  	_ =	shalt  }
0x7e: {  	_ =	shalt  }
0x7f: {  	_ =	shalt  }
0x80: {  	_ =	shalt  }
0x81: {  	_ =	shalt  }
0x82: {  	_ =	shalt  }
0x83: {  	_ =	shalt  }
0x84: {  	_ =	shalt  }
0x85: {  	_ =	shalt  }
0x86: {  	_ =	shalt  }
0x87: {  	_ =	shalt  }
.Lfunc_end0:
.L_simem_size_0:
called_computation.1_lowered:
.L_overlay_start_0:
0x88: {  	s2 =	sld [smem:$0x3FD9]  }
0x89: {  	s3 =	sld [smem:$0x3FFE];
	_ =	sdelay $0x1  }
0x8a: {  	s1 =	srdreg.scid  }
0x8b: {  	s0 =	sand.u32 $0x1, s1  }
0x8c: {  	s17 =	sshll.u32 s0, $0xA;
	s2 =	sadd.s32 s3, s2  }
0x8d: {  	s2 =	sadd.s32 s2, s17  }
0x8e: {  	[smem:$0x3FC2] =	sst s2  }
0x8f: {  	_ = 	snop  }
0x90: {  	s2 =	sld [smem:$0x3FD0];
	(tm) =	ssettm $0x1  }
0x91: {  	s18 =	sld [smem:$0x3FFB];
	_ =	sdelay $0x3  }
0x92: {  	_ =	strace s18  }
0x93: {  	s3 =	sld [smem:$0x3FFC];
	_ =	sdelay $0x3  }
0x94: {  	_ =	strace s3  }
0x95: {  	s3 =	sld [smem:$0x3FFD];
	_ =	sdelay $0x3  }
0x96: {  	_ =	strace s3  }
0x97: {  	_ =	strace $0x8FFFFFFF  }
0x98: {  	s19 =	sld [smem:$0x3FDB];
	_ =	sdelay $0x1  }
0x99: {  	s4 =	simm.s32 $_scs_section_size  }
0x9a: {  	s5 =	simm.s32 $_size__tile_overlayer_lowered;
	s6 =	simm.s32 $_tile_overlayer_lowered  }
0x9b: {  	s22 =	simm.s32 $0x1BFF;
	s21 =	sshll.u32 s6, $0x1;
	s3 =	sadd.s32 s4, s19  }
0x9c: {  	s7 =	simm.s32 $0x0;
	s20 =	sshll.u32 s5, $0x1;
	s5 =	sadd.s32 s21, s3  }
0x9d: {  	[timem:s7], [sflag:s22] =	dma.local [hbm:s5], s20  }
0x9e: {  	_ =	swait.ge [sflag:s22], s20  }
0x9f: {  	s4 =	ssub.s32 $0x0, s20;
	[sflag:s22] =	ssyncset.done $0x0  }
0xa0: {  	[sflag:s22] =	ssyncadd.s32 s4;
	_ =	sdelay $0x1  }
0xa1: {  	s23 =	simm.s32 $0x1B8B  }
0xa2: {  	_ =	swait.ge [sflag:s23], $0x1  }
0xa3: {  	[sflag:s23] =	ssyncset.done $0x0  }
0xa4: {  	s25 =	simm.s32 $0x1B8E;
	s24 =	sld [smem:$0x3FFE];
	[sflag:s23] =	ssyncadd.s32 $0xFFFFFFFF  }
0xa5: {  	s26 =	simm.s32 $execute0_lowered;
	[smem:$0x3FD2] =	sst s25  }
0xa6: {  	s5 =	sshll.u32 s26, $0x1;
	_ =	strace $0x80000046;
	[dreg:$0x1] =	wrdreg $0xFFFFFFFF  }
0xa7: {  	s28 =	simm.s32 $_size_execute0_lowered;
	s3 =	sadd.s32 s3, s5;
	[dreg:$0x0] =	wrdreg $0x0  }
0xa8: {  	s5 =	sshll.u32 s28, $0x1;
	[dreg:$0x2] =	wrdreg s3  }
0xa9: {  	[dreg:$0x3] =	wrdreg s5  }
0xaa: {  	[dreg:$0x4] =	wrdreg $0xC0  }
0xab: {  	_ =	task [dreg:s7], $0x5FFFF  }
0xac: {  	[dreg:$0x1] =	wrdreg $0xFFFFFFFF  }
0xad: {  	[dreg:$0x0] =	wrdreg $0x60  }
0xae: {  	[dreg:$0x2] =	wrdreg s24  }
0xaf: {  	[dreg:$0x3] =	wrdreg s2  }
0xb0: {  	[dreg:$0x4] =	wrdreg $0xCF000  }
0xb1: {  	[dreg:$0x5] =	wrdreg $0xA  }
0xb2: {  	_ =	task.clear_ibuf [dreg:s7], $0x6FFFF;
	_ =	strace $0x90000046  }
0xb3: {  	s29 =	simm.s32 $0xA;
	_ =	strace $0x80000048  }
0xb4: {  	_ =	swait.ge [sflag:s29], $0x1  }
0xb5: {  	[sflag:s29] =	ssyncadd.s32 $0xFFFFFFFF  }
0xb6: {  	_ =	strace $0x90000048  }
0xb7: {  	_ =	sfence  }
0xb8: {  	s30 =	sld [smem:$0x0];
	_ =	sdelay $0x2  }
0xb9: {  	s31 =	sshll.u32 s1, $0xD;
	s1 =	sshrl.u32 s1, $0x2  }
0xba: {  	s3 =	sand.u32 $0x4000, s31;
	s1 =	sadd.s32 s1, s30  }
0xbb: {  	s0 =	sor.u32 s3, s0;
	s1 =	sshll.u32 s1, $0x11  }
0xbc: {  	s0 =	sor.u32 s1, s0  }
0xbd: {  	s0 =	sadd.s32 $0x8F2B, s0  }
0xbe: {  	[sflag:s0] =	ssyncadd.remote.s32 $0x1  }
0xbf: {  	_ =	sfence.sel $0xFFFF  }
0xc0: {  	[dreg:$0x0] =	wrdreg $0xFFFFFFFF;
	(pc) =	sbr.abs _section_cstart, $3  }
0xc1: {  	[dreg:$0x1] =	wrdreg $0xFFFFFFFF  }
0xc2: {  	_ =	task.clear_ibuf [dreg:s7], $0x2FFFF;
	_ =	strace $0x9FFFFFFF  }
0xc3: {  	(tm) =	ssettm $0x7FFFFFFF  }
tec
execute0_lowered:
.L_overlay_start_1:
0x0: {  	(tag) =	ssettag $0x1  }
0x1: {  	s0 =	rddreg [dreg:$0x0]  }
0x2: {  	s3 =	rddreg [dreg:$0x1]  }
0x3: {  	s1 =	rddreg [dreg:$0x2];
	s2 =	simm.s32 $0x0  }
0x4: {  	s5 =	srdreg.scid;
	s18 =	stileid.u32;
	s17 =	simm.s32 $0x2A200  }
0x5: {  	s19 =	simm.s32 $0x6F00;
	s21 =	simm.s32 $0x8F00;
	s23 =	simm.s32 $0xAF00  }
0x6: {  	s24 =	simm.s32 $0x1;
	s25 =	simm.s32 $0x2;
	s28 =	simm.s32 $0x4  }
0x7: {  	s29 =	simm.s32 $0x5;
	s30 =	simm.s32 $0x6;
	s31 =	simm.s32 $0x7  }
0x8: {  	s22 =	simm.s32 $0x0;
	[smem:$0x7FF] =	sst s2;
	s4 =	sadd.s32 $0x16800, s0  }
0x9: {  	s10 =	sadd.s32 $0xCA00, s0;
	s9 =	sand.u32 $0x1, s5;
	s6 =	sshll.u32 s18, $0x1  }
0xa: {  	s7 =	smul.u32 $0x9E00, s18;
	s11 =	sadd.s32 $0x2C00, s0;
	_ =	strace $0x80000047  }
0xb: {  	s5 =	ssub.s32 $0x2, s9;
	s12 =	sor.u32 s9, s6;
	s6 =	sshll.u32 s18, $0x6  }
0xc: {  	p0 =	seq.s32 s9, $0x1;
	s8 =	sshrl.u32 s5, $0x1;
	s14 =	sshrl.u32 s7, $0x3  }
0xd: {  	s15 =	smul.u32 $0x4E0, s12;
	s16 =	sadd.s32 s7, s1;
	s7 =	sor.u32 $0x1C01, s6  }
0xe: {  	s26 =	sshll.u32 s12, $0x4;
	s17 =	simm.s32 @!p0 $0x3DE00;
	p0 =	sgt.u32 s18, $0x1  }
0xf: {  	s18 =	simm.s32 $0x4F00;
	s13 =	ssub.s32 s5, s8;
	s3 =	sadd.s32 s3, s14  }
0x10: {  	s0 =	sadd.s32 s17, s0;
	s17 =	simm.s32 $0x80;
	[dreg:$0x4] =	wrdreg s3  }
0x11: {  	s8 =	sadd.s32 s10, s15;
	s3 =	sor.u32 $0x9C00, s26;
	s9 =	sadd.s32 s11, s15  }
0x12: {  	s12 =	smax.u32 s13, $0x1;
	s13 =	sadd.s32 s0, s14;
	s14 =	sshrl.u32 s16, $0x3  }
0x13: {  	s15 =	simm.s32 $0xA;
	s26 =	simm.s32 $0x3;
	s0 =	simm.s32 $0x8  }
0x14: {  	s10 =	sadd.s32 s10, s3;
	s11 =	sadd.s32 s11, s3;
	s3 =	simm.s32 $0x9  }
.LBB2_1:
0x15: {  	s5 =	rddreg [dreg:$0x4]  }
0x16: {  	[spmem:s14], [sflag:s7] =	dma.local [hbm:s5], $0x13C0  }
0x17: {  	[tilespmem:s2], [sflag:$0xA] =	stream.linear.gather [hbm4b:s8+s2], $0x2700, $0x38;
	[tilespmem:$0x16D00] =	vst v63  }
0x18: {  	_ =	swait.ge [sflag:s15], $0x2700  }
0x19: {  	[sflag:s15] =	ssyncset.done $0x0  }
0x1a: {  	s16 =	simm.s32 $0x2780;
	[sflag:s15] =	ssyncadd.s32 $0xFFFFD900  }
0x1b: {  	[tilespmem:s16], [sflag:$0xA] =	stream.linear.gather [hbm4b:s9+s2], $0x2700, $0x38;
	[tilespmem:$0x16D00] =	vst v63  }
0x1c: {  	_ =	swait.ge [sflag:s15], $0x2700  }
0x1d: {  	[sflag:s15] =	ssyncset.done $0x0  }
0x1e: {  	s20 =	simm.s32 @!p0 $0x2700;
	s16 =	simm.s32 @!p0 $0x0;
	[sflag:s15] =	ssyncadd.s32 $0xFFFFD900  }
0x1f: {  	[tilespmem:s20], [sflag:$0xA] =	stream.linear.gather @!p0 [hbm4b:s10+s16], $0x80, $0x38;
	[tilespmem:$0x16D00] =	vst v63  }
0x20: {  	s20 =	simm.s32 @!p0 $0xA  }
0x21: {  	_ =	swait.ge @!p0 [sflag:s20], $0x80  }
0x22: {  	[sflag:s20] =	ssyncset.done @!p0 $0x0  }
0x23: {  	s5 =	simm.s32 @!p0 $0x4E80;
	[sflag:s20] =	ssyncadd.s32 @!p0 $0xFFFFFF80  }
0x24: {  	[tilespmem:s5], [sflag:$0xA] =	stream.linear.gather @!p0 [hbm4b:s11+s16], $0x80, $0x38;
	[tilespmem:$0x16D00] =	vst v63  }
0x25: {  	_ =	swait.ge @!p0 [sflag:s20], $0x80  }
0x26: {  	[sflag:s20] =	ssyncset.done @!p0 $0x0  }
0x27: {  	[sflag:s20] =	ssyncadd.s32 @!p0 $0xFFFFFF80  }
0x28: {  	[tilespmem:s18], [sflag:$0x2] =	stream.indirect.gather [hbm4b:s4+s17], $0x40, s2, s17, $0xb8;
	[tilespmem:$0x16D00] =	vst v63  }
0x29: {  	_ = 	snop  }
0x2a: {  	[tilespmem:s19], [sflag:$0x3] =	stream.indirect.gather [hbm4b:s4+s17], $0x40, s17, s17, $0xb8;
	[tilespmem:$0x16D00] =	vst v63  }
0x2b: {  	s20 =	simm.s32 $0x100  }
0x2c: {  	[tilespmem:s21], [sflag:$0x4] =	stream.indirect.gather [hbm4b:s4+s17], $0x40, s20, s17, $0xb8;
	[tilespmem:$0x16D00] =	vst v63  }
0x2d: {  	s16 =	simm.s32 $0x180  }
0x2e: {  	[tilespmem:s23], [sflag:$0x5] =	stream.indirect.gather [hbm4b:s4+s17], $0x40, s16, s17, $0xb8;
	[tilespmem:$0x16D00] =	vst v63  }
0x2f: {  	_ =	swait.ge [sflag:s24], $0x13C0  }
0x30: {  	[sflag:s24] =	ssyncset.done $0x0  }
0x31: {  	[sflag:s24] =	ssyncadd.s32 $0xFFFFEC40  }
0x32: {  	[bflag:$0x0] =	sbarrier.arrive $0xFFFF  }
0x33: {  	_ =	swait.ge [sflag:s25], $0x2000  }
0x34: {  	[sflag:s25] =	ssyncset.done $0x0  }
0x35: {  	s20 =	simm.s32 $0x2780;
	[sflag:s25] =	ssyncadd.s32 $0xFFFFE000  }
0x36: {  	[spmem:s1] =	stream.indirect.scatter.add.f32 [tilespmem:s18], [sflag:$0x6], $0x40, s20, s17, $0xb8;
	[tilespmem:$0x16D00] =	vst v63  }
0x37: {  	_ =	swait.ge [sflag:s26], $0x2000  }
0x38: {  	[sflag:s26] =	ssyncset.done $0x0  }
0x39: {  	s16 =	simm.s32 $0x2800;
	[sflag:s26] =	ssyncadd.s32 $0xFFFFE000  }
0x3a: {  	[spmem:s1] =	stream.indirect.scatter.add.f32 [tilespmem:s19], [sflag:$0x7], $0x40, s16, s17, $0xb8;
	[tilespmem:$0x16D00] =	vst v63  }
0x3b: {  	_ =	swait.ge [sflag:s28], $0x2000  }
0x3c: {  	[sflag:s28] =	ssyncset.done $0x0  }
0x3d: {  	s20 =	simm.s32 $0x2880;
	[sflag:s28] =	ssyncadd.s32 $0xFFFFE000  }
0x3e: {  	[spmem:s1] =	stream.indirect.scatter.add.f32 [tilespmem:s21], [sflag:$0x8], $0x40, s20, s17, $0xb8;
	[tilespmem:$0x16D00] =	vst v63  }
0x3f: {  	_ =	swait.ge [sflag:s29], $0x2000  }
0x40: {  	[sflag:s29] =	ssyncset.done $0x0  }
0x41: {  	s16 =	simm.s32 $0x2900;
	[sflag:s29] =	ssyncadd.s32 $0xFFFFE000  }
0x42: {  	[spmem:s1] =	stream.indirect.scatter.add.f32 [tilespmem:s23], [sflag:$0x9], $0x40, s16, s17, $0xb8;
	[tilespmem:$0x16D00] =	vst v63  }
0x43: {  	_ =	swait.ge [sflag:s30], $0x2000  }
0x44: {  	[sflag:s30] =	ssyncset.done $0x0  }
0x45: {  	s20 =	simm.s32 $0x200;
	[sflag:s30] =	ssyncadd.s32 $0xFFFFE000  }
0x46: {  	[tilespmem:s18], [sflag:$0x2] =	stream.indirect.gather [hbm4b:s4+s17], $0x40, s20, s17, $0xb8;
	[tilespmem:$0x16D00] =	vst v63  }
0x47: {  	_ =	swait.ge [sflag:s31], $0x2000  }
0x48: {  	[sflag:s31] =	ssyncset.done $0x0  }
0x49: {  	s16 =	simm.s32 $0x280;
	[sflag:s31] =	ssyncadd.s32 $0xFFFFE000  }
0x4a: {  	[tilespmem:s19], [sflag:$0x3] =	stream.indirect.gather [hbm4b:s4+s17], $0x40, s16, s17, $0xb8;
	[tilespmem:$0x16D00] =	vst v63  }
0x4b: {  	_ =	swait.ge [sflag:s0], $0x2000  }
0x4c: {  	[sflag:s0] =	ssyncset.done $0x0  }
0x4d: {  	s20 =	simm.s32 $0x300;
	[sflag:s0] =	ssyncadd.s32 $0xFFFFE000  }
0x4e: {  	[tilespmem:s21], [sflag:$0x4] =	stream.indirect.gather [hbm4b:s4+s17], $0x40, s20, s17, $0xb8;
	[tilespmem:$0x16D00] =	vst v63  }
0x4f: {  	_ =	swait.ge [sflag:s3], $0x2000  }
0x50: {  	[sflag:s3] =	ssyncset.done $0x0  }
0x51: {  	s16 =	simm.s32 $0x800;
	s20 =	simm.s32 $0x380;
	[sflag:s3] =	ssyncadd.s32 $0xFFFFE000  }
.LBB2_2:
0x52: {  	[tilespmem:s23], [sflag:$0x5] =	stream.indirect.gather [hbm4b:s4+s17], $0x40, s20, s17, $0xb8;
	[tilespmem:$0x16D00] =	vst v63  }
0x53: {  	s5 =	smov.u32 s16  }
0x54: {  	p1 =	sne.s32 s16, $0x8800;
	s16 =	sadd.s32 $0x800, s16;
	_ =	swait.ge [sflag:s25], $0x2000  }
0x55: {  	s20 =	sshra.s32 s5, $0x2;
	[sflag:s25] =	ssyncset.done $0x0  }
0x56: {  	s5 =	sadd.s32 $0x2780, s20;
	[sflag:s25] =	ssyncadd.s32 $0xFFFFE000  }
0x57: {  	[spmem:s1] =	stream.indirect.scatter.add.f32 [tilespmem:s18], [sflag:$0x6], $0x40, s5, s17, $0xb8;
	[tilespmem:$0x16D00] =	vst v63  }
0x58: {  	_ =	swait.ge [sflag:s26], $0x2000  }
0x59: {  	[sflag:s26] =	ssyncset.done $0x0  }
0x5a: {  	s5 =	sadd.s32 $0x2800, s20;
	[sflag:s26] =	ssyncadd.s32 $0xFFFFE000  }
0x5b: {  	[spmem:s1] =	stream.indirect.scatter.add.f32 [tilespmem:s19], [sflag:$0x7], $0x40, s5, s17, $0xb8;
	[tilespmem:$0x16D00] =	vst v63  }
0x5c: {  	_ =	swait.ge [sflag:s28], $0x2000  }
0x5d: {  	[sflag:s28] =	ssyncset.done $0x0  }
0x5e: {  	s5 =	sadd.s32 $0x2880, s20;
	[sflag:s28] =	ssyncadd.s32 $0xFFFFE000  }
0x5f: {  	[spmem:s1] =	stream.indirect.scatter.add.f32 [tilespmem:s21], [sflag:$0x8], $0x40, s5, s17, $0xb8;
	[tilespmem:$0x16D00] =	vst v63  }
0x60: {  	_ =	swait.ge [sflag:s29], $0x2000  }
0x61: {  	[sflag:s29] =	ssyncset.done $0x0  }
0x62: {  	s5 =	sadd.s32 $0x2900, s20;
	[sflag:s29] =	ssyncadd.s32 $0xFFFFE000  }
0x63: {  	[spmem:s1] =	stream.indirect.scatter.add.f32 [tilespmem:s23], [sflag:$0x9], $0x40, s5, s17, $0xb8;
	[tilespmem:$0x16D00] =	vst v63  }
0x64: {  	_ =	swait.ge [sflag:s30], $0x2000  }
0x65: {  	[sflag:s30] =	ssyncset.done $0x0  }
0x66: {  	s5 =	sadd.s32 $0x200, s20;
	[sflag:s30] =	ssyncadd.s32 $0xFFFFE000  }
0x67: {  	[tilespmem:s18], [sflag:$0x2] =	stream.indirect.gather [hbm4b:s4+s17], $0x40, s5, s17, $0xb8;
	[tilespmem:$0x16D00] =	vst v63  }
0x68: {  	_ =	swait.ge [sflag:s31], $0x2000  }
0x69: {  	[sflag:s31] =	ssyncset.done $0x0  }
0x6a: {  	s5 =	sadd.s32 $0x280, s20;
	[sflag:s31] =	ssyncadd.s32 $0xFFFFE000  }
0x6b: {  	[tilespmem:s19], [sflag:$0x3] =	stream.indirect.gather [hbm4b:s4+s17], $0x40, s5, s17, $0xb8;
	[tilespmem:$0x16D00] =	vst v63  }
0x6c: {  	_ =	swait.ge [sflag:s0], $0x2000  }
0x6d: {  	[sflag:s0] =	ssyncset.done $0x0  }
.Ltmp0:
0x6e: {  	s5 =	sadd.s32 $0x300, s20;
	[sflag:s0] =	ssyncadd.s32 $0xFFFFE000;
	(pc) =	sbr.rel @p1 .LBB2_2-.Ltmp0, $4  }
0x6f: {  	[tilespmem:s21], [sflag:$0x4] =	stream.indirect.gather [hbm4b:s4+s17], $0x40, s5, s17, $0xb8;
	[tilespmem:$0x16D00] =	vst v63  }
0x70: {  	_ =	swait.ge [sflag:s3], $0x2000  }
0x71: {  	[sflag:s3] =	ssyncset.done $0x0  }
0x72: {  	s20 =	sadd.s32 $0x380, s20;
	[sflag:s3] =	ssyncadd.s32 $0xFFFFE000  }
0x73: {  	[tilespmem:s23], [sflag:$0x5] =	stream.indirect.gather [hbm4b:s4+s17], $0x40, s20, s17, $0xb8;
	[tilespmem:$0x16D00] =	vst v63  }
0x74: {  	_ =	swait.ge [sflag:s25], $0x2000  }
0x75: {  	[sflag:s25] =	ssyncset.done $0x0  }
0x76: {  	s5 =	simm.s32 $0x4B80;
	[sflag:s25] =	ssyncadd.s32 $0xFFFFE000  }
0x77: {  	[spmem:s1] =	stream.indirect.scatter.add.f32 [tilespmem:s18], [sflag:$0x6], $0x40, s5, s17, $0xb8;
	[tilespmem:$0x16D00] =	vst v63  }
0x78: {  	_ =	swait.ge [sflag:s26], $0x2000  }
0x79: {  	[sflag:s26] =	ssyncset.done $0x0  }
0x7a: {  	s16 =	simm.s32 $0x4C00;
	[sflag:s26] =	ssyncadd.s32 $0xFFFFE000  }
0x7b: {  	[spmem:s1] =	stream.indirect.scatter.add.f32 [tilespmem:s19], [sflag:$0x7], $0x40, s16, s17, $0xb8;
	[tilespmem:$0x16D00] =	vst v63  }
0x7c: {  	_ =	swait.ge [sflag:s28], $0x2000  }
0x7d: {  	[sflag:s28] =	ssyncset.done $0x0  }
0x7e: {  	s20 =	simm.s32 $0x4C80;
	[sflag:s28] =	ssyncadd.s32 $0xFFFFE000  }
0x7f: {  	[spmem:s1] =	stream.indirect.scatter.add.f32 [tilespmem:s21], [sflag:$0x8], $0x40, s20, s17, $0xb8;
	[tilespmem:$0x16D00] =	vst v63  }
0x80: {  	_ =	swait.ge [sflag:s29], $0x2000  }
0x81: {  	[sflag:s29] =	ssyncset.done $0x0  }
0x82: {  	s16 =	simm.s32 $0x4D00;
	[sflag:s29] =	ssyncadd.s32 $0xFFFFE000  }
0x83: {  	[spmem:s1] =	stream.indirect.scatter.add.f32 [tilespmem:s23], [sflag:$0x9], $0x40, s16, s17, $0xb8;
	[tilespmem:$0x16D00] =	vst v63  }
0x84: {  	_ =	swait.ge [sflag:s30], $0x2000  }
0x85: {  	[sflag:s30] =	ssyncset.done $0x0  }
0x86: {  	[sflag:s30] =	ssyncadd.s32 $0xFFFFE000  }
0x87: {  	_ =	swait.ge [sflag:s31], $0x2000  }
0x88: {  	[sflag:s31] =	ssyncset.done $0x0  }
0x89: {  	[sflag:s31] =	ssyncadd.s32 $0xFFFFE000  }
0x8a: {  	_ =	swait.ge [sflag:s0], $0x2000  }
0x8b: {  	[sflag:s0] =	ssyncset.done $0x0  }
0x8c: {  	[sflag:s0] =	ssyncadd.s32 $0xFFFFE000  }
0x8d: {  	_ =	swait.ge [sflag:s3], $0x2000  }
0x8e: {  	[sflag:s3] =	ssyncset.done $0x0  }
0x8f: {  	s20 =	simm.s32 $0x2600;
	[sflag:s3] =	ssyncadd.s32 $0xFFFFE000  }
0x90: {  	[tilespmem:s18], [sflag:$0x2] =	stream.indirect.gather [hbm4b:s4+s17], $0x40, s20, s17, $0xb8;
	[tilespmem:$0x16D00] =	vst v63  }
0x91: {  	s16 =	simm.s32 $0x2680  }
0x92: {  	[tilespmem:s19], [sflag:$0x3] =	stream.indirect.gather [hbm4b:s4+s17], $0x40, s16, s17, $0xb8;
	[tilespmem:$0x16D00] =	vst v63  }
0x93: {  	_ =	swait.ge [sflag:s25], $0x2000  }
0x94: {  	[sflag:s25] =	ssyncset.done $0x0  }
0x95: {  	s20 =	simm.s32 $0x4D80;
	[sflag:s25] =	ssyncadd.s32 $0xFFFFE000  }
0x96: {  	[spmem:s1] =	stream.indirect.scatter.add.f32 [tilespmem:s18], [sflag:$0xA], $0x40, s20, s17, $0xb8;
	[tilespmem:$0x16D00] =	vst v63  }
0x97: {  	_ =	swait.ge [sflag:s15], $0x2000  }
0x98: {  	[sflag:s15] =	ssyncset.done $0x0  }
0x99: {  	[sflag:s15] =	ssyncadd.s32 $0xFFFFE000  }
0x9a: {  	_ =	swait.ge [sflag:s26], $0x2000  }
0x9b: {  	[sflag:s26] =	ssyncset.done $0x0  }
0x9c: {  	s16 =	simm.s32 $0x4E00;
	[sflag:s26] =	ssyncadd.s32 $0xFFFFE000  }
0x9d: {  	[spmem:s1] =	stream.indirect.scatter.add.f32 [tilespmem:s19], [sflag:$0xA], $0x40, s16, s17, $0xb8;
	[tilespmem:$0x16D00] =	vst v63  }
0x9e: {  	_ =	swait.ge [sflag:s15], $0x2000  }
0x9f: {  	s5 =	simm.s32 @!p0 $0x80;
	[sflag:s15] =	ssyncset.done $0x0  }
0xa0: {  	s20 =	simm.s32 @!p0 $0x4F00;
	s16 =	simm.s32 @!p0 $0x2700;
	[sflag:s15] =	ssyncadd.s32 $0xFFFFE000  }
0xa1: {  	[tilespmem:s20], [sflag:$0x2] =	stream.indirect.gather @!p0 [hbm4b:s4+s5], $0x40, s16, s5, $0xb8;
	[tilespmem:$0x16D00] =	vst v63  }
0xa2: {  	s16 =	simm.s32 @!p0 $0x2  }
0xa3: {  	_ =	swait.ge @!p0 [sflag:s16], $0x2000  }
0xa4: {  	[sflag:s16] =	ssyncset.done @!p0 $0x0  }
0xa5: {  	[sflag:s16] =	ssyncadd.s32 @!p0 $0xFFFFE000;
	s16 =	simm.s32 @!p0 $0x4E80  }
0xa6: {  	[spmem:s1] =	stream.indirect.scatter.add.f32 @!p0 [tilespmem:s20], [sflag:$0xA], $0x40, s16, s5, $0xb8;
	[tilespmem:$0x16D00] =	vst v63  }
0xa7: {  	s5 =	simm.s32 @!p0 $0xA  }
0xa8: {  	_ =	swait.ge @!p0 [sflag:s5], $0x2000  }
0xa9: {  	s22 =	sadd.s32 $0x1, s22;
	[sflag:s5] =	ssyncset.done @!p0 $0x0  }
0xaa: {  	p1 =	sne.s32 s22, s12;
	[sflag:s5] =	ssyncadd.s32 @!p0 $0xFFFFE000  }
.Ltmp1:
0xab: {  	s20 =	sor.u32 $0x1C0A, s6;
	[bflag:$0x0] =	sbarrier.arrive $0xFFFF;
	(pc) =	sbr.rel @p1 .LBB2_1-.Ltmp1, $4  }
0xac: {  	[hbm:s13], [sflag:s20] =	dma.local [spmem:s14], $0x13C0  }
0xad: {  	_ =	swait.ge [sflag:s15], $0x13C0  }
0xae: {  	[sflag:s15] =	ssyncset.done $0x0  }
0xaf: {  	[sflag:s15] =	ssyncadd.s32 $0xFFFFEC40  }
0xb0: {  	_ =	sfence.sel $0x180000  }
0xb1: {  	[bflag:$0x0] =	sbarrier.arrive $0xFFFF  }
0xb2: {  	_ =	strace $0x90000047  }
0xb3: {  	s0 =	stileid.u32;
	[bflag:$0x2] =	sbarrier.arrive $0xFFFF  }
0xb4: {  	p0 =	sne.s32 s0, $0x0;
	s0 =	rddreg [dreg:$0x3]  }
0xb5: {  	s0 =	sadd.s32 @!p0 $0x100000, s0  }
0xb6: {  	[sflag:s0] =	ssyncadd.tile.s32 @!p0 $0x1;
	_ =	shalt  }
.Lfunc_end2:
_tile_overlayer_lowered:
.L_overlay_start_2:
0xb7: {  	(tag) =	ssettag $0x2  }
0xb8: {  	s0 =	rddreg [dreg:$0x0];
	s2 =	stileid.u32  }
0xb9: {  	s1 =	rddreg [dreg:$0x1];
	p0 =	sne.s32 s2, $0x0  }
0xba: {  	s3 =	rddreg [dreg:$0x2];
	[bflag:$0x3] =	sbarrier.arrive $0xFFFF;
	s2 =	simm.s32 @!p0 $0x1C0A  }
0xbb: {  	[timem:s3], [sflag:s2] =	dma.local @!p0 [hbm:s0], s1  }
0xbc: {  	s0 =	simm.s32 @!p0 $0xA  }
0xbd: {  	_ =	swait.ge @!p0 [sflag:s0], s1  }
0xbe: {  	s1 =	ssub.s32 @!p0 $0x0, s1;
	[sflag:s0] =	ssyncset.done @!p0 $0x0  }
0xbf: {  	[sflag:s0] =	ssyncadd.s32 @!p0 s1  }
0xc0: {  	[bflag:$0x3] =	sbarrier.arrive $0xFFFF  }
0xc1: {  	_ =	shalt  }

// kernel: sc_segsum_d64.7.cloned.1.call-start
scs
__scs_entry_jumppad:
0x0: {  	(pc) =	sbr.rel $0x88, $3  }
0x1: {  	(tag) =	ssettag $0x0;
	lr =	simm.s32 $0x1  }
0x2: {  	[smem:$0x3F9B] =	sst lr;
	_ =	strace $0xD0000000  }
0x3: {  	_ = 	snop  }
0x4: {  	_ = 	snop  }
0x5: {  	_ = 	snop  }
0x6: {  	_ = 	snop  }
0x7: {  	_ = 	snop  }
__scs_overlays_trampoline_lowered:
0x8: {  	[smem:$0x3FAA] =	sst s0  }
0x9: {  	[smem:$0x3FAB] =	sst s1  }
0xa: {  	[smem:$0x3FAC] =	sst s2  }
0xb: {  	[smem:$0x3FAD] =	sst s3  }
0xc: {  	[smem:$0x3FAE] =	sst s4  }
0xd: {  	[smem:$0x3FAF] =	sst s5  }
0xe: {  	[smem:$0x3FB0] =	sst s6  }
0xf: {  	[smem:$0x3FB1] =	sst s7  }
0x10: {  	[smem:$0x3FB2] =	sst s8  }
0x11: {  	[smem:$0x3FB3] =	sst s9;
	s0 =	simm.s32 @!p0 $0x0  }
0x12: {  	s1 =	sld [smem:$0x3F99];
	s0 =	simm.s32 @p0 $0x1  }
0x13: {  	[smem:$0x3FB4] =	sst s0;
	s0 =	simm.s32 @!p1 $0x0  }
0x14: {  	s2 =	sld [smem:$0x3F98];
	s0 =	simm.s32 @p1 $0x1  }
0x15: {  	[smem:$0x3FB5] =	sst s0;
	s0 =	simm.s32 @!p2 $0x0  }
0x16: {  	s3 =	sld [smem:$0x3FDB];
	s0 =	simm.s32 @p2 $0x1  }
0x17: {  	s4 =	simm.s32 $0x1BF5;
	[smem:$0x3FB7] =	sst s0  }
0x18: {  	s0 =	sld [smem:$0x3F9A];
	_ =	swait.ge [sflag:s4], $0x0  }
0x19: {  	s7 =	sld [smem:$0x3F9B]  }
0x1a: {  	s8 =	sadd.s32 $0xFFFFE003, lr  }
0x1b: {  	s9 =	sadd.s32 $0xFFFFFEF7, lr;
	s5 =	simm.s32 $0xFFFFFFFF;
	p2 =	slt.u32 s8, $0xFFFFF086  }
0x1c: {  	p1 =	slt.u32 s9, $0xF7A;
	s5 =	simm.s32 @!p2 $0x0  }
0x1d: {  	s5 =	simm.s32 @p1 $0x1;
	p0 =	seq.s32 s7, s2  }
0x1e: {  	s7 =	smul.u32 @!p0 $0xF7A, s2;
	p2 =	seq.s32 @!p0 s5, $0x0  }
0x1f: {  	s9 =	smul.u32 $0xF7A, s1;
	s8 =	simm.s32 @!p0 $0x1BF5;
	p2 =	por !p2, p0  }
0x20: {  	[sflag:s8] =	ssyncset.s32 @!p0 $0xFFFFF086;
	s6 =	sadd.s32 @!p0 s3, s7;
	s7 =	simm.s32 @!p0 $0x108  }
0x21: {  	s3 =	sadd.s32 s3, s9;
	s6 =	sadd.s32 @!p0 $0x88, s6;
	s7 =	simm.s32 @p2 $0x1082  }
0x22: {  	[simem:s7], [sflag:s8] =	dma.local @!p0 [hbm:s6], $0xF7A  }
0x23: {  	s9 =	sor.u32 $0xD0000000, s2;
	s6 =	simm.s32 $0x108;
	_ =	swait.ge @!p0 [sflag:s8], $0x0  }
0x24: {  	s3 =	sadd.s32 $0x88, s3;
	s6 =	simm.s32 @!p1 $0x1082;
	[sflag:s4] =	ssyncset.s32 $0xFFFFF086  }
0x25: {  	[simem:s6], [sflag:s4] =	dma.local [hbm:s3], $0xF7A  }
0x26: {  	[smem:$0x3F9B] =	sst s1;
	(tag) =	ssettag s2;
	_ =	strace s9  }
0x27: {  	s1 =	sld [smem:$0x3FAB]  }
0x28: {  	s2 =	sld [smem:$0x3FAC]  }
0x29: {  	s4 =	sld [smem:$0x3FAE]  }
0x2a: {  	p0 =	seq.s32 s5, $0x0;
	s5 =	sld [smem:$0x3FAF]  }
0x2b: {  	s6 =	sld [smem:$0x3FB0]  }
0x2c: {  	s7 =	sld [smem:$0x3FB1]  }
0x2d: {  	s3 =	simm.s32 $0x108;
	s8 =	sld [smem:$0x3FB2]  }
0x2e: {  	s3 =	simm.s32 @!p0 $0x1082;
	s9 =	sld [smem:$0x3FB3]  }
0x2f: {  	lr =	sadd.s32 s0, s3;
	s0 =	sld [smem:$0x3FAA]  }
0x30: {  	s3 =	sld [smem:$0x3FAD]  }
0x31: {  	[smem:$0x3FB6] =	sst s10  }
0x32: {  	s10 =	sld [smem:$0x3FB4];
	_ =	sdelay $0x3  }
0x33: {  	p0 =	seq.s32 s10, $0x1;
	s10 =	sld [smem:$0x3FB6];
	_ =	sdelay $0x3  }
0x34: {  	[smem:$0x3FB6] =	sst s10  }
0x35: {  	s10 =	sld [smem:$0x3FB5];
	_ =	sdelay $0x3  }
0x36: {  	p1 =	seq.s32 s10, $0x1;
	s10 =	sld [smem:$0x3FB6];
	_ =	sdelay $0x3  }
0x37: {  	[smem:$0x3FB6] =	sst s10  }
0x38: {  	s10 =	sld [smem:$0x3FB7]  }
0x39: {  	_ = 	snop;
	(pc) =	sbr.ind lr, $3  }
0x3a: {  	_ = 	snop  }
0x3b: {  	_ = 	snop  }
0x3c: {  	p2 =	seq.s32 s10, $0x1;
	s10 =	sld [smem:$0x3FB6]  }
0x3d: {  	_ =	shalt  }
0x3e: {  	_ =	shalt  }
0x3f: {  	_ =	shalt  }
0x40: {  	_ =	shalt  }
0x41: {  	_ =	shalt  }
0x42: {  	_ =	shalt  }
0x43: {  	_ =	shalt  }
0x44: {  	_ =	shalt  }
0x45: {  	_ =	shalt  }
0x46: {  	_ =	shalt  }
0x47: {  	_ =	shalt  }
0x48: {  	_ =	shalt  }
0x49: {  	_ =	shalt  }
0x4a: {  	_ =	shalt  }
0x4b: {  	_ =	shalt  }
0x4c: {  	_ =	shalt  }
0x4d: {  	_ =	shalt  }
0x4e: {  	_ =	shalt  }
0x4f: {  	_ =	shalt  }
0x50: {  	_ =	shalt  }
0x51: {  	_ =	shalt  }
0x52: {  	_ =	shalt  }
0x53: {  	_ =	shalt  }
0x54: {  	_ =	shalt  }
0x55: {  	_ =	shalt  }
0x56: {  	_ =	shalt  }
0x57: {  	_ =	shalt  }
0x58: {  	_ =	shalt  }
0x59: {  	_ =	shalt  }
0x5a: {  	_ =	shalt  }
0x5b: {  	_ =	shalt  }
0x5c: {  	_ =	shalt  }
0x5d: {  	_ =	shalt  }
0x5e: {  	_ =	shalt  }
0x5f: {  	_ =	shalt  }
0x60: {  	_ =	shalt  }
0x61: {  	_ =	shalt  }
0x62: {  	_ =	shalt  }
0x63: {  	_ =	shalt  }
0x64: {  	_ =	shalt  }
0x65: {  	_ =	shalt  }
0x66: {  	_ =	shalt  }
0x67: {  	_ =	shalt  }
0x68: {  	_ =	shalt  }
0x69: {  	_ =	shalt  }
0x6a: {  	_ =	shalt  }
0x6b: {  	_ =	shalt  }
0x6c: {  	_ =	shalt  }
0x6d: {  	_ =	shalt  }
0x6e: {  	_ =	shalt  }
0x6f: {  	_ =	shalt  }
0x70: {  	_ =	shalt  }
0x71: {  	_ =	shalt  }
0x72: {  	_ =	shalt  }
0x73: {  	_ =	shalt  }
0x74: {  	_ =	shalt  }
0x75: {  	_ =	shalt  }
0x76: {  	_ =	shalt  }
0x77: {  	_ =	shalt  }
0x78: {  	_ =	shalt  }
0x79: {  	_ =	shalt  }
0x7a: {  	_ =	shalt  }
0x7b: {  	_ =	shalt  }
0x7c: {  	_ =	shalt  }
0x7d: {  	_ =	shalt  }
0x7e: {  	_ =	shalt  }
0x7f: {  	_ =	shalt  }
0x80: {  	_ =	shalt  }
0x81: {  	_ =	shalt  }
0x82: {  	_ =	shalt  }
0x83: {  	_ =	shalt  }
0x84: {  	_ =	shalt  }
0x85: {  	_ =	shalt  }
0x86: {  	_ =	shalt  }
0x87: {  	_ =	shalt  }
.Lfunc_end0:
.L_simem_size_0:
called_computation.2_lowered:
.L_overlay_start_0:
0x88: {  	s2 =	sld [smem:$0x3FD9]  }
0x89: {  	s3 =	sld [smem:$0x3FFE];
	_ =	sdelay $0x1  }
0x8a: {  	s1 =	srdreg.scid  }
0x8b: {  	s0 =	sand.u32 $0x1, s1  }
0x8c: {  	s17 =	sshll.u32 s0, $0xA;
	s2 =	sadd.s32 s3, s2  }
0x8d: {  	s2 =	sadd.s32 s2, s17  }
0x8e: {  	[smem:$0x3FC2] =	sst s2  }
0x8f: {  	_ = 	snop  }
0x90: {  	s2 =	sld [smem:$0x3FD0];
	(tm) =	ssettm $0x1  }
0x91: {  	s18 =	sld [smem:$0x3FFB];
	_ =	sdelay $0x3  }
0x92: {  	_ =	strace s18  }
0x93: {  	s3 =	sld [smem:$0x3FFC];
	_ =	sdelay $0x3  }
0x94: {  	_ =	strace s3  }
0x95: {  	s3 =	sld [smem:$0x3FFD];
	_ =	sdelay $0x3  }
0x96: {  	_ =	strace s3  }
0x97: {  	_ =	strace $0x8FFFFFFF  }
0x98: {  	s19 =	sld [smem:$0x3FDB];
	_ =	sdelay $0x1  }
0x99: {  	s4 =	simm.s32 $_scs_section_size  }
0x9a: {  	s5 =	simm.s32 $_size__tile_overlayer_lowered;
	s6 =	simm.s32 $_tile_overlayer_lowered  }
0x9b: {  	s22 =	simm.s32 $0x1BFF;
	s21 =	sshll.u32 s6, $0x1;
	s3 =	sadd.s32 s4, s19  }
0x9c: {  	s7 =	simm.s32 $0x0;
	s20 =	sshll.u32 s5, $0x1;
	s5 =	sadd.s32 s21, s3  }
0x9d: {  	[timem:s7], [sflag:s22] =	dma.local [hbm:s5], s20  }
0x9e: {  	_ =	swait.ge [sflag:s22], s20  }
0x9f: {  	s4 =	ssub.s32 $0x0, s20;
	[sflag:s22] =	ssyncset.done $0x0  }
0xa0: {  	[sflag:s22] =	ssyncadd.s32 s4;
	_ =	sdelay $0x1  }
0xa1: {  	s23 =	simm.s32 $0x1B8B  }
0xa2: {  	_ =	swait.ge [sflag:s23], $0x1  }
0xa3: {  	[sflag:s23] =	ssyncset.done $0x0  }
0xa4: {  	s25 =	simm.s32 $0x1B8E;
	s24 =	sld [smem:$0x3FFE];
	[sflag:s23] =	ssyncadd.s32 $0xFFFFFFFF  }
0xa5: {  	s26 =	simm.s32 $execute0_lowered;
	[smem:$0x3FD2] =	sst s25  }
0xa6: {  	s5 =	sshll.u32 s26, $0x1;
	_ =	strace $0x8000004C;
	[dreg:$0x1] =	wrdreg $0xFFFFFFFF  }
0xa7: {  	s28 =	simm.s32 $_size_execute0_lowered;
	s3 =	sadd.s32 s3, s5;
	[dreg:$0x0] =	wrdreg $0x0  }
0xa8: {  	s5 =	sshll.u32 s28, $0x1;
	[dreg:$0x2] =	wrdreg s3  }
0xa9: {  	[dreg:$0x3] =	wrdreg s5  }
0xaa: {  	[dreg:$0x4] =	wrdreg $0xC0  }
0xab: {  	_ =	task [dreg:s7], $0x5FFFF  }
0xac: {  	[dreg:$0x1] =	wrdreg $0xFFFFFFFF  }
0xad: {  	[dreg:$0x0] =	wrdreg $0x60  }
0xae: {  	[dreg:$0x2] =	wrdreg s24  }
0xaf: {  	[dreg:$0x3] =	wrdreg s2  }
0xb0: {  	[dreg:$0x4] =	wrdreg $0xCF000  }
0xb1: {  	[dreg:$0x5] =	wrdreg $0x9  }
0xb2: {  	_ =	task.clear_ibuf [dreg:s7], $0x6FFFF;
	_ =	strace $0x9000004C  }
0xb3: {  	s29 =	simm.s32 $0x9;
	_ =	strace $0x8000004E  }
0xb4: {  	_ =	swait.ge [sflag:s29], $0x1  }
0xb5: {  	[sflag:s29] =	ssyncadd.s32 $0xFFFFFFFF  }
0xb6: {  	_ =	strace $0x9000004E  }
0xb7: {  	_ =	sfence  }
0xb8: {  	s30 =	sld [smem:$0x0];
	_ =	sdelay $0x2  }
0xb9: {  	s31 =	sshll.u32 s1, $0xD;
	s1 =	sshrl.u32 s1, $0x2  }
0xba: {  	s3 =	sand.u32 $0x4000, s31;
	s1 =	sadd.s32 s1, s30  }
0xbb: {  	s0 =	sor.u32 s3, s0;
	s1 =	sshll.u32 s1, $0x11  }
0xbc: {  	s0 =	sor.u32 s1, s0  }
0xbd: {  	s0 =	sadd.s32 $0x8F2B, s0  }
0xbe: {  	[sflag:s0] =	ssyncadd.remote.s32 $0x1  }
0xbf: {  	_ =	sfence.sel $0xFFFF  }
0xc0: {  	[dreg:$0x0] =	wrdreg $0xFFFFFFFF;
	(pc) =	sbr.abs _section_cstart, $3  }
0xc1: {  	[dreg:$0x1] =	wrdreg $0xFFFFFFFF  }
0xc2: {  	_ =	task.clear_ibuf [dreg:s7], $0x2FFFF;
	_ =	strace $0x9FFFFFFF  }
0xc3: {  	(tm) =	ssettm $0x7FFFFFFF  }
tec
execute0_lowered:
.L_overlay_start_1:
0x0: {  	(tag) =	ssettag $0x1  }
0x1: {  	s0 =	rddreg [dreg:$0x0]  }
0x2: {  	s3 =	rddreg [dreg:$0x1]  }
0x3: {  	s1 =	rddreg [dreg:$0x2];
	s2 =	simm.s32 $0x0  }
0x4: {  	s5 =	srdreg.scid;
	s18 =	stileid.u32;
	s17 =	simm.s32 $0x51400  }
0x5: {  	s19 =	simm.s32 $0x6F00;
	s21 =	simm.s32 $0x8F00;
	s23 =	simm.s32 $0xAF00  }
0x6: {  	s24 =	simm.s32 $0x1;
	s25 =	simm.s32 $0x2;
	s28 =	simm.s32 $0x4  }
0x7: {  	s29 =	simm.s32 $0x5;
	s30 =	simm.s32 $0x6;
	s31 =	simm.s32 $0x7  }
0x8: {  	s22 =	simm.s32 $0x0;
	[smem:$0x7FF] =	sst s2;
	s4 =	sadd.s32 $0x3DA00, s0  }
0x9: {  	s10 =	sadd.s32 $0xCA00, s0;
	s9 =	sand.u32 $0x1, s5;
	s6 =	sshll.u32 s18, $0x1  }
0xa: {  	s7 =	smul.u32 $0x9E00, s18;
	s11 =	sadd.s32 $0x2C00, s0;
	_ =	strace $0x8000004D  }
0xb: {  	s5 =	ssub.s32 $0x2, s9;
	s12 =	sor.u32 s9, s6;
	s6 =	sshll.u32 s18, $0x6  }
0xc: {  	p0 =	seq.s32 s9, $0x1;
	s8 =	sshrl.u32 s5, $0x1;
	s14 =	sshrl.u32 s7, $0x3  }
0xd: {  	s15 =	smul.u32 $0x4E0, s12;
	s16 =	sadd.s32 s7, s1;
	s7 =	sor.u32 $0x1C01, s6  }
0xe: {  	s26 =	sshll.u32 s12, $0x4;
	s17 =	simm.s32 @!p0 $0x65000;
	p0 =	sgt.u32 s18, $0x1  }
0xf: {  	s18 =	simm.s32 $0x4F00;
	s13 =	ssub.s32 s5, s8;
	s3 =	sadd.s32 s3, s14  }
0x10: {  	s0 =	sadd.s32 s17, s0;
	s17 =	simm.s32 $0x80;
	[dreg:$0x4] =	wrdreg s3  }
0x11: {  	s8 =	sadd.s32 s10, s15;
	s3 =	sor.u32 $0x9C00, s26;
	s9 =	sadd.s32 s11, s15  }
0x12: {  	s12 =	smax.u32 s13, $0x1;
	s13 =	sadd.s32 s0, s14;
	s14 =	sshrl.u32 s16, $0x3  }
0x13: {  	s15 =	simm.s32 $0xA;
	s26 =	simm.s32 $0x3;
	s0 =	simm.s32 $0x8  }
0x14: {  	s10 =	sadd.s32 s10, s3;
	s11 =	sadd.s32 s11, s3;
	s3 =	simm.s32 $0x9  }
.LBB2_1:
0x15: {  	s5 =	rddreg [dreg:$0x4]  }
0x16: {  	[spmem:s14], [sflag:s7] =	dma.local [hbm:s5], $0x13C0  }
0x17: {  	[tilespmem:s2], [sflag:$0xA] =	stream.linear.gather [hbm4b:s8+s2], $0x2700, $0x38;
	[tilespmem:$0x16D00] =	vst v63  }
0x18: {  	_ =	swait.ge [sflag:s15], $0x2700  }
0x19: {  	[sflag:s15] =	ssyncset.done $0x0  }
0x1a: {  	s16 =	simm.s32 $0x2780;
	[sflag:s15] =	ssyncadd.s32 $0xFFFFD900  }
0x1b: {  	[tilespmem:s16], [sflag:$0xA] =	stream.linear.gather [hbm4b:s9+s2], $0x2700, $0x38;
	[tilespmem:$0x16D00] =	vst v63  }
0x1c: {  	_ =	swait.ge [sflag:s15], $0x2700  }
0x1d: {  	[sflag:s15] =	ssyncset.done $0x0  }
0x1e: {  	s20 =	simm.s32 @!p0 $0x2700;
	s16 =	simm.s32 @!p0 $0x0;
	[sflag:s15] =	ssyncadd.s32 $0xFFFFD900  }
0x1f: {  	[tilespmem:s20], [sflag:$0xA] =	stream.linear.gather @!p0 [hbm4b:s10+s16], $0x80, $0x38;
	[tilespmem:$0x16D00] =	vst v63  }
0x20: {  	s20 =	simm.s32 @!p0 $0xA  }
0x21: {  	_ =	swait.ge @!p0 [sflag:s20], $0x80  }
0x22: {  	[sflag:s20] =	ssyncset.done @!p0 $0x0  }
0x23: {  	s5 =	simm.s32 @!p0 $0x4E80;
	[sflag:s20] =	ssyncadd.s32 @!p0 $0xFFFFFF80  }
0x24: {  	[tilespmem:s5], [sflag:$0xA] =	stream.linear.gather @!p0 [hbm4b:s11+s16], $0x80, $0x38;
	[tilespmem:$0x16D00] =	vst v63  }
0x25: {  	_ =	swait.ge @!p0 [sflag:s20], $0x80  }
0x26: {  	[sflag:s20] =	ssyncset.done @!p0 $0x0  }
0x27: {  	[sflag:s20] =	ssyncadd.s32 @!p0 $0xFFFFFF80  }
0x28: {  	[tilespmem:s18], [sflag:$0x2] =	stream.indirect.gather [hbm4b:s4+s17], $0x40, s2, s17, $0xb8;
	[tilespmem:$0x16D00] =	vst v63  }
0x29: {  	_ = 	snop  }
0x2a: {  	[tilespmem:s19], [sflag:$0x3] =	stream.indirect.gather [hbm4b:s4+s17], $0x40, s17, s17, $0xb8;
	[tilespmem:$0x16D00] =	vst v63  }
0x2b: {  	s20 =	simm.s32 $0x100  }
0x2c: {  	[tilespmem:s21], [sflag:$0x4] =	stream.indirect.gather [hbm4b:s4+s17], $0x40, s20, s17, $0xb8;
	[tilespmem:$0x16D00] =	vst v63  }
0x2d: {  	s16 =	simm.s32 $0x180  }
0x2e: {  	[tilespmem:s23], [sflag:$0x5] =	stream.indirect.gather [hbm4b:s4+s17], $0x40, s16, s17, $0xb8;
	[tilespmem:$0x16D00] =	vst v63  }
0x2f: {  	_ =	swait.ge [sflag:s24], $0x13C0  }
0x30: {  	[sflag:s24] =	ssyncset.done $0x0  }
0x31: {  	[sflag:s24] =	ssyncadd.s32 $0xFFFFEC40  }
0x32: {  	[bflag:$0x0] =	sbarrier.arrive $0xFFFF  }
0x33: {  	_ =	swait.ge [sflag:s25], $0x2000  }
0x34: {  	[sflag:s25] =	ssyncset.done $0x0  }
0x35: {  	s20 =	simm.s32 $0x2780;
	[sflag:s25] =	ssyncadd.s32 $0xFFFFE000  }
0x36: {  	[spmem:s1] =	stream.indirect.scatter.add.f32 [tilespmem:s18], [sflag:$0x6], $0x40, s20, s17, $0xb8;
	[tilespmem:$0x16D00] =	vst v63  }
0x37: {  	_ =	swait.ge [sflag:s26], $0x2000  }
0x38: {  	[sflag:s26] =	ssyncset.done $0x0  }
0x39: {  	s16 =	simm.s32 $0x2800;
	[sflag:s26] =	ssyncadd.s32 $0xFFFFE000  }
0x3a: {  	[spmem:s1] =	stream.indirect.scatter.add.f32 [tilespmem:s19], [sflag:$0x7], $0x40, s16, s17, $0xb8;
	[tilespmem:$0x16D00] =	vst v63  }
0x3b: {  	_ =	swait.ge [sflag:s28], $0x2000  }
0x3c: {  	[sflag:s28] =	ssyncset.done $0x0  }
0x3d: {  	s20 =	simm.s32 $0x2880;
	[sflag:s28] =	ssyncadd.s32 $0xFFFFE000  }
0x3e: {  	[spmem:s1] =	stream.indirect.scatter.add.f32 [tilespmem:s21], [sflag:$0x8], $0x40, s20, s17, $0xb8;
	[tilespmem:$0x16D00] =	vst v63  }
0x3f: {  	_ =	swait.ge [sflag:s29], $0x2000  }
0x40: {  	[sflag:s29] =	ssyncset.done $0x0  }
0x41: {  	s16 =	simm.s32 $0x2900;
	[sflag:s29] =	ssyncadd.s32 $0xFFFFE000  }
0x42: {  	[spmem:s1] =	stream.indirect.scatter.add.f32 [tilespmem:s23], [sflag:$0x9], $0x40, s16, s17, $0xb8;
	[tilespmem:$0x16D00] =	vst v63  }
0x43: {  	_ =	swait.ge [sflag:s30], $0x2000  }
0x44: {  	[sflag:s30] =	ssyncset.done $0x0  }
0x45: {  	s20 =	simm.s32 $0x200;
	[sflag:s30] =	ssyncadd.s32 $0xFFFFE000  }
0x46: {  	[tilespmem:s18], [sflag:$0x2] =	stream.indirect.gather [hbm4b:s4+s17], $0x40, s20, s17, $0xb8;
	[tilespmem:$0x16D00] =	vst v63  }
0x47: {  	_ =	swait.ge [sflag:s31], $0x2000  }
0x48: {  	[sflag:s31] =	ssyncset.done $0x0  }
0x49: {  	s16 =	simm.s32 $0x280;
	[sflag:s31] =	ssyncadd.s32 $0xFFFFE000  }
0x4a: {  	[tilespmem:s19], [sflag:$0x3] =	stream.indirect.gather [hbm4b:s4+s17], $0x40, s16, s17, $0xb8;
	[tilespmem:$0x16D00] =	vst v63  }
0x4b: {  	_ =	swait.ge [sflag:s0], $0x2000  }
0x4c: {  	[sflag:s0] =	ssyncset.done $0x0  }
0x4d: {  	s20 =	simm.s32 $0x300;
	[sflag:s0] =	ssyncadd.s32 $0xFFFFE000  }
0x4e: {  	[tilespmem:s21], [sflag:$0x4] =	stream.indirect.gather [hbm4b:s4+s17], $0x40, s20, s17, $0xb8;
	[tilespmem:$0x16D00] =	vst v63  }
0x4f: {  	_ =	swait.ge [sflag:s3], $0x2000  }
0x50: {  	[sflag:s3] =	ssyncset.done $0x0  }
0x51: {  	s16 =	simm.s32 $0x800;
	s20 =	simm.s32 $0x380;
	[sflag:s3] =	ssyncadd.s32 $0xFFFFE000  }
.LBB2_2:
0x52: {  	[tilespmem:s23], [sflag:$0x5] =	stream.indirect.gather [hbm4b:s4+s17], $0x40, s20, s17, $0xb8;
	[tilespmem:$0x16D00] =	vst v63  }
0x53: {  	s5 =	smov.u32 s16  }
0x54: {  	p1 =	sne.s32 s16, $0x8800;
	s16 =	sadd.s32 $0x800, s16;
	_ =	swait.ge [sflag:s25], $0x2000  }
0x55: {  	s20 =	sshra.s32 s5, $0x2;
	[sflag:s25] =	ssyncset.done $0x0  }
0x56: {  	s5 =	sadd.s32 $0x2780, s20;
	[sflag:s25] =	ssyncadd.s32 $0xFFFFE000  }
0x57: {  	[spmem:s1] =	stream.indirect.scatter.add.f32 [tilespmem:s18], [sflag:$0x6], $0x40, s5, s17, $0xb8;
	[tilespmem:$0x16D00] =	vst v63  }
0x58: {  	_ =	swait.ge [sflag:s26], $0x2000  }
0x59: {  	[sflag:s26] =	ssyncset.done $0x0  }
0x5a: {  	s5 =	sadd.s32 $0x2800, s20;
	[sflag:s26] =	ssyncadd.s32 $0xFFFFE000  }
0x5b: {  	[spmem:s1] =	stream.indirect.scatter.add.f32 [tilespmem:s19], [sflag:$0x7], $0x40, s5, s17, $0xb8;
	[tilespmem:$0x16D00] =	vst v63  }
0x5c: {  	_ =	swait.ge [sflag:s28], $0x2000  }
0x5d: {  	[sflag:s28] =	ssyncset.done $0x0  }
0x5e: {  	s5 =	sadd.s32 $0x2880, s20;
	[sflag:s28] =	ssyncadd.s32 $0xFFFFE000  }
0x5f: {  	[spmem:s1] =	stream.indirect.scatter.add.f32 [tilespmem:s21], [sflag:$0x8], $0x40, s5, s17, $0xb8;
	[tilespmem:$0x16D00] =	vst v63  }
0x60: {  	_ =	swait.ge [sflag:s29], $0x2000  }
0x61: {  	[sflag:s29] =	ssyncset.done $0x0  }
0x62: {  	s5 =	sadd.s32 $0x2900, s20;
	[sflag:s29] =	ssyncadd.s32 $0xFFFFE000  }
0x63: {  	[spmem:s1] =	stream.indirect.scatter.add.f32 [tilespmem:s23], [sflag:$0x9], $0x40, s5, s17, $0xb8;
	[tilespmem:$0x16D00] =	vst v63  }
0x64: {  	_ =	swait.ge [sflag:s30], $0x2000  }
0x65: {  	[sflag:s30] =	ssyncset.done $0x0  }
0x66: {  	s5 =	sadd.s32 $0x200, s20;
	[sflag:s30] =	ssyncadd.s32 $0xFFFFE000  }
0x67: {  	[tilespmem:s18], [sflag:$0x2] =	stream.indirect.gather [hbm4b:s4+s17], $0x40, s5, s17, $0xb8;
	[tilespmem:$0x16D00] =	vst v63  }
0x68: {  	_ =	swait.ge [sflag:s31], $0x2000  }
0x69: {  	[sflag:s31] =	ssyncset.done $0x0  }
0x6a: {  	s5 =	sadd.s32 $0x280, s20;
	[sflag:s31] =	ssyncadd.s32 $0xFFFFE000  }
0x6b: {  	[tilespmem:s19], [sflag:$0x3] =	stream.indirect.gather [hbm4b:s4+s17], $0x40, s5, s17, $0xb8;
	[tilespmem:$0x16D00] =	vst v63  }
0x6c: {  	_ =	swait.ge [sflag:s0], $0x2000  }
0x6d: {  	[sflag:s0] =	ssyncset.done $0x0  }
.Ltmp0:
0x6e: {  	s5 =	sadd.s32 $0x300, s20;
	[sflag:s0] =	ssyncadd.s32 $0xFFFFE000;
	(pc) =	sbr.rel @p1 .LBB2_2-.Ltmp0, $4  }
0x6f: {  	[tilespmem:s21], [sflag:$0x4] =	stream.indirect.gather [hbm4b:s4+s17], $0x40, s5, s17, $0xb8;
	[tilespmem:$0x16D00] =	vst v63  }
0x70: {  	_ =	swait.ge [sflag:s3], $0x2000  }
0x71: {  	[sflag:s3] =	ssyncset.done $0x0  }
0x72: {  	s20 =	sadd.s32 $0x380, s20;
	[sflag:s3] =	ssyncadd.s32 $0xFFFFE000  }
0x73: {  	[tilespmem:s23], [sflag:$0x5] =	stream.indirect.gather [hbm4b:s4+s17], $0x40, s20, s17, $0xb8;
	[tilespmem:$0x16D00] =	vst v63  }
0x74: {  	_ =	swait.ge [sflag:s25], $0x2000  }
0x75: {  	[sflag:s25] =	ssyncset.done $0x0  }
0x76: {  	s5 =	simm.s32 $0x4B80;
	[sflag:s25] =	ssyncadd.s32 $0xFFFFE000  }
0x77: {  	[spmem:s1] =	stream.indirect.scatter.add.f32 [tilespmem:s18], [sflag:$0x6], $0x40, s5, s17, $0xb8;
	[tilespmem:$0x16D00] =	vst v63  }
0x78: {  	_ =	swait.ge [sflag:s26], $0x2000  }
0x79: {  	[sflag:s26] =	ssyncset.done $0x0  }
0x7a: {  	s16 =	simm.s32 $0x4C00;
	[sflag:s26] =	ssyncadd.s32 $0xFFFFE000  }
0x7b: {  	[spmem:s1] =	stream.indirect.scatter.add.f32 [tilespmem:s19], [sflag:$0x7], $0x40, s16, s17, $0xb8;
	[tilespmem:$0x16D00] =	vst v63  }
0x7c: {  	_ =	swait.ge [sflag:s28], $0x2000  }
0x7d: {  	[sflag:s28] =	ssyncset.done $0x0  }
0x7e: {  	s20 =	simm.s32 $0x4C80;
	[sflag:s28] =	ssyncadd.s32 $0xFFFFE000  }
0x7f: {  	[spmem:s1] =	stream.indirect.scatter.add.f32 [tilespmem:s21], [sflag:$0x8], $0x40, s20, s17, $0xb8;
	[tilespmem:$0x16D00] =	vst v63  }
0x80: {  	_ =	swait.ge [sflag:s29], $0x2000  }
0x81: {  	[sflag:s29] =	ssyncset.done $0x0  }
0x82: {  	s16 =	simm.s32 $0x4D00;
	[sflag:s29] =	ssyncadd.s32 $0xFFFFE000  }
0x83: {  	[spmem:s1] =	stream.indirect.scatter.add.f32 [tilespmem:s23], [sflag:$0x9], $0x40, s16, s17, $0xb8;
	[tilespmem:$0x16D00] =	vst v63  }
0x84: {  	_ =	swait.ge [sflag:s30], $0x2000  }
0x85: {  	[sflag:s30] =	ssyncset.done $0x0  }
0x86: {  	[sflag:s30] =	ssyncadd.s32 $0xFFFFE000  }
0x87: {  	_ =	swait.ge [sflag:s31], $0x2000  }
0x88: {  	[sflag:s31] =	ssyncset.done $0x0  }
0x89: {  	[sflag:s31] =	ssyncadd.s32 $0xFFFFE000  }
0x8a: {  	_ =	swait.ge [sflag:s0], $0x2000  }
0x8b: {  	[sflag:s0] =	ssyncset.done $0x0  }
0x8c: {  	[sflag:s0] =	ssyncadd.s32 $0xFFFFE000  }
0x8d: {  	_ =	swait.ge [sflag:s3], $0x2000  }
0x8e: {  	[sflag:s3] =	ssyncset.done $0x0  }
0x8f: {  	s20 =	simm.s32 $0x2600;
	[sflag:s3] =	ssyncadd.s32 $0xFFFFE000  }
0x90: {  	[tilespmem:s18], [sflag:$0x2] =	stream.indirect.gather [hbm4b:s4+s17], $0x40, s20, s17, $0xb8;
	[tilespmem:$0x16D00] =	vst v63  }
0x91: {  	s16 =	simm.s32 $0x2680  }
0x92: {  	[tilespmem:s19], [sflag:$0x3] =	stream.indirect.gather [hbm4b:s4+s17], $0x40, s16, s17, $0xb8;
	[tilespmem:$0x16D00] =	vst v63  }
0x93: {  	_ =	swait.ge [sflag:s25], $0x2000  }
0x94: {  	[sflag:s25] =	ssyncset.done $0x0  }
0x95: {  	s20 =	simm.s32 $0x4D80;
	[sflag:s25] =	ssyncadd.s32 $0xFFFFE000  }
0x96: {  	[spmem:s1] =	stream.indirect.scatter.add.f32 [tilespmem:s18], [sflag:$0xA], $0x40, s20, s17, $0xb8;
	[tilespmem:$0x16D00] =	vst v63  }
0x97: {  	_ =	swait.ge [sflag:s15], $0x2000  }
0x98: {  	[sflag:s15] =	ssyncset.done $0x0  }
0x99: {  	[sflag:s15] =	ssyncadd.s32 $0xFFFFE000  }
0x9a: {  	_ =	swait.ge [sflag:s26], $0x2000  }
0x9b: {  	[sflag:s26] =	ssyncset.done $0x0  }
0x9c: {  	s16 =	simm.s32 $0x4E00;
	[sflag:s26] =	ssyncadd.s32 $0xFFFFE000  }
0x9d: {  	[spmem:s1] =	stream.indirect.scatter.add.f32 [tilespmem:s19], [sflag:$0xA], $0x40, s16, s17, $0xb8;
	[tilespmem:$0x16D00] =	vst v63  }
0x9e: {  	_ =	swait.ge [sflag:s15], $0x2000  }
0x9f: {  	s5 =	simm.s32 @!p0 $0x80;
	[sflag:s15] =	ssyncset.done $0x0  }
0xa0: {  	s20 =	simm.s32 @!p0 $0x4F00;
	s16 =	simm.s32 @!p0 $0x2700;
	[sflag:s15] =	ssyncadd.s32 $0xFFFFE000  }
0xa1: {  	[tilespmem:s20], [sflag:$0x2] =	stream.indirect.gather @!p0 [hbm4b:s4+s5], $0x40, s16, s5, $0xb8;
	[tilespmem:$0x16D00] =	vst v63  }
0xa2: {  	s16 =	simm.s32 @!p0 $0x2  }
0xa3: {  	_ =	swait.ge @!p0 [sflag:s16], $0x2000  }
0xa4: {  	[sflag:s16] =	ssyncset.done @!p0 $0x0  }
0xa5: {  	[sflag:s16] =	ssyncadd.s32 @!p0 $0xFFFFE000;
	s16 =	simm.s32 @!p0 $0x4E80  }
0xa6: {  	[spmem:s1] =	stream.indirect.scatter.add.f32 @!p0 [tilespmem:s20], [sflag:$0xA], $0x40, s16, s5, $0xb8;
	[tilespmem:$0x16D00] =	vst v63  }
0xa7: {  	s5 =	simm.s32 @!p0 $0xA  }
0xa8: {  	_ =	swait.ge @!p0 [sflag:s5], $0x2000  }
0xa9: {  	s22 =	sadd.s32 $0x1, s22;
	[sflag:s5] =	ssyncset.done @!p0 $0x0  }
0xaa: {  	p1 =	sne.s32 s22, s12;
	[sflag:s5] =	ssyncadd.s32 @!p0 $0xFFFFE000  }
.Ltmp1:
0xab: {  	s20 =	sor.u32 $0x1C0A, s6;
	[bflag:$0x0] =	sbarrier.arrive $0xFFFF;
	(pc) =	sbr.rel @p1 .LBB2_1-.Ltmp1, $4  }
0xac: {  	[hbm:s13], [sflag:s20] =	dma.local [spmem:s14], $0x13C0  }
0xad: {  	_ =	swait.ge [sflag:s15], $0x13C0  }
0xae: {  	[sflag:s15] =	ssyncset.done $0x0  }
0xaf: {  	[sflag:s15] =	ssyncadd.s32 $0xFFFFEC40  }
0xb0: {  	_ =	sfence.sel $0x180000  }
0xb1: {  	[bflag:$0x0] =	sbarrier.arrive $0xFFFF  }
0xb2: {  	_ =	strace $0x9000004D  }
0xb3: {  	s0 =	stileid.u32;
	[bflag:$0x2] =	sbarrier.arrive $0xFFFF  }
0xb4: {  	p0 =	sne.s32 s0, $0x0;
	s0 =	rddreg [dreg:$0x3]  }
0xb5: {  	s0 =	sadd.s32 @!p0 $0x100000, s0  }
0xb6: {  	[sflag:s0] =	ssyncadd.tile.s32 @!p0 $0x1;
	_ =	shalt  }
.Lfunc_end2:
_tile_overlayer_lowered:
.L_overlay_start_2:
0xb7: {  	(tag) =	ssettag $0x2  }
0xb8: {  	s0 =	rddreg [dreg:$0x0];
	s2 =	stileid.u32  }
0xb9: {  	s1 =	rddreg [dreg:$0x1];
	p0 =	sne.s32 s2, $0x0  }
0xba: {  	s3 =	rddreg [dreg:$0x2];
	[bflag:$0x3] =	sbarrier.arrive $0xFFFF;
	s2 =	simm.s32 @!p0 $0x1C0A  }
0xbb: {  	[timem:s3], [sflag:s2] =	dma.local @!p0 [hbm:s0], s1  }
0xbc: {  	s0 =	simm.s32 @!p0 $0xA  }
0xbd: {  	_ =	swait.ge @!p0 [sflag:s0], s1  }
0xbe: {  	s1 =	ssub.s32 @!p0 $0x0, s1;
	[sflag:s0] =	ssyncset.done @!p0 $0x0  }
0xbf: {  	[sflag:s0] =	ssyncadd.s32 @!p0 s1  }
0xc0: {  	[bflag:$0x3] =	sbarrier.arrive $0xFFFF  }
0xc1: {  	_ =	shalt  }

// kernel: sc_segsum_d80.3.cloned.1.call-start
scs
__scs_entry_jumppad:
0x0: {  	(pc) =	sbr.rel $0x88, $3  }
0x1: {  	(tag) =	ssettag $0x0;
	lr =	simm.s32 $0x1  }
0x2: {  	[smem:$0x3F9B] =	sst lr;
	_ =	strace $0xD0000000  }
0x3: {  	_ = 	snop  }
0x4: {  	_ = 	snop  }
0x5: {  	_ = 	snop  }
0x6: {  	_ = 	snop  }
0x7: {  	_ = 	snop  }
__scs_overlays_trampoline_lowered:
0x8: {  	[smem:$0x3FAA] =	sst s0  }
0x9: {  	[smem:$0x3FAB] =	sst s1  }
0xa: {  	[smem:$0x3FAC] =	sst s2  }
0xb: {  	[smem:$0x3FAD] =	sst s3  }
0xc: {  	[smem:$0x3FAE] =	sst s4  }
0xd: {  	[smem:$0x3FAF] =	sst s5  }
0xe: {  	[smem:$0x3FB0] =	sst s6  }
0xf: {  	[smem:$0x3FB1] =	sst s7  }
0x10: {  	[smem:$0x3FB2] =	sst s8  }
0x11: {  	[smem:$0x3FB3] =	sst s9;
	s0 =	simm.s32 @!p0 $0x0  }
0x12: {  	s1 =	sld [smem:$0x3F99];
	s0 =	simm.s32 @p0 $0x1  }
0x13: {  	[smem:$0x3FB4] =	sst s0;
	s0 =	simm.s32 @!p1 $0x0  }
0x14: {  	s2 =	sld [smem:$0x3F98];
	s0 =	simm.s32 @p1 $0x1  }
0x15: {  	[smem:$0x3FB5] =	sst s0;
	s0 =	simm.s32 @!p2 $0x0  }
0x16: {  	s3 =	sld [smem:$0x3FDB];
	s0 =	simm.s32 @p2 $0x1  }
0x17: {  	s4 =	simm.s32 $0x1BF5;
	[smem:$0x3FB7] =	sst s0  }
0x18: {  	s0 =	sld [smem:$0x3F9A];
	_ =	swait.ge [sflag:s4], $0x0  }
0x19: {  	s7 =	sld [smem:$0x3F9B]  }
0x1a: {  	s8 =	sadd.s32 $0xFFFFE003, lr  }
0x1b: {  	s9 =	sadd.s32 $0xFFFFFEF7, lr;
	s5 =	simm.s32 $0xFFFFFFFF;
	p2 =	slt.u32 s8, $0xFFFFF086  }
0x1c: {  	p1 =	slt.u32 s9, $0xF7A;
	s5 =	simm.s32 @!p2 $0x0  }
0x1d: {  	s5 =	simm.s32 @p1 $0x1;
	p0 =	seq.s32 s7, s2  }
0x1e: {  	s7 =	smul.u32 @!p0 $0xF7A, s2;
	p2 =	seq.s32 @!p0 s5, $0x0  }
0x1f: {  	s9 =	smul.u32 $0xF7A, s1;
	s8 =	simm.s32 @!p0 $0x1BF5;
	p2 =	por !p2, p0  }
0x20: {  	[sflag:s8] =	ssyncset.s32 @!p0 $0xFFFFF086;
	s6 =	sadd.s32 @!p0 s3, s7;
	s7 =	simm.s32 @!p0 $0x108  }
0x21: {  	s3 =	sadd.s32 s3, s9;
	s6 =	sadd.s32 @!p0 $0x88, s6;
	s7 =	simm.s32 @p2 $0x1082  }
0x22: {  	[simem:s7], [sflag:s8] =	dma.local @!p0 [hbm:s6], $0xF7A  }
0x23: {  	s9 =	sor.u32 $0xD0000000, s2;
	s6 =	simm.s32 $0x108;
	_ =	swait.ge @!p0 [sflag:s8], $0x0  }
0x24: {  	s3 =	sadd.s32 $0x88, s3;
	s6 =	simm.s32 @!p1 $0x1082;
	[sflag:s4] =	ssyncset.s32 $0xFFFFF086  }
0x25: {  	[simem:s6], [sflag:s4] =	dma.local [hbm:s3], $0xF7A  }
0x26: {  	[smem:$0x3F9B] =	sst s1;
	(tag) =	ssettag s2;
	_ =	strace s9  }
0x27: {  	s1 =	sld [smem:$0x3FAB]  }
0x28: {  	s2 =	sld [smem:$0x3FAC]  }
0x29: {  	s4 =	sld [smem:$0x3FAE]  }
0x2a: {  	p0 =	seq.s32 s5, $0x0;
	s5 =	sld [smem:$0x3FAF]  }
0x2b: {  	s6 =	sld [smem:$0x3FB0]  }
0x2c: {  	s7 =	sld [smem:$0x3FB1]  }
0x2d: {  	s3 =	simm.s32 $0x108;
	s8 =	sld [smem:$0x3FB2]  }
0x2e: {  	s3 =	simm.s32 @!p0 $0x1082;
	s9 =	sld [smem:$0x3FB3]  }
0x2f: {  	lr =	sadd.s32 s0, s3;
	s0 =	sld [smem:$0x3FAA]  }
0x30: {  	s3 =	sld [smem:$0x3FAD]  }
0x31: {  	[smem:$0x3FB6] =	sst s10  }
0x32: {  	s10 =	sld [smem:$0x3FB4];
	_ =	sdelay $0x3  }
0x33: {  	p0 =	seq.s32 s10, $0x1;
	s10 =	sld [smem:$0x3FB6];
	_ =	sdelay $0x3  }
0x34: {  	[smem:$0x3FB6] =	sst s10  }
0x35: {  	s10 =	sld [smem:$0x3FB5];
	_ =	sdelay $0x3  }
0x36: {  	p1 =	seq.s32 s10, $0x1;
	s10 =	sld [smem:$0x3FB6];
	_ =	sdelay $0x3  }
0x37: {  	[smem:$0x3FB6] =	sst s10  }
0x38: {  	s10 =	sld [smem:$0x3FB7]  }
0x39: {  	_ = 	snop;
	(pc) =	sbr.ind lr, $3  }
0x3a: {  	_ = 	snop  }
0x3b: {  	_ = 	snop  }
0x3c: {  	p2 =	seq.s32 s10, $0x1;
	s10 =	sld [smem:$0x3FB6]  }
0x3d: {  	_ =	shalt  }
0x3e: {  	_ =	shalt  }
0x3f: {  	_ =	shalt  }
0x40: {  	_ =	shalt  }
0x41: {  	_ =	shalt  }
0x42: {  	_ =	shalt  }
0x43: {  	_ =	shalt  }
0x44: {  	_ =	shalt  }
0x45: {  	_ =	shalt  }
0x46: {  	_ =	shalt  }
0x47: {  	_ =	shalt  }
0x48: {  	_ =	shalt  }
0x49: {  	_ =	shalt  }
0x4a: {  	_ =	shalt  }
0x4b: {  	_ =	shalt  }
0x4c: {  	_ =	shalt  }
0x4d: {  	_ =	shalt  }
0x4e: {  	_ =	shalt  }
0x4f: {  	_ =	shalt  }
0x50: {  	_ =	shalt  }
0x51: {  	_ =	shalt  }
0x52: {  	_ =	shalt  }
0x53: {  	_ =	shalt  }
0x54: {  	_ =	shalt  }
0x55: {  	_ =	shalt  }
0x56: {  	_ =	shalt  }
0x57: {  	_ =	shalt  }
0x58: {  	_ =	shalt  }
0x59: {  	_ =	shalt  }
0x5a: {  	_ =	shalt  }
0x5b: {  	_ =	shalt  }
0x5c: {  	_ =	shalt  }
0x5d: {  	_ =	shalt  }
0x5e: {  	_ =	shalt  }
0x5f: {  	_ =	shalt  }
0x60: {  	_ =	shalt  }
0x61: {  	_ =	shalt  }
0x62: {  	_ =	shalt  }
0x63: {  	_ =	shalt  }
0x64: {  	_ =	shalt  }
0x65: {  	_ =	shalt  }
0x66: {  	_ =	shalt  }
0x67: {  	_ =	shalt  }
0x68: {  	_ =	shalt  }
0x69: {  	_ =	shalt  }
0x6a: {  	_ =	shalt  }
0x6b: {  	_ =	shalt  }
0x6c: {  	_ =	shalt  }
0x6d: {  	_ =	shalt  }
0x6e: {  	_ =	shalt  }
0x6f: {  	_ =	shalt  }
0x70: {  	_ =	shalt  }
0x71: {  	_ =	shalt  }
0x72: {  	_ =	shalt  }
0x73: {  	_ =	shalt  }
0x74: {  	_ =	shalt  }
0x75: {  	_ =	shalt  }
0x76: {  	_ =	shalt  }
0x77: {  	_ =	shalt  }
0x78: {  	_ =	shalt  }
0x79: {  	_ =	shalt  }
0x7a: {  	_ =	shalt  }
0x7b: {  	_ =	shalt  }
0x7c: {  	_ =	shalt  }
0x7d: {  	_ =	shalt  }
0x7e: {  	_ =	shalt  }
0x7f: {  	_ =	shalt  }
0x80: {  	_ =	shalt  }
0x81: {  	_ =	shalt  }
0x82: {  	_ =	shalt  }
0x83: {  	_ =	shalt  }
0x84: {  	_ =	shalt  }
0x85: {  	_ =	shalt  }
0x86: {  	_ =	shalt  }
0x87: {  	_ =	shalt  }
.Lfunc_end0:
.L_simem_size_0:
called_computation_lowered:
.L_overlay_start_0:
0x88: {  	s2 =	sld [smem:$0x3FD9]  }
0x89: {  	s3 =	sld [smem:$0x3FFE];
	_ =	sdelay $0x1  }
0x8a: {  	s1 =	srdreg.scid  }
0x8b: {  	s0 =	sand.u32 $0x1, s1  }
0x8c: {  	s17 =	sshll.u32 s0, $0xA;
	s2 =	sadd.s32 s3, s2  }
0x8d: {  	s2 =	sadd.s32 s2, s17  }
0x8e: {  	[smem:$0x3FC2] =	sst s2  }
0x8f: {  	_ = 	snop  }
0x90: {  	(tm) =	ssettm $0x1  }
0x91: {  	s18 =	sld [smem:$0x3FFB];
	_ =	sdelay $0x3  }
0x92: {  	_ =	strace s18  }
0x93: {  	s2 =	sld [smem:$0x3FFC];
	_ =	sdelay $0x3  }
0x94: {  	_ =	strace s2  }
0x95: {  	s2 =	sld [smem:$0x3FFD];
	_ =	sdelay $0x3  }
0x96: {  	_ =	strace s2  }
0x97: {  	_ =	strace $0x8FFFFFFF  }
0x98: {  	s19 =	sld [smem:$0x3FDB];
	_ =	sdelay $0x1  }
0x99: {  	s20 =	simm.s32 $_scs_section_size  }
0x9a: {  	s4 =	simm.s32 $_size__tile_overlayer_lowered;
	s5 =	simm.s32 $_tile_overlayer_lowered  }
0x9b: {  	s6 =	simm.s32 $0x1BFF;
	s21 =	sshll.u32 s5, $0x1;
	s3 =	sadd.s32 s20, s19  }
0x9c: {  	s22 =	simm.s32 $0x0;
	s4 =	sshll.u32 s4, $0x1;
	s5 =	sadd.s32 s21, s3  }
0x9d: {  	[timem:s22], [sflag:s6] =	dma.local [hbm:s5], s4  }
0x9e: {  	_ =	swait.ge [sflag:s6], s4  }
0x9f: {  	s4 =	ssub.s32 $0x0, s4;
	[sflag:s6] =	ssyncset.done $0x0  }
0xa0: {  	[sflag:s6] =	ssyncadd.s32 s4;
	_ =	sdelay $0x1  }
0xa1: {  	s23 =	simm.s32 $0x1B8B  }
0xa2: {  	_ =	swait.ge [sflag:s23], $0x1  }
0xa3: {  	[sflag:s23] =	ssyncset.done $0x0  }
0xa4: {  	[sflag:s23] =	ssyncadd.s32 $0xFFFFFFFF  }
0xa5: {  	s4 =	sld [smem:$0x0]  }
0xa6: {  	s5 =	sand.u32 $0xFFFFFFFE, s1  }
0xa7: {  	p0 =	sne.s32 s1, s5  }
0xa8: {  	s5 =	sshll.u32 @p0 s5, $0xE  }
0xa9: {  	s5 =	sadd.s32 @p0 $0x11B8D, s5;
	s6 =	sshll.u32 @p0 s4, $0x11  }
0xaa: {  	s5 =	sor.u32 @p0 s6, s5  }
0xab: {  	[sflag:s5] =	ssyncadd.remote.s32 @p0 $0x1;
	_ =	sdelay $0x1  }
0xac: {  	s5 =	simm.s32 @p0 $0x1B8D  }
0xad: {  	_ =	swait.eq @p0 [sflag:s5], $0x1  }
0xae: {  	[sflag:s5] =	ssyncadd.s32 @p0 $0xFFFFFFFF  }
0xaf: {  	s6 =	sshll.u32 @!p0 s1, $0xE  }
0xb0: {  	s6 =	sor.u32 @!p0 $0x4000, s6;
	s5 =	simm.s32 @!p0 $0x1B8D  }
0xb1: {  	s4 =	sshll.u32 @!p0 s4, $0x11;
	s6 =	sadd.s32 @!p0 $0x11B8D, s6;
	_ =	swait.eq @!p0 [sflag:s5], $0x1  }
0xb2: {  	s4 =	sor.u32 @!p0 s4, s6;
	[sflag:s5] =	ssyncadd.s32 @!p0 $0xFFFFFFFF  }
0xb3: {  	s25 =	simm.s32 $0x1B8E;
	s24 =	sld [smem:$0x3FFE];
	[sflag:s4] =	ssyncadd.remote.s32 @!p0 $0x1  }
0xb4: {  	s26 =	simm.s32 $execute0_lowered;
	[smem:$0x3FD2] =	sst s25  }
0xb5: {  	s5 =	sshll.u32 s26, $0x1;
	_ =	strace $0x80000049;
	[dreg:$0x1] =	wrdreg $0xFFFFFFFF  }
0xb6: {  	s28 =	simm.s32 $_size_execute0_lowered;
	s3 =	sadd.s32 s3, s5;
	[dreg:$0x0] =	wrdreg $0x0  }
0xb7: {  	s5 =	sshll.u32 s28, $0x1;
	[dreg:$0x2] =	wrdreg s3  }
0xb8: {  	[dreg:$0x3] =	wrdreg s5  }
0xb9: {  	[dreg:$0x4] =	wrdreg $0xC0  }
0xba: {  	_ =	task [dreg:s22], $0x5FFFF  }
0xbb: {  	[dreg:$0x1] =	wrdreg $0xFFFFFFFF  }
0xbc: {  	[dreg:$0x0] =	wrdreg $0x60  }
0xbd: {  	[dreg:$0x2] =	wrdreg s24  }
0xbe: {  	[dreg:$0x3] =	wrdreg $0xEF000  }
0xbf: {  	[dreg:$0x4] =	wrdreg $0x9  }
0xc0: {  	_ =	task.clear_ibuf [dreg:s22], $0x5FFFF;
	_ =	strace $0x90000049  }
0xc1: {  	s29 =	simm.s32 $0x9;
	_ =	strace $0x8000004B  }
0xc2: {  	_ =	swait.ge [sflag:s29], $0x1  }
0xc3: {  	[sflag:s29] =	ssyncadd.s32 $0xFFFFFFFF  }
0xc4: {  	_ =	strace $0x9000004B  }
0xc5: {  	_ =	sfence  }
0xc6: {  	s30 =	sld [smem:$0x0];
	_ =	sdelay $0x2  }
0xc7: {  	s31 =	sshll.u32 s1, $0xD;
	s1 =	sshrl.u32 s1, $0x2  }
0xc8: {  	s4 =	sand.u32 $0x4000, s31;
	s1 =	sadd.s32 s1, s30  }
0xc9: {  	s0 =	sor.u32 s4, s0;
	s1 =	sshll.u32 s1, $0x11  }
0xca: {  	s0 =	sor.u32 s1, s0  }
0xcb: {  	s0 =	sadd.s32 $0x8F2B, s0  }
0xcc: {  	[sflag:s0] =	ssyncadd.remote.s32 $0x1  }
0xcd: {  	_ =	sfence.sel $0xFFFF  }
0xce: {  	[dreg:$0x0] =	wrdreg $0xFFFFFFFF;
	(pc) =	sbr.abs _section_cstart, $3  }
0xcf: {  	[dreg:$0x1] =	wrdreg $0xFFFFFFFF  }
0xd0: {  	_ =	task.clear_ibuf [dreg:s22], $0x2FFFF;
	_ =	strace $0x9FFFFFFF  }
0xd1: {  	(tm) =	ssettm $0x7FFFFFFF  }
tec
execute0_lowered:
.L_overlay_start_1:
0x0: {  	(tag) =	ssettag $0x1  }
0x1: {  	s0 =	rddreg [dreg:$0x0]  }
0x2: {  	s1 =	rddreg [dreg:$0x1];
	s3 =	simm.s32 $0x0  }
0x3: {  	s15 =	stileid.u32;
	s2 =	srdreg.scid;
	s17 =	simm.s32 $0x80  }
0x4: {  	s18 =	simm.s32 $0x4F00;
	s19 =	simm.s32 $0x7700;
	s21 =	simm.s32 $0x9F00  }
0x5: {  	s23 =	simm.s32 $0xC700;
	s24 =	simm.s32 $0x1;
	s28 =	simm.s32 $0x4  }
0x6: {  	s29 =	simm.s32 $0x5;
	s30 =	simm.s32 $0x6;
	s31 =	simm.s32 $0x7  }
0x7: {  	s22 =	simm.s32 $0x0;
	[smem:$0x7FF] =	sst s3;
	s4 =	sadd.s32 $0x51A00, s0  }
0x8: {  	s5 =	smul.u32 $0xC580, s15;
	s2 =	sand.u32 $0x1, s2;
	s10 =	sadd.s32 $0xCA00, s0  }
0x9: {  	s11 =	sadd.s32 $0x2C00, s0;
	s9 =	sshll.u32 s15, $0x1;
	_ =	strace $0x8000004A  }
0xa: {  	s6 =	ssub.s32 $0x2, s2;
	s25 =	sor.u32 s2, s9;
	p0 =	seq.s32 s2, $0x1  }
0xb: {  	s2 =	simm.s32 $0x82E00;
	s7 =	sshrl.u32 s5, $0x3;
	s8 =	sshrl.u32 s6, $0x1  }
0xc: {  	s14 =	sadd.s32 s5, s1;
	s5 =	sshll.u32 s15, $0x6;
	s9 =	smul.u32 $0x4E0, s25  }
0xd: {  	s13 =	sshll.u32 s25, $0x4;
	s2 =	simm.s32 @!p0 $0x9BA00;
	p0 =	sgt.u32 s15, $0x1  }
0xe: {  	s15 =	simm.s32 $0xA;
	s25 =	simm.s32 $0x2;
	s0 =	sadd.s32 s7, s0  }
0xf: {  	s12 =	ssub.s32 s6, s8;
	s7 =	sor.u32 $0x1C01, s5;
	s13 =	sor.u32 $0x9C00, s13  }
0x10: {  	s14 =	sshrl.u32 s14, $0x3;
	s26 =	sadd.s32 $0x6A200, s0;
	s8 =	sadd.s32 s10, s9  }
0x11: {  	s9 =	sadd.s32 s11, s9;
	s10 =	sadd.s32 s10, s13;
	s11 =	sadd.s32 s11, s13  }
0x12: {  	s12 =	smax.u32 s12, $0x1;
	s13 =	sadd.s32 s2, s0;
	s0 =	simm.s32 $0x8  }
0x13: {  	s2 =	simm.s32 $0x9;
	[dreg:$0x3] =	wrdreg s26;
	s26 =	simm.s32 $0x3  }
.LBB2_1:
0x14: {  	s6 =	rddreg [dreg:$0x3]  }
0x15: {  	[spmem:s14], [sflag:s7] =	dma.local [hbm:s6], $0x18B0  }
0x16: {  	[tilespmem:s3], [sflag:$0xA] =	stream.linear.gather [hbm4b:s8+s3], $0x2700, $0x38;
	[tilespmem:$0x1B480] =	vst v63  }
0x17: {  	_ =	swait.ge [sflag:s15], $0x2700  }
0x18: {  	[sflag:s15] =	ssyncset.done $0x0  }
0x19: {  	s16 =	simm.s32 $0x2780;
	[sflag:s15] =	ssyncadd.s32 $0xFFFFD900  }
0x1a: {  	[tilespmem:s16], [sflag:$0xA] =	stream.linear.gather [hbm4b:s9+s3], $0x2700, $0x38;
	[tilespmem:$0x1B480] =	vst v63  }
0x1b: {  	_ =	swait.ge [sflag:s15], $0x2700  }
0x1c: {  	[sflag:s15] =	ssyncset.done $0x0  }
0x1d: {  	s20 =	simm.s32 @!p0 $0x2700;
	s16 =	simm.s32 @!p0 $0x0;
	[sflag:s15] =	ssyncadd.s32 $0xFFFFD900  }
0x1e: {  	[tilespmem:s20], [sflag:$0xA] =	stream.linear.gather @!p0 [hbm4b:s10+s16], $0x80, $0x38;
	[tilespmem:$0x1B480] =	vst v63  }
0x1f: {  	s20 =	simm.s32 @!p0 $0xA  }
0x20: {  	_ =	swait.ge @!p0 [sflag:s20], $0x80  }
0x21: {  	[sflag:s20] =	ssyncset.done @!p0 $0x0  }
0x22: {  	s6 =	simm.s32 @!p0 $0x4E80;
	[sflag:s20] =	ssyncadd.s32 @!p0 $0xFFFFFF80  }
0x23: {  	[tilespmem:s6], [sflag:$0xA] =	stream.linear.gather @!p0 [hbm4b:s11+s16], $0x80, $0x38;
	[tilespmem:$0x1B480] =	vst v63  }
0x24: {  	_ =	swait.ge @!p0 [sflag:s20], $0x80  }
0x25: {  	[sflag:s20] =	ssyncset.done @!p0 $0x0  }
0x26: {  	[sflag:s20] =	ssyncadd.s32 @!p0 $0xFFFFFF80  }
0x27: {  	[tilespmem:s18], [sflag:$0x2] =	stream.indirect.gather [hbm4b:s4+s17], $0x50, s3, s17, $0xb8;
	[tilespmem:$0x1B480] =	vst v63  }
0x28: {  	_ = 	snop  }
0x29: {  	[tilespmem:s19], [sflag:$0x3] =	stream.indirect.gather [hbm4b:s4+s17], $0x50, s17, s17, $0xb8;
	[tilespmem:$0x1B480] =	vst v63  }
0x2a: {  	s20 =	simm.s32 $0x100  }
0x2b: {  	[tilespmem:s21], [sflag:$0x4] =	stream.indirect.gather [hbm4b:s4+s17], $0x50, s20, s17, $0xb8;
	[tilespmem:$0x1B480] =	vst v63  }
0x2c: {  	s16 =	simm.s32 $0x180  }
0x2d: {  	[tilespmem:s23], [sflag:$0x5] =	stream.indirect.gather [hbm4b:s4+s17], $0x50, s16, s17, $0xb8;
	[tilespmem:$0x1B480] =	vst v63  }
0x2e: {  	_ =	swait.ge [sflag:s24], $0x18B0  }
0x2f: {  	[sflag:s24] =	ssyncset.done $0x0  }
0x30: {  	[sflag:s24] =	ssyncadd.s32 $0xFFFFE750  }
0x31: {  	[bflag:$0x0] =	sbarrier.arrive $0xFFFF  }
0x32: {  	_ =	swait.ge [sflag:s25], $0x2800  }
0x33: {  	[sflag:s25] =	ssyncset.done $0x0  }
0x34: {  	s20 =	simm.s32 $0x2780;
	[sflag:s25] =	ssyncadd.s32 $0xFFFFD800  }
0x35: {  	[spmem:s1] =	stream.indirect.scatter.add.f32 [tilespmem:s18], [sflag:$0x6], $0x50, s20, s17, $0xb8;
	[tilespmem:$0x1B480] =	vst v63  }
0x36: {  	_ =	swait.ge [sflag:s26], $0x2800  }
0x37: {  	[sflag:s26] =	ssyncset.done $0x0  }
0x38: {  	s16 =	simm.s32 $0x2800;
	[sflag:s26] =	ssyncadd.s32 $0xFFFFD800  }
0x39: {  	[spmem:s1] =	stream.indirect.scatter.add.f32 [tilespmem:s19], [sflag:$0x7], $0x50, s16, s17, $0xb8;
	[tilespmem:$0x1B480] =	vst v63  }
0x3a: {  	_ =	swait.ge [sflag:s28], $0x2800  }
0x3b: {  	[sflag:s28] =	ssyncset.done $0x0  }
0x3c: {  	s20 =	simm.s32 $0x2880;
	[sflag:s28] =	ssyncadd.s32 $0xFFFFD800  }
0x3d: {  	[spmem:s1] =	stream.indirect.scatter.add.f32 [tilespmem:s21], [sflag:$0x8], $0x50, s20, s17, $0xb8;
	[tilespmem:$0x1B480] =	vst v63  }
0x3e: {  	_ =	swait.ge [sflag:s29], $0x2800  }
0x3f: {  	[sflag:s29] =	ssyncset.done $0x0  }
0x40: {  	s16 =	simm.s32 $0x2900;
	[sflag:s29] =	ssyncadd.s32 $0xFFFFD800  }
0x41: {  	[spmem:s1] =	stream.indirect.scatter.add.f32 [tilespmem:s23], [sflag:$0x9], $0x50, s16, s17, $0xb8;
	[tilespmem:$0x1B480] =	vst v63  }
0x42: {  	_ =	swait.ge [sflag:s30], $0x2800  }
0x43: {  	[sflag:s30] =	ssyncset.done $0x0  }
0x44: {  	s20 =	simm.s32 $0x200;
	[sflag:s30] =	ssyncadd.s32 $0xFFFFD800  }
0x45: {  	[tilespmem:s18], [sflag:$0x2] =	stream.indirect.gather [hbm4b:s4+s17], $0x50, s20, s17, $0xb8;
	[tilespmem:$0x1B480] =	vst v63  }
0x46: {  	_ =	swait.ge [sflag:s31], $0x2800  }
0x47: {  	[sflag:s31] =	ssyncset.done $0x0  }
0x48: {  	s16 =	simm.s32 $0x280;
	[sflag:s31] =	ssyncadd.s32 $0xFFFFD800  }
0x49: {  	[tilespmem:s19], [sflag:$0x3] =	stream.indirect.gather [hbm4b:s4+s17], $0x50, s16, s17, $0xb8;
	[tilespmem:$0x1B480] =	vst v63  }
0x4a: {  	_ =	swait.ge [sflag:s0], $0x2800  }
0x4b: {  	[sflag:s0] =	ssyncset.done $0x0  }
0x4c: {  	s20 =	simm.s32 $0x300;
	[sflag:s0] =	ssyncadd.s32 $0xFFFFD800  }
0x4d: {  	[tilespmem:s21], [sflag:$0x4] =	stream.indirect.gather [hbm4b:s4+s17], $0x50, s20, s17, $0xb8;
	[tilespmem:$0x1B480] =	vst v63  }
0x4e: {  	_ =	swait.ge [sflag:s2], $0x2800  }
0x4f: {  	[sflag:s2] =	ssyncset.done $0x0  }
0x50: {  	s16 =	simm.s32 $0x800;
	s20 =	simm.s32 $0x380;
	[sflag:s2] =	ssyncadd.s32 $0xFFFFD800  }
.LBB2_2:
0x51: {  	[tilespmem:s23], [sflag:$0x5] =	stream.indirect.gather [hbm4b:s4+s17], $0x50, s20, s17, $0xb8;
	[tilespmem:$0x1B480] =	vst v63  }
0x52: {  	s6 =	smov.u32 s16  }
0x53: {  	p1 =	sne.s32 s16, $0x8800;
	s16 =	sadd.s32 $0x800, s16;
	_ =	swait.ge [sflag:s25], $0x2800  }
0x54: {  	s20 =	sshra.s32 s6, $0x2;
	[sflag:s25] =	ssyncset.done $0x0  }
0x55: {  	s6 =	sadd.s32 $0x2780, s20;
	[sflag:s25] =	ssyncadd.s32 $0xFFFFD800  }
0x56: {  	[spmem:s1] =	stream.indirect.scatter.add.f32 [tilespmem:s18], [sflag:$0x6], $0x50, s6, s17, $0xb8;
	[tilespmem:$0x1B480] =	vst v63  }
0x57: {  	_ =	swait.ge [sflag:s26], $0x2800  }
0x58: {  	[sflag:s26] =	ssyncset.done $0x0  }
0x59: {  	s6 =	sadd.s32 $0x2800, s20;
	[sflag:s26] =	ssyncadd.s32 $0xFFFFD800  }
0x5a: {  	[spmem:s1] =	stream.indirect.scatter.add.f32 [tilespmem:s19], [sflag:$0x7], $0x50, s6, s17, $0xb8;
	[tilespmem:$0x1B480] =	vst v63  }
0x5b: {  	_ =	swait.ge [sflag:s28], $0x2800  }
0x5c: {  	[sflag:s28] =	ssyncset.done $0x0  }
0x5d: {  	s6 =	sadd.s32 $0x2880, s20;
	[sflag:s28] =	ssyncadd.s32 $0xFFFFD800  }
0x5e: {  	[spmem:s1] =	stream.indirect.scatter.add.f32 [tilespmem:s21], [sflag:$0x8], $0x50, s6, s17, $0xb8;
	[tilespmem:$0x1B480] =	vst v63  }
0x5f: {  	_ =	swait.ge [sflag:s29], $0x2800  }
0x60: {  	[sflag:s29] =	ssyncset.done $0x0  }
0x61: {  	s6 =	sadd.s32 $0x2900, s20;
	[sflag:s29] =	ssyncadd.s32 $0xFFFFD800  }
0x62: {  	[spmem:s1] =	stream.indirect.scatter.add.f32 [tilespmem:s23], [sflag:$0x9], $0x50, s6, s17, $0xb8;
	[tilespmem:$0x1B480] =	vst v63  }
0x63: {  	_ =	swait.ge [sflag:s30], $0x2800  }
0x64: {  	[sflag:s30] =	ssyncset.done $0x0  }
0x65: {  	s6 =	sadd.s32 $0x200, s20;
	[sflag:s30] =	ssyncadd.s32 $0xFFFFD800  }
0x66: {  	[tilespmem:s18], [sflag:$0x2] =	stream.indirect.gather [hbm4b:s4+s17], $0x50, s6, s17, $0xb8;
	[tilespmem:$0x1B480] =	vst v63  }
0x67: {  	_ =	swait.ge [sflag:s31], $0x2800  }
0x68: {  	[sflag:s31] =	ssyncset.done $0x0  }
0x69: {  	s6 =	sadd.s32 $0x280, s20;
	[sflag:s31] =	ssyncadd.s32 $0xFFFFD800  }
0x6a: {  	[tilespmem:s19], [sflag:$0x3] =	stream.indirect.gather [hbm4b:s4+s17], $0x50, s6, s17, $0xb8;
	[tilespmem:$0x1B480] =	vst v63  }
0x6b: {  	_ =	swait.ge [sflag:s0], $0x2800  }
0x6c: {  	[sflag:s0] =	ssyncset.done $0x0  }
.Ltmp0:
0x6d: {  	s6 =	sadd.s32 $0x300, s20;
	[sflag:s0] =	ssyncadd.s32 $0xFFFFD800;
	(pc) =	sbr.rel @p1 .LBB2_2-.Ltmp0, $4  }
0x6e: {  	[tilespmem:s21], [sflag:$0x4] =	stream.indirect.gather [hbm4b:s4+s17], $0x50, s6, s17, $0xb8;
	[tilespmem:$0x1B480] =	vst v63  }
0x6f: {  	_ =	swait.ge [sflag:s2], $0x2800  }
0x70: {  	[sflag:s2] =	ssyncset.done $0x0  }
0x71: {  	s20 =	sadd.s32 $0x380, s20;
	[sflag:s2] =	ssyncadd.s32 $0xFFFFD800  }
0x72: {  	[tilespmem:s23], [sflag:$0x5] =	stream.indirect.gather [hbm4b:s4+s17], $0x50, s20, s17, $0xb8;
	[tilespmem:$0x1B480] =	vst v63  }
0x73: {  	_ =	swait.ge [sflag:s25], $0x2800  }
0x74: {  	[sflag:s25] =	ssyncset.done $0x0  }
0x75: {  	s6 =	simm.s32 $0x4B80;
	[sflag:s25] =	ssyncadd.s32 $0xFFFFD800  }
0x76: {  	[spmem:s1] =	stream.indirect.scatter.add.f32 [tilespmem:s18], [sflag:$0x6], $0x50, s6, s17, $0xb8;
	[tilespmem:$0x1B480] =	vst v63  }
0x77: {  	_ =	swait.ge [sflag:s26], $0x2800  }
0x78: {  	[sflag:s26] =	ssyncset.done $0x0  }
0x79: {  	s16 =	simm.s32 $0x4C00;
	[sflag:s26] =	ssyncadd.s32 $0xFFFFD800  }
0x7a: {  	[spmem:s1] =	stream.indirect.scatter.add.f32 [tilespmem:s19], [sflag:$0x7], $0x50, s16, s17, $0xb8;
	[tilespmem:$0x1B480] =	vst v63  }
0x7b: {  	_ =	swait.ge [sflag:s28], $0x2800  }
0x7c: {  	[sflag:s28] =	ssyncset.done $0x0  }
0x7d: {  	s20 =	simm.s32 $0x4C80;
	[sflag:s28] =	ssyncadd.s32 $0xFFFFD800  }
0x7e: {  	[spmem:s1] =	stream.indirect.scatter.add.f32 [tilespmem:s21], [sflag:$0x8], $0x50, s20, s17, $0xb8;
	[tilespmem:$0x1B480] =	vst v63  }
0x7f: {  	_ =	swait.ge [sflag:s29], $0x2800  }
0x80: {  	[sflag:s29] =	ssyncset.done $0x0  }
0x81: {  	s16 =	simm.s32 $0x4D00;
	[sflag:s29] =	ssyncadd.s32 $0xFFFFD800  }
0x82: {  	[spmem:s1] =	stream.indirect.scatter.add.f32 [tilespmem:s23], [sflag:$0x9], $0x50, s16, s17, $0xb8;
	[tilespmem:$0x1B480] =	vst v63  }
0x83: {  	_ =	swait.ge [sflag:s30], $0x2800  }
0x84: {  	[sflag:s30] =	ssyncset.done $0x0  }
0x85: {  	[sflag:s30] =	ssyncadd.s32 $0xFFFFD800  }
0x86: {  	_ =	swait.ge [sflag:s31], $0x2800  }
0x87: {  	[sflag:s31] =	ssyncset.done $0x0  }
0x88: {  	[sflag:s31] =	ssyncadd.s32 $0xFFFFD800  }
0x89: {  	_ =	swait.ge [sflag:s0], $0x2800  }
0x8a: {  	[sflag:s0] =	ssyncset.done $0x0  }
0x8b: {  	[sflag:s0] =	ssyncadd.s32 $0xFFFFD800  }
0x8c: {  	_ =	swait.ge [sflag:s2], $0x2800  }
0x8d: {  	[sflag:s2] =	ssyncset.done $0x0  }
0x8e: {  	s20 =	simm.s32 $0x2600;
	[sflag:s2] =	ssyncadd.s32 $0xFFFFD800  }
0x8f: {  	[tilespmem:s18], [sflag:$0x2] =	stream.indirect.gather [hbm4b:s4+s17], $0x50, s20, s17, $0xb8;
	[tilespmem:$0x1B480] =	vst v63  }
0x90: {  	s16 =	simm.s32 $0x2680  }
0x91: {  	[tilespmem:s19], [sflag:$0x3] =	stream.indirect.gather [hbm4b:s4+s17], $0x50, s16, s17, $0xb8;
	[tilespmem:$0x1B480] =	vst v63  }
0x92: {  	_ =	swait.ge [sflag:s25], $0x2800  }
0x93: {  	[sflag:s25] =	ssyncset.done $0x0  }
0x94: {  	s20 =	simm.s32 $0x4D80;
	[sflag:s25] =	ssyncadd.s32 $0xFFFFD800  }
0x95: {  	[spmem:s1] =	stream.indirect.scatter.add.f32 [tilespmem:s18], [sflag:$0xA], $0x50, s20, s17, $0xb8;
	[tilespmem:$0x1B480] =	vst v63  }
0x96: {  	_ =	swait.ge [sflag:s15], $0x2800  }
0x97: {  	[sflag:s15] =	ssyncset.done $0x0  }
0x98: {  	[sflag:s15] =	ssyncadd.s32 $0xFFFFD800  }
0x99: {  	_ =	swait.ge [sflag:s26], $0x2800  }
0x9a: {  	[sflag:s26] =	ssyncset.done $0x0  }
0x9b: {  	s16 =	simm.s32 $0x4E00;
	[sflag:s26] =	ssyncadd.s32 $0xFFFFD800  }
0x9c: {  	[spmem:s1] =	stream.indirect.scatter.add.f32 [tilespmem:s19], [sflag:$0xA], $0x50, s16, s17, $0xb8;
	[tilespmem:$0x1B480] =	vst v63  }
0x9d: {  	_ =	swait.ge [sflag:s15], $0x2800  }
0x9e: {  	s6 =	simm.s32 @!p0 $0x80;
	[sflag:s15] =	ssyncset.done $0x0  }
0x9f: {  	s20 =	simm.s32 @!p0 $0x4F00;
	s16 =	simm.s32 @!p0 $0x2700;
	[sflag:s15] =	ssyncadd.s32 $0xFFFFD800  }
0xa0: {  	[tilespmem:s20], [sflag:$0x2] =	stream.indirect.gather @!p0 [hbm4b:s4+s6], $0x50, s16, s6, $0xb8;
	[tilespmem:$0x1B480] =	vst v63  }
0xa1: {  	s16 =	simm.s32 @!p0 $0x2  }
0xa2: {  	_ =	swait.ge @!p0 [sflag:s16], $0x2800  }
0xa3: {  	[sflag:s16] =	ssyncset.done @!p0 $0x0  }
0xa4: {  	[sflag:s16] =	ssyncadd.s32 @!p0 $0xFFFFD800;
	s16 =	simm.s32 @!p0 $0x4E80  }
0xa5: {  	[spmem:s1] =	stream.indirect.scatter.add.f32 @!p0 [tilespmem:s20], [sflag:$0xA], $0x50, s16, s6, $0xb8;
	[tilespmem:$0x1B480] =	vst v63  }
0xa6: {  	s6 =	simm.s32 @!p0 $0xA  }
0xa7: {  	_ =	swait.ge @!p0 [sflag:s6], $0x2800  }
0xa8: {  	s22 =	sadd.s32 $0x1, s22;
	[sflag:s6] =	ssyncset.done @!p0 $0x0  }
0xa9: {  	p1 =	sne.s32 s22, s12;
	[sflag:s6] =	ssyncadd.s32 @!p0 $0xFFFFD800  }
.Ltmp1:
0xaa: {  	s20 =	sor.u32 $0x1C0A, s5;
	[bflag:$0x0] =	sbarrier.arrive $0xFFFF;
	(pc) =	sbr.rel @p1 .LBB2_1-.Ltmp1, $4  }
0xab: {  	[hbm:s13], [sflag:s20] =	dma.local [spmem:s14], $0x18B0  }
0xac: {  	_ =	swait.ge [sflag:s15], $0x18B0  }
0xad: {  	[sflag:s15] =	ssyncset.done $0x0  }
0xae: {  	[sflag:s15] =	ssyncadd.s32 $0xFFFFE750  }
0xaf: {  	_ =	sfence.sel $0x180000  }
0xb0: {  	[bflag:$0x0] =	sbarrier.arrive $0xFFFF  }
0xb1: {  	_ =	strace $0x9000004A  }
0xb2: {  	s0 =	stileid.u32;
	[bflag:$0x2] =	sbarrier.arrive $0xFFFF  }
0xb3: {  	p0 =	sne.s32 s0, $0x0;
	s0 =	rddreg [dreg:$0x2]  }
0xb4: {  	s0 =	sadd.s32 @!p0 $0x100000, s0  }
0xb5: {  	[sflag:s0] =	ssyncadd.tile.s32 @!p0 $0x1;
	_ =	shalt  }
.Lfunc_end2:
_tile_overlayer_lowered:
.L_overlay_start_2:
0xb6: {  	(tag) =	ssettag $0x2  }
0xb7: {  	s0 =	rddreg [dreg:$0x0];
	s2 =	stileid.u32  }
0xb8: {  	s1 =	rddreg [dreg:$0x1];
	p0 =	sne.s32 s2, $0x0  }
0xb9: {  	s3 =	rddreg [dreg:$0x2];
	[bflag:$0x3] =	sbarrier.arrive $0xFFFF;
	s2 =	simm.s32 @!p0 $0x1C0A  }
0xba: {  	[timem:s3], [sflag:s2] =	dma.local @!p0 [hbm:s0], s1  }
0xbb: {  	s0 =	simm.s32 @!p0 $0xA  }
0xbc: {  	_ =	swait.ge @!p0 [sflag:s0], s1  }
0xbd: {  	s1 =	ssub.s32 @!p0 $0x0, s1;
	[sflag:s0] =	ssyncset.done @!p0 $0x0  }
0xbe: {  	[sflag:s0] =	ssyncadd.s32 @!p0 s1  }
0xbf: {  	[bflag:$0x3] =	sbarrier.arrive $0xFFFF  }
0xc0: {  	_ =	shalt  }

</sc_bundles>
